<compile_context>
chip_gen: v7x
topology: tpu7x:2x2x1
jax: 0.10.2.dev20260603
libtpu: 0.0.44.dev20260713+nightly
codegen_flags: <defaults>
</compile_context>

<pallas_src>
import functools

import jax
import jax.numpy as jnp
from jax import lax
from jax.experimental import pallas as pl
from jax.experimental.pallas import tpu as pltpu
from jax.experimental.pallas import tpu_sc as plsc

_N, _E, _D = 10000, 320000, 128
_NC, _NS = 2, 16
_NW = _NC * _NS
_CH = 120
_CPW = 84
_EPW = _CH * _CPW
_E_PAD = _NW * _EPW
_N_PAD = 10240
_RPS = _N_PAD // _NS


def _sc_gather_segsum(x, eidx):
    mesh = plsc.VectorSubcoreMesh(
        core_axis_name="c", subcore_axis_name="s",
        num_cores=_NC, num_subcores=_NS)

    @functools.partial(
        pl.kernel,
        out_type=(jax.ShapeDtypeStruct((_NC, _N_PAD, _D), jnp.float32),
                  jax.ShapeDtypeStruct((_NC, _N_PAD), jnp.float32)),
        mesh=mesh,
        scratch_types=(
            [
                pltpu.VMEM_SHARED((_N_PAD, _D), jnp.float32),
                pltpu.VMEM_SHARED((_N_PAD,), jnp.float32),
                pltpu.VMEM((_CH,), jnp.float32),
            ]
            + [pltpu.VMEM((_CH, _D), jnp.float32)] * 3
            + [pltpu.VMEM((2, _CH), jnp.int32)] * 4
            + [pltpu.SemaphoreType.DMA] * 3
            + [pltpu.SemaphoreType.DMA] * 3
            + [pltpu.SemaphoreType.DMA] * 3
            + [pltpu.SemaphoreType.DMA] * 4
        ))
    def k(x_hbm, e_hbm, acc_out, deg_out, acc_sh, deg_sh, ones_v, *bufs):
        rows = list(bufs[0:3])
        ei = list(bufs[3:7])
        semg = list(bufs[7:10])
        sems = list(bufs[10:13])
        semd = list(bufs[13:16])
        semi = list(bufs[16:20])

        cid = lax.axis_index("c")
        sid = lax.axis_index("s")
        wid = sid * _NC + cid
        cbase = wid * _CPW

        zero16 = jnp.zeros((16,), jnp.float32)
        one16 = jnp.ones((16,), jnp.float32)

        pltpu.async_copy(e_hbm.at[cbase], ei[0], semi[0])
        pltpu.async_copy(e_hbm.at[cbase + 1], ei[1], semi[1])

        def fill_ones(i, carry):
            ones_v[pl.ds(i * 16, 16)] = one16
            return carry
        lax.fori_loop(0, 128 // 16, fill_ones, 0)

        def fill_zero(i, carry):
            rows[0][i // (_D // 16), pl.ds((i % (_D // 16)) * 16, 16)] = zero16
            return carry
        lax.fori_loop(0, _CH * (_D // 16), fill_zero, 0)

        rbase = sid * _RPS

        def zero_acc(j, carry):
            pltpu.sync_copy(rows[0], acc_sh.at[pl.ds(rbase + j * _CH, _CH)])
            pltpu.sync_copy(rows[0].at[0, pl.ds(0, _CH)],
                            deg_sh.at[pl.ds(rbase + j * _CH, _CH)])
            return carry
        lax.fori_loop(0, _RPS // _CH, zero_acc, 0)
        tail = _RPS - (_RPS // _CH) * _CH
        if tail:
            pltpu.sync_copy(rows[0].at[pl.ds(0, tail)],
                            acc_sh.at[pl.ds(rbase + _RPS - tail, tail)])
            pltpu.sync_copy(rows[0].at[0, pl.ds(0, tail)],
                            deg_sh.at[pl.ds(rbase + _RPS - tail, tail)])

        plsc.subcore_barrier()

        def wait_rows(sem, buf):
            pltpu.make_async_copy(x_hbm.at[pl.ds(0, _CH)], buf, sem).wait()

        def wait_deg(sem):
            pltpu.make_async_copy(x_hbm.at[0, pl.ds(0, _CH)],
                                  ones_v.at[pl.ds(0, _CH)], sem).wait()

        def wait_idx(q):
            pltpu.make_async_copy(e_hbm.at[0], ei[q], semi[q]).wait()

        wait_idx(0)
        pltpu.async_copy(x_hbm.at[ei[0].at[0]], rows[0], semg[0])

        nI = _CPW // 12

        def outer(i, carry):
            for b12 in range(12):
                c = i * 12 + b12
                r = b12 % 3
                r1 = (b12 + 1) % 3
                q = b12 % 4
                q1 = (b12 + 1) % 4
                q2 = (b12 + 2) % 4

                def wait_prev_scatter():
                    wait_rows(sems[r1], rows[r1])
                    wait_deg(semd[r1])
                if b12 >= 2:
                    wait_prev_scatter()
                else:
                    pl.when(i > 0)(wait_prev_scatter)

                def prefetch_idx():
                    pltpu.async_copy(e_hbm.at[cbase + c + 2], ei[q2], semi[q2])
                if b12 < 10:
                    prefetch_idx()
                else:
                    pl.when(i < nI - 1)(prefetch_idx)

                def gather_next():
                    wait_idx(q1)
                    pltpu.async_copy(x_hbm.at[ei[q1].at[0]], rows[r1],
                                     semg[r1])
                if b12 < 11:
                    gather_next()
                else:
                    pl.when(i < nI - 1)(gather_next)

                wait_rows(semg[r], rows[r])
                pltpu.async_copy(rows[r], acc_sh.at[ei[q].at[1]], sems[r],
                                 add=True)
                pltpu.async_copy(ones_v.at[pl.ds(0, _CH)],
                                 deg_sh.at[ei[q].at[1]], semd[r], add=True)
            return carry
        lax.fori_loop(0, nI, outer, 0)

        for cc in (_CPW - 2, _CPW - 1):
            wait_rows(sems[cc % 3], rows[cc % 3])
            wait_deg(semd[cc % 3])

        plsc.subcore_barrier()

        pltpu.sync_copy(acc_sh.at[pl.ds(rbase, _RPS)],
                        acc_out.at[cid, pl.ds(rbase, _RPS)])
        pltpu.sync_copy(deg_sh.at[pl.ds(rbase, _RPS)],
                        deg_out.at[cid, pl.ds(rbase, _RPS)])

    return k(x, eidx)


def _tc_self(x, W_self, b2):
    bn = 2048
    g = (_N + bn - 1) // bn

    def body(x_ref, ws_ref, b_ref, o_ref):
        o_ref[...] = jnp.dot(x_ref[...], ws_ref[...],
                             preferred_element_type=jnp.float32) + b_ref[...]

    return pl.pallas_call(
        body,
        grid=(g,),
        in_specs=[
            pl.BlockSpec((bn, _D), lambda i: (i, 0)),
            pl.BlockSpec((_D, _D), lambda i: (0, 0)),
            pl.BlockSpec((1, _D), lambda i: (0, 0)),
        ],
        out_specs=pl.BlockSpec((bn, _D), lambda i: (i, 0)),
        out_shape=jax.ShapeDtypeStruct((_N, _D), jnp.float32),
    )(x, W_self, b2)


def _tc_combine(s, parts, degsum, W_neigh):
    bn = 2048
    g = (_N + bn - 1) // bn

    def body(s_ref, p0_ref, p1_ref, d_ref, wn_ref, o_ref):
        deg = jnp.maximum(d_ref[...], 1.0)
        h = (p0_ref[0] + p1_ref[0]) / deg[:, None]
        out = s_ref[...] + jnp.dot(h, wn_ref[...],
                                   preferred_element_type=jnp.float32)
        o_ref[...] = jnp.maximum(out, 0.0)

    return pl.pallas_call(
        body,
        grid=(g,),
        in_specs=[
            pl.BlockSpec((bn, _D), lambda i: (i, 0)),
            pl.BlockSpec((1, bn, _D), lambda i: (0, i, 0)),
            pl.BlockSpec((1, bn, _D), lambda i: (1, i, 0)),
            pl.BlockSpec((bn,), lambda i: (i,)),
            pl.BlockSpec((_D, _D), lambda i: (0, 0)),
        ],
        out_specs=pl.BlockSpec((bn, _D), lambda i: (i, 0)),
        out_shape=jax.ShapeDtypeStruct((_N, _D), jnp.float32),
    )(s, parts, parts, degsum, W_neigh)


def kernel(x, edge_index, W_self, W_neigh, b):
    src = edge_index[0]
    dst = edge_index[1]
    npad = _E_PAD - _E
    pad_iota = jnp.arange(npad, dtype=jnp.int32)
    src_p = jnp.concatenate([src, pad_iota % _N])
    dst_p = jnp.concatenate([dst, _N + pad_iota % (_N_PAD - _N)])
    eidx = jnp.stack([src_p.reshape(-1, _CH), dst_p.reshape(-1, _CH)], axis=1)
    acc, deg = _sc_gather_segsum(x, eidx)
    s = _tc_self(x, W_self, b.reshape(1, _D))
    return _tc_combine(s, acc, deg[0] + deg[1], W_neigh)

# --- scband reference (transcript-rebuilt; emitter-appended) ---
"""Pipeline reference for scband-generalised-layer-77704548319897 (READ-ONLY COPY).

The authoritative reference and input builder live on the scoring server;
editing this copy changes nothing except your own understanding.
"""

import jax, jax.numpy as jnp
import numpy as np

N, E, D_IN, D_OUT = 10000, 320000, 128, 128

def setup_inputs(seed: int = 0) -> dict:
    key = jax.random.key(seed)
    k1, k2, k3, k4, k5 = jax.random.split(key, 5)
    x = jax.random.normal(k1, (N, D_IN), dtype=jnp.float32)
    edge_index = jax.random.randint(k2, (2, E), 0, N, dtype=jnp.int32)
    scale = 1.0 / np.sqrt(D_IN)
    W_self = jax.random.normal(k3, (D_IN, D_OUT), dtype=jnp.float32) * scale
    W_neigh = jax.random.normal(k4, (D_IN, D_OUT), dtype=jnp.float32) * scale
    b = jax.random.normal(k5, (D_OUT,), dtype=jnp.float32) * 0.01
    return {"x": x, "edge_index": edge_index, "W_self": W_self, "W_neigh": W_neigh, "b": b}

def reference(x, edge_index, W_self, W_neigh, b):
    # GeneralisedLayer with dglnn.SAGEConv(mean) -> ReLU -> Dropout(p=0.0, eval = identity)
    src = edge_index[0]
    dst = edge_index[1]
    msg = jnp.take(x, src, axis=0)                       # gather neighbor feats [E, D_IN]
    summed = jax.ops.segment_sum(msg, dst, num_segments=N)
    deg = jax.ops.segment_sum(jnp.ones((msg.shape[0],), x.dtype), dst, num_segments=N)
    h_neigh = summed / jnp.clip(deg, 1.0, None)[:, None]  # mean aggregation
    out = x @ W_self + h_neigh @ W_neigh + b              # fc_self + fc_neigh + bias
    return jax.nn.relu(out)

if __name__ == "__main__":
    import jax
    _d = setup_inputs()
    print(jax.jit(kernel)(*tuple(_d.values())))

</pallas_src>

<mosaic_0001>
#map = affine_map<(d0, d1) -> (0, 0)>
#map1 = affine_map<(d0, d1) -> (0, 0, 0)>
module attributes {stable_mosaic.version = 14 : i64} {
  func.func @k(%arg0: i32, %arg1: i32, %arg2: memref<10000x128xf32, #tpu.memory_space<hbm>>, %arg3: memref<2688x2x120xi32, #tpu.memory_space<hbm>>, %arg4: memref<2x10240x128xf32, #tpu.memory_space<hbm>>, %arg5: memref<2x10240xf32, #tpu.memory_space<hbm>>, %arg6: memref<10240x128xf32, #tpu.memory_space<vmem_shared>>, %arg7: memref<10240xf32, #tpu.memory_space<vmem_shared>>, %arg8: memref<120xf32, #tpu.memory_space<vmem>>, %arg9: memref<120x128xf32, #tpu.memory_space<vmem>>, %arg10: memref<120x128xf32, #tpu.memory_space<vmem>>, %arg11: memref<120x128xf32, #tpu.memory_space<vmem>>, %arg12: memref<2x120xi32, #tpu.memory_space<vmem>>, %arg13: memref<2x120xi32, #tpu.memory_space<vmem>>, %arg14: memref<2x120xi32, #tpu.memory_space<vmem>>, %arg15: memref<2x120xi32, #tpu.memory_space<vmem>>, %arg16: memref<!tpu.dma_semaphore, #tpu.memory_space<semaphore_mem>>, %arg17: memref<!tpu.dma_semaphore, #tpu.memory_space<semaphore_mem>>, %arg18: memref<!tpu.dma_semaphore, #tpu.memory_space<semaphore_mem>>, %arg19: memref<!tpu.dma_semaphore, #tpu.memory_space<semaphore_mem>>, %arg20: memref<!tpu.dma_semaphore, #tpu.memory_space<semaphore_mem>>, %arg21: memref<!tpu.dma_semaphore, #tpu.memory_space<semaphore_mem>>, %arg22: memref<!tpu.dma_semaphore, #tpu.memory_space<semaphore_mem>>, %arg23: memref<!tpu.dma_semaphore, #tpu.memory_space<semaphore_mem>>, %arg24: memref<!tpu.dma_semaphore, #tpu.memory_space<semaphore_mem>>, %arg25: memref<!tpu.dma_semaphore, #tpu.memory_space<semaphore_mem>>, %arg26: memref<!tpu.dma_semaphore, #tpu.memory_space<semaphore_mem>>, %arg27: memref<!tpu.dma_semaphore, #tpu.memory_space<semaphore_mem>>, %arg28: memref<!tpu.dma_semaphore, #tpu.memory_space<semaphore_mem>>) attributes {dimension_semantics = [#tpu.dimension_semantics<core_parallel>, #tpu.dimension_semantics<subcore_parallel>], iteration_bounds = array<i64: 2, 16>, scalar_prefetch = 0 : i64, scratch_operands = 23 : i64, tpu.core_type = #tpu.core_type<sc_vector_subcore>, window_params = [{transform_indices = #map}, {transform_indices = #map1}, {transform_indices = #map1}, {transform_indices = #map}]} {
    %mul3A = arith.constant 2 : i32
    %mul3A_0 = arith.muli %arg1, %mul3A : i32
    %add3A = arith.addi %mul3A_0, %arg0 : i32
    %mul3A_1 = arith.constant 84 : i32
    %mul3A_2 = arith.muli %add3A, %mul3A_1 : i32
    %broadcast_in_dim3A = arith.constant 0.000000e+00 : f32
    %broadcast_in_dim3A_3 = vector.broadcast %broadcast_in_dim3A : f32 to vector<16xf32>
    %broadcast_in_dim3A_4 = arith.constant 1.000000e+00 : f32
    %broadcast_in_dim3A_5 = vector.broadcast %broadcast_in_dim3A_4 : f32 to vector<16xf32>
    %dma_start3A = arith.constant 0 : i32
    %dma_start3A_6 = arith.constant 0 : i32
    %dma_start3A_7 = tpu.memref_slice %arg3[%mul3A_2, %dma_start3A, %dma_start3A_6] : memref<2688x2x120xi32, #tpu.memory_space<hbm>> -> memref<1x2x120xi32, #tpu.memory_space<hbm>>
    %dma_start3A_8 = tpu.memref_squeeze %dma_start3A_7 : memref<1x2x120xi32, #tpu.memory_space<hbm>> -> memref<2x120xi32, #tpu.memory_space<hbm>>
    %dma_start3A_9 = arith.constant 0 : i32
    %dma_start3A_10 = arith.constant 0 : i32
    %dma_start3A_11 = tpu.memref_slice %arg3[%mul3A_2, %dma_start3A_9, %dma_start3A_10] : memref<2688x2x120xi32, #tpu.memory_space<hbm>> -> memref<1x2x120xi32, #tpu.memory_space<hbm>>
    %dma_start3A_12 = tpu.memref_squeeze %dma_start3A_11 : memref<1x2x120xi32, #tpu.memory_space<hbm>> -> memref<2x120xi32, #tpu.memory_space<hbm>>
    tpu.enqueue_dma source(%dma_start3A_12 : memref<2x120xi32, #tpu.memory_space<hbm>>) target(%arg12 : memref<2x120xi32, #tpu.memory_space<vmem>>) target_semaphore(%arg25 : memref<!tpu.dma_semaphore, #tpu.memory_space<semaphore_mem>>)
    %add3A_13 = arith.constant 1 : i32
    %add3A_14 = arith.addi %mul3A_2, %add3A_13 : i32
    %dma_start3A_15 = arith.constant 0 : i32
    %dma_start3A_16 = arith.constant 0 : i32
    %dma_start3A_17 = tpu.memref_slice %arg3[%add3A_14, %dma_start3A_15, %dma_start3A_16] : memref<2688x2x120xi32, #tpu.memory_space<hbm>> -> memref<1x2x120xi32, #tpu.memory_space<hbm>>
    %dma_start3A_18 = tpu.memref_squeeze %dma_start3A_17 : memref<1x2x120xi32, #tpu.memory_space<hbm>> -> memref<2x120xi32, #tpu.memory_space<hbm>>
    %dma_start3A_19 = arith.constant 0 : i32
    %dma_start3A_20 = arith.constant 0 : i32
    %dma_start3A_21 = tpu.memref_slice %arg3[%add3A_14, %dma_start3A_19, %dma_start3A_20] : memref<2688x2x120xi32, #tpu.memory_space<hbm>> -> memref<1x2x120xi32, #tpu.memory_space<hbm>>
    %dma_start3A_22 = tpu.memref_squeeze %dma_start3A_21 : memref<1x2x120xi32, #tpu.memory_space<hbm>> -> memref<2x120xi32, #tpu.memory_space<hbm>>
    tpu.enqueue_dma source(%dma_start3A_22 : memref<2x120xi32, #tpu.memory_space<hbm>>) target(%arg13 : memref<2x120xi32, #tpu.memory_space<vmem>>) target_semaphore(%arg26 : memref<!tpu.dma_semaphore, #tpu.memory_space<semaphore_mem>>)
    %scan3A = arith.constant 0 : i32
    %scan3A_23 = arith.constant 0 : i32
    %scan3A_24 = arith.constant 8 : i32
    %scan3A_25 = arith.addi %scan3A_23, %scan3A_24 : i32
    %scan3A_26 = arith.constant 1 : i32
    scf.for %scan3A_105 = %scan3A_23 to %scan3A_25 step %scan3A_26  : i32 {
      %mul3A_106 = arith.constant 16 : i32
      %mul3A_107 = arith.muli %scan3A_105, %mul3A_106 : i32
      %swap3A = arith.index_cast %mul3A_107 : i32 to index
      %swap3A_108 = tpu.vector_load %arg8[%swap3A] {strides = array<i32>} : memref<120xf32, #tpu.memory_space<vmem>>, vector<16xf32>,
      %swap3A_109 = vector.shape_cast %swap3A_108 : vector<16xf32> to vector<16xf32>
      %swap3A_110 = vector.shape_cast %broadcast_in_dim3A_5 : vector<16xf32> to vector<16xf32>
      tpu.vector_store %arg8[%swap3A], %swap3A_110 {strides = array<i32>} : memref<120xf32, #tpu.memory_space<vmem>>, vector<16xf32>,
    }
    %scan3A_27 = arith.constant 8 : i32
    %scan3A_28 = arith.constant 0 : i32
    %scan3A_29 = arith.constant 0 : i32
    %scan3A_30 = arith.constant 960 : i32
    %scan3A_31 = arith.addi %scan3A_29, %scan3A_30 : i32
    %scan3A_32 = arith.constant 1 : i32
    scf.for %scan3A_105 = %scan3A_29 to %scan3A_31 step %scan3A_32  : i32 {
      %jit3A = arith.constant 8 : i32
      %div3A = arith.divsi %scan3A_105, %jit3A : i32
      %sign3A = arith.constant 0 : i32
      %sign3A_106 = arith.cmpi sgt, %scan3A_105, %sign3A : i32
      %sign3A_107 = arith.extui %sign3A_106 : i1 to i32
      %sign3A_108 = arith.constant 0 : i32
      %sign3A_109 = arith.cmpi slt, %scan3A_105, %sign3A_108 : i32
      %sign3A_110 = arith.extui %sign3A_109 : i1 to i32
      %sign3A_111 = arith.subi %sign3A_107, %sign3A_110 : i32
      %sign3A_112 = arith.constant 0 : i32
      %sign3A_113 = arith.cmpi sgt, %jit3A, %sign3A_112 : i32
      %sign3A_114 = arith.extui %sign3A_113 : i1 to i32
      %sign3A_115 = arith.constant 0 : i32
      %sign3A_116 = arith.cmpi slt, %jit3A, %sign3A_115 : i32
      %sign3A_117 = arith.extui %sign3A_116 : i1 to i32
      %sign3A_118 = arith.subi %sign3A_114, %sign3A_117 : i32
      %ne3A = arith.cmpi ne, %sign3A_111, %sign3A_118 : i32
      %rem3A = arith.remsi %scan3A_105, %jit3A : i32
      %ne3A_119 = arith.constant 0 : i32
      %ne3A_120 = arith.cmpi ne, %rem3A, %ne3A_119 : i32
      %and3A = arith.andi %ne3A, %ne3A_120 : i1
      %sub3A_121 = arith.constant 1 : i32
      %sub3A_122 = arith.subi %div3A, %sub3A_121 : i32
      %select_n3A = arith.select %and3A, %sub3A_122, %div3A : i32
      %jit3A_123 = arith.constant 8 : i32
      %eq3A = arith.constant 0 : i32
      %eq3A_124 = arith.cmpi eq, %jit3A_123, %eq3A : i32
      %jit3A_125 = arith.constant 1 : i32
      %select_n3A_126 = arith.select %eq3A_124, %jit3A_125, %jit3A_123 : i32
      %rem3A_127 = arith.remsi %scan3A_105, %select_n3A_126 : i32
      %ne3A_128 = arith.constant 0 : i32
      %ne3A_129 = arith.cmpi ne, %rem3A_127, %ne3A_128 : i32
      %lt3A = arith.constant 0 : i32
      %lt3A_130 = arith.cmpi slt, %rem3A_127, %lt3A : i32
      %lt3A_131 = arith.constant 0 : i32
      %lt3A_132 = arith.cmpi slt, %select_n3A_126, %lt3A_131 : i32
      %ne3A_133 = arith.xori %lt3A_130, %lt3A_132 : i1
      %and3A_134 = arith.andi %ne3A_133, %ne3A_129 : i1
      %add3A_135 = arith.addi %rem3A_127, %select_n3A_126 : i32
      %select_n3A_136 = arith.select %and3A_134, %add3A_135, %rem3A_127 : i32
      %mul3A_137 = arith.constant 16 : i32
      %mul3A_138 = arith.muli %select_n3A_136, %mul3A_137 : i32
      %swap3A = arith.index_cast %select_n3A : i32 to index
      %swap3A_139 = arith.index_cast %mul3A_138 : i32 to index
      %swap3A_140 = tpu.vector_load %arg9[%swap3A, %swap3A_139] {strides = array<i32>} : memref<120x128xf32, #tpu.memory_space<vmem>>, vector<1x16xf32>,
      %swap3A_141 = vector.shape_cast %swap3A_140 : vector<1x16xf32> to vector<16xf32>
      %swap3A_142 = vector.shape_cast %broadcast_in_dim3A_3 : vector<16xf32> to vector<1x16xf32>
      tpu.vector_store %arg9[%swap3A, %swap3A_139], %swap3A_142 {strides = array<i32>} : memref<120x128xf32, #tpu.memory_space<vmem>>, vector<1x16xf32>,
    }
    %scan3A_33 = arith.constant 960 : i32
    %mul3A_34 = arith.constant 640 : i32
    %mul3A_35 = arith.muli %arg1, %mul3A_34 : i32
    %scan3A_36 = arith.constant 0 : i32
    %scan3A_37 = arith.constant 0 : i32
    %scan3A_38 = arith.constant 5 : i32
    %scan3A_39 = arith.addi %scan3A_37, %scan3A_38 : i32
    %scan3A_40 = arith.constant 1 : i32
    scf.for %scan3A_105 = %scan3A_37 to %scan3A_39 step %scan3A_40  : i32 {
      %mul3A_106 = arith.constant 120 : i32
      %mul3A_107 = arith.muli %scan3A_105, %mul3A_106 : i32
      %add3A_108 = arith.addi %mul3A_35, %mul3A_107 : i32
      "tpu.region"() ({
        %run_scoped3A_113 = tpu.sem_alloc : memref<!tpu.dma_semaphore, #tpu.memory_space<semaphore_mem>>
        %dma_start3A_114 = arith.constant 0 : i32
        %dma_start3A_115 = tpu.memref_slice %arg6[%add3A_108, %dma_start3A_114] : memref<10240x128xf32, #tpu.memory_space<vmem_shared>> -> memref<120x128xf32, #tpu.memory_space<vmem_shared>>
        %dma_start3A_116 = arith.constant 0 : i32
        %dma_start3A_117 = tpu.memref_slice %arg6[%add3A_108, %dma_start3A_116] : memref<10240x128xf32, #tpu.memory_space<vmem_shared>> -> memref<120x128xf32, #tpu.memory_space<vmem_shared>>
        tpu.enqueue_dma source(%arg9 : memref<120x128xf32, #tpu.memory_space<vmem>>) target(%dma_start3A_117 : memref<120x128xf32, #tpu.memory_space<vmem_shared>>) target_semaphore(%run_scoped3A_113 : memref<!tpu.dma_semaphore, #tpu.memory_space<semaphore_mem>>)
        %dma_wait3A_118 = arith.constant 0 : i32
        %dma_wait3A_119 = tpu.memref_slice %arg6[%add3A_108, %dma_wait3A_118] : memref<10240x128xf32, #tpu.memory_space<vmem_shared>> -> memref<120x128xf32, #tpu.memory_space<vmem_shared>>
        %dma_wait3A_120 = arith.constant 0 : i32
        %dma_wait3A_121 = tpu.memref_slice %arg6[%add3A_108, %dma_wait3A_120] : memref<10240x128xf32, #tpu.memory_space<vmem_shared>> -> memref<120x128xf32, #tpu.memory_space<vmem_shared>>
        tpu.wait_dma2 semaphore(%run_scoped3A_113 : memref<!tpu.dma_semaphore, #tpu.memory_space<semaphore_mem>>) src(%arg9 : memref<120x128xf32, #tpu.memory_space<vmem>>) dst(%dma_wait3A_121 : memref<120x128xf32, #tpu.memory_space<vmem_shared>>)
        tpu.yield
      }) : () -> ()
      %mul3A_109 = arith.constant 120 : i32
      %mul3A_110 = arith.muli %scan3A_105, %mul3A_109 : i32
      %add3A_111 = arith.addi %mul3A_35, %mul3A_110 : i32
      %run_scoped3A_112 = arith.constant 0 : i32
      "tpu.region"() ({
        %run_scoped3A_113 = tpu.sem_alloc : memref<!tpu.dma_semaphore, #tpu.memory_space<semaphore_mem>>
        %dma_start3A_114 = arith.constant 0 : i32
        %dma_start3A_115 = tpu.memref_slice %arg9[%run_scoped3A_112, %dma_start3A_114] : memref<120x128xf32, #tpu.memory_space<vmem>> -> memref<1x120xf32, #tpu.memory_space<vmem>>
        %dma_start3A_116 = tpu.memref_squeeze %dma_start3A_115 : memref<1x120xf32, #tpu.memory_space<vmem>> -> memref<120xf32, #tpu.memory_space<vmem>>
        %dma_start3A_117 = tpu.memref_slice %arg7[%add3A_111] : memref<10240xf32, #tpu.memory_space<vmem_shared>> -> memref<120xf32, #tpu.memory_space<vmem_shared>>
        %dma_start3A_118 = tpu.memref_slice %arg7[%add3A_111] : memref<10240xf32, #tpu.memory_space<vmem_shared>> -> memref<120xf32, #tpu.memory_space<vmem_shared>>
        %dma_start3A_119 = arith.constant 0 : i32
        %dma_start3A_120 = tpu.memref_slice %arg9[%run_scoped3A_112, %dma_start3A_119] : memref<120x128xf32, #tpu.memory_space<vmem>> -> memref<1x120xf32, #tpu.memory_space<vmem>>
        %dma_start3A_121 = tpu.memref_squeeze %dma_start3A_120 : memref<1x120xf32, #tpu.memory_space<vmem>> -> memref<120xf32, #tpu.memory_space<vmem>>
        tpu.enqueue_dma source(%dma_start3A_121 : memref<120xf32, #tpu.memory_space<vmem>>) target(%dma_start3A_118 : memref<120xf32, #tpu.memory_space<vmem_shared>>) target_semaphore(%run_scoped3A_113 : memref<!tpu.dma_semaphore, #tpu.memory_space<semaphore_mem>>)
        %dma_wait3A_122 = arith.constant 0 : i32
        %dma_wait3A_123 = tpu.memref_slice %arg9[%run_scoped3A_112, %dma_wait3A_122] : memref<120x128xf32, #tpu.memory_space<vmem>> -> memref<1x120xf32, #tpu.memory_space<vmem>>
        %dma_wait3A_124 = tpu.memref_squeeze %dma_wait3A_123 : memref<1x120xf32, #tpu.memory_space<vmem>> -> memref<120xf32, #tpu.memory_space<vmem>>
        %dma_wait3A_125 = tpu.memref_slice %arg7[%add3A_111] : memref<10240xf32, #tpu.memory_space<vmem_shared>> -> memref<120xf32, #tpu.memory_space<vmem_shared>>
        %dma_wait3A_126 = tpu.memref_slice %arg7[%add3A_111] : memref<10240xf32, #tpu.memory_space<vmem_shared>> -> memref<120xf32, #tpu.memory_space<vmem_shared>>
        %dma_wait3A_127 = arith.constant 0 : i32
        %dma_wait3A_128 = tpu.memref_slice %arg9[%run_scoped3A_112, %dma_wait3A_127] : memref<120x128xf32, #tpu.memory_space<vmem>> -> memref<1x120xf32, #tpu.memory_space<vmem>>
        %dma_wait3A_129 = tpu.memref_squeeze %dma_wait3A_128 : memref<1x120xf32, #tpu.memory_space<vmem>> -> memref<120xf32, #tpu.memory_space<vmem>>
        tpu.wait_dma2 semaphore(%run_scoped3A_113 : memref<!tpu.dma_semaphore, #tpu.memory_space<semaphore_mem>>) src(%dma_wait3A_129 : memref<120xf32, #tpu.memory_space<vmem>>) dst(%dma_wait3A_126 : memref<120xf32, #tpu.memory_space<vmem_shared>>)
        tpu.yield
      }) : () -> ()
    }
    %scan3A_41 = arith.constant 5 : i32
    %add3A_42 = arith.constant 640 : i32
    %add3A_43 = arith.addi %mul3A_35, %add3A_42 : i32
    %sub3A = arith.constant 40 : i32
    %sub3A_44 = arith.subi %add3A_43, %sub3A : i32
    "tpu.region"() ({
      %run_scoped3A_105 = tpu.sem_alloc : memref<!tpu.dma_semaphore, #tpu.memory_space<semaphore_mem>>
      %dma_start3A_106 = arith.constant 0 : i32
      %dma_start3A_107 = arith.constant 0 : i32
      %dma_start3A_108 = tpu.memref_slice %arg9[%dma_start3A_106, %dma_start3A_107] : memref<120x128xf32, #tpu.memory_space<vmem>> -> memref<40x128xf32, #tpu.memory_space<vmem>>
      %dma_start3A_109 = arith.constant 0 : i32
      %dma_start3A_110 = tpu.memref_slice %arg6[%sub3A_44, %dma_start3A_109] : memref<10240x128xf32, #tpu.memory_space<vmem_shared>> -> memref<40x128xf32, #tpu.memory_space<vmem_shared>>
      %dma_start3A_111 = arith.constant 0 : i32
      %dma_start3A_112 = tpu.memref_slice %arg6[%sub3A_44, %dma_start3A_111] : memref<10240x128xf32, #tpu.memory_space<vmem_shared>> -> memref<40x128xf32, #tpu.memory_space<vmem_shared>>
      %dma_start3A_113 = arith.constant 0 : i32
      %dma_start3A_114 = arith.constant 0 : i32
      %dma_start3A_115 = tpu.memref_slice %arg9[%dma_start3A_113, %dma_start3A_114] : memref<120x128xf32, #tpu.memory_space<vmem>> -> memref<40x128xf32, #tpu.memory_space<vmem>>
      tpu.enqueue_dma source(%dma_start3A_115 : memref<40x128xf32, #tpu.memory_space<vmem>>) target(%dma_start3A_112 : memref<40x128xf32, #tpu.memory_space<vmem_shared>>) target_semaphore(%run_scoped3A_105 : memref<!tpu.dma_semaphore, #tpu.memory_space<semaphore_mem>>)
      %dma_wait3A_116 = arith.constant 0 : i32
      %dma_wait3A_117 = arith.constant 0 : i32
      %dma_wait3A_118 = tpu.memref_slice %arg9[%dma_wait3A_116, %dma_wait3A_117] : memref<120x128xf32, #tpu.memory_space<vmem>> -> memref<40x128xf32, #tpu.memory_space<vmem>>
      %dma_wait3A_119 = arith.constant 0 : i32
      %dma_wait3A_120 = tpu.memref_slice %arg6[%sub3A_44, %dma_wait3A_119] : memref<10240x128xf32, #tpu.memory_space<vmem_shared>> -> memref<40x128xf32, #tpu.memory_space<vmem_shared>>
      %dma_wait3A_121 = arith.constant 0 : i32
      %dma_wait3A_122 = tpu.memref_slice %arg6[%sub3A_44, %dma_wait3A_121] : memref<10240x128xf32, #tpu.memory_space<vmem_shared>> -> memref<40x128xf32, #tpu.memory_space<vmem_shared>>
      %dma_wait3A_123 = arith.constant 0 : i32
      %dma_wait3A_124 = arith.constant 0 : i32
      %dma_wait3A_125 = tpu.memref_slice %arg9[%dma_wait3A_123, %dma_wait3A_124] : memref<120x128xf32, #tpu.memory_space<vmem>> -> memref<40x128xf32, #tpu.memory_space<vmem>>
      tpu.wait_dma2 semaphore(%run_scoped3A_105 : memref<!tpu.dma_semaphore, #tpu.memory_space<semaphore_mem>>) src(%dma_wait3A_125 : memref<40x128xf32, #tpu.memory_space<vmem>>) dst(%dma_wait3A_122 : memref<40x128xf32, #tpu.memory_space<vmem_shared>>)
      tpu.yield
    }) : () -> ()
    %add3A_45 = arith.constant 640 : i32
    %add3A_46 = arith.addi %mul3A_35, %add3A_45 : i32
    %sub3A_47 = arith.constant 40 : i32
    %sub3A_48 = arith.subi %add3A_46, %sub3A_47 : i32
    %run_scoped3A = arith.constant 0 : i32
    "tpu.region"() ({
      %run_scoped3A_105 = tpu.sem_alloc : memref<!tpu.dma_semaphore, #tpu.memory_space<semaphore_mem>>
      %dma_start3A_106 = arith.constant 0 : i32
      %dma_start3A_107 = tpu.memref_slice %arg9[%run_scoped3A, %dma_start3A_106] : memref<120x128xf32, #tpu.memory_space<vmem>> -> memref<1x40xf32, #tpu.memory_space<vmem>>
      %dma_start3A_108 = tpu.memref_squeeze %dma_start3A_107 : memref<1x40xf32, #tpu.memory_space<vmem>> -> memref<40xf32, #tpu.memory_space<vmem>>
      %dma_start3A_109 = tpu.memref_slice %arg7[%sub3A_48] : memref<10240xf32, #tpu.memory_space<vmem_shared>> -> memref<40xf32, #tpu.memory_space<vmem_shared>>
      %dma_start3A_110 = tpu.memref_slice %arg7[%sub3A_48] : memref<10240xf32, #tpu.memory_space<vmem_shared>> -> memref<40xf32, #tpu.memory_space<vmem_shared>>
      %dma_start3A_111 = arith.constant 0 : i32
      %dma_start3A_112 = tpu.memref_slice %arg9[%run_scoped3A, %dma_start3A_111] : memref<120x128xf32, #tpu.memory_space<vmem>> -> memref<1x40xf32, #tpu.memory_space<vmem>>
      %dma_start3A_113 = tpu.memref_squeeze %dma_start3A_112 : memref<1x40xf32, #tpu.memory_space<vmem>> -> memref<40xf32, #tpu.memory_space<vmem>>
      tpu.enqueue_dma source(%dma_start3A_113 : memref<40xf32, #tpu.memory_space<vmem>>) target(%dma_start3A_110 : memref<40xf32, #tpu.memory_space<vmem_shared>>) target_semaphore(%run_scoped3A_105 : memref<!tpu.dma_semaphore, #tpu.memory_space<semaphore_mem>>)
      %dma_wait3A_114 = arith.constant 0 : i32
      %dma_wait3A_115 = tpu.memref_slice %arg9[%run_scoped3A, %dma_wait3A_114] : memref<120x128xf32, #tpu.memory_space<vmem>> -> memref<1x40xf32, #tpu.memory_space<vmem>>
      %dma_wait3A_116 = tpu.memref_squeeze %dma_wait3A_115 : memref<1x40xf32, #tpu.memory_space<vmem>> -> memref<40xf32, #tpu.memory_space<vmem>>
      %dma_wait3A_117 = tpu.memref_slice %arg7[%sub3A_48] : memref<10240xf32, #tpu.memory_space<vmem_shared>> -> memref<40xf32, #tpu.memory_space<vmem_shared>>
      %dma_wait3A_118 = tpu.memref_slice %arg7[%sub3A_48] : memref<10240xf32, #tpu.memory_space<vmem_shared>> -> memref<40xf32, #tpu.memory_space<vmem_shared>>
      %dma_wait3A_119 = arith.constant 0 : i32
      %dma_wait3A_120 = tpu.memref_slice %arg9[%run_scoped3A, %dma_wait3A_119] : memref<120x128xf32, #tpu.memory_space<vmem>> -> memref<1x40xf32, #tpu.memory_space<vmem>>
      %dma_wait3A_121 = tpu.memref_squeeze %dma_wait3A_120 : memref<1x40xf32, #tpu.memory_space<vmem>> -> memref<40xf32, #tpu.memory_space<vmem>>
      tpu.wait_dma2 semaphore(%run_scoped3A_105 : memref<!tpu.dma_semaphore, #tpu.memory_space<semaphore_mem>>) src(%dma_wait3A_121 : memref<40xf32, #tpu.memory_space<vmem>>) dst(%dma_wait3A_118 : memref<40xf32, #tpu.memory_space<vmem_shared>>)
      tpu.yield
    }) : () -> ()
    %barrier3A = arith.constant 0 : index
    tpu.barrier barrier_id(%barrier3A)
    %dma_wait3A = arith.constant 0 : i32
    %dma_wait3A_49 = arith.constant 0 : i32
    %dma_wait3A_50 = arith.constant 0 : i32
    %dma_wait3A_51 = tpu.memref_slice %arg3[%dma_wait3A, %dma_wait3A_49, %dma_wait3A_50] : memref<2688x2x120xi32, #tpu.memory_space<hbm>> -> memref<1x2x120xi32, #tpu.memory_space<hbm>>
    %dma_wait3A_52 = tpu.memref_squeeze %dma_wait3A_51 : memref<1x2x120xi32, #tpu.memory_space<hbm>> -> memref<2x120xi32, #tpu.memory_space<hbm>>
    %dma_wait3A_53 = arith.constant 0 : i32
    %dma_wait3A_54 = arith.constant 0 : i32
    %dma_wait3A_55 = tpu.memref_slice %arg3[%dma_wait3A, %dma_wait3A_53, %dma_wait3A_54] : memref<2688x2x120xi32, #tpu.memory_space<hbm>> -> memref<1x2x120xi32, #tpu.memory_space<hbm>>
    %dma_wait3A_56 = tpu.memref_squeeze %dma_wait3A_55 : memref<1x2x120xi32, #tpu.memory_space<hbm>> -> memref<2x120xi32, #tpu.memory_space<hbm>>
    tpu.wait_dma2 semaphore(%arg25 : memref<!tpu.dma_semaphore, #tpu.memory_space<semaphore_mem>>) src(%dma_wait3A_56 : memref<2x120xi32, #tpu.memory_space<hbm>>) dst(%arg12 : memref<2x120xi32, #tpu.memory_space<vmem>>)
    %dma_start3A_57 = arith.constant 0 : i32
    %dma_start3A_58 = arith.constant 0 : i32
    %dma_start3A_59 = tpu.memref_slice %arg12[%dma_start3A_57, %dma_start3A_58] : memref<2x120xi32, #tpu.memory_space<vmem>> -> memref<1x120xi32, #tpu.memory_space<vmem>>
    %dma_start3A_60 = tpu.memref_squeeze %dma_start3A_59 : memref<1x120xi32, #tpu.memory_space<vmem>> -> memref<120xi32, #tpu.memory_space<vmem>>
    %dma_start3A_61 = arith.constant 0 : i32
    %dma_start3A_62 = arith.constant 0 : i32
    %dma_start3A_63 = tpu.memref_slice %arg2[%dma_start3A_61, %dma_start3A_62] : memref<10000x128xf32, #tpu.memory_space<hbm>> -> memref<10000x128xf32, #tpu.memory_space<hbm>>
    tpu.enqueue_indirect_dma source(%dma_start3A_63 : memref<10000x128xf32, #tpu.memory_space<hbm>>) target(%arg9 : memref<120x128xf32, #tpu.memory_space<vmem>>) offsets(%dma_start3A_60 : memref<120xi32, #tpu.memory_space<vmem>>) semaphore(%arg16 : memref<!tpu.dma_semaphore, #tpu.memory_space<semaphore_mem>>)
    %scan3A_64 = arith.constant 0 : i32
    %scan3A_65 = arith.constant 0 : i32
    %scan3A_66 = arith.constant 7 : i32
    %scan3A_67 = arith.addi %scan3A_65, %scan3A_66 : i32
    %scan3A_68 = arith.constant 1 : i32
    scf.for %scan3A_105 = %scan3A_65 to %scan3A_67 step %scan3A_68  : i32 {
      %mul3A_106 = arith.constant 12 : i32
      %mul3A_107 = arith.muli %scan3A_105, %mul3A_106 : i32
      %add3A_108 = arith.constant 0 : i32
      %add3A_109 = arith.addi %mul3A_107, %add3A_108 : i32
      %gt3A = arith.constant 0 : i32
      %gt3A_110 = arith.cmpi sgt, %scan3A_105, %gt3A : i32
      %convert_element_type3A = arith.extui %gt3A_110 : i1 to i32
      %cond3A = arith.constant 0 : i32
      %cond3A_111 = arith.cmpi ne, %convert_element_type3A, %cond3A : i32
      scf.if %cond3A_111 {
        %dma_wait3A_883 = arith.constant 0 : i32
        %dma_wait3A_884 = arith.constant 0 : i32
        %dma_wait3A_885 = tpu.memref_slice %arg2[%dma_wait3A_883, %dma_wait3A_884] : memref<10000x128xf32, #tpu.memory_space<hbm>> -> memref<120x128xf32, #tpu.memory_space<hbm>>
        %dma_wait3A_886 = arith.constant 0 : i32
        %dma_wait3A_887 = arith.constant 0 : i32
        %dma_wait3A_888 = tpu.memref_slice %arg2[%dma_wait3A_886, %dma_wait3A_887] : memref<10000x128xf32, #tpu.memory_space<hbm>> -> memref<120x128xf32, #tpu.memory_space<hbm>>
        tpu.wait_dma2 semaphore(%arg20 : memref<!tpu.dma_semaphore, #tpu.memory_space<semaphore_mem>>) src(%dma_wait3A_888 : memref<120x128xf32, #tpu.memory_space<hbm>>) dst(%arg10 : memref<120x128xf32, #tpu.memory_space<vmem>>)
        %dma_wait3A_889 = arith.constant 0 : i32
        %dma_wait3A_890 = arith.constant 0 : i32
        %dma_wait3A_891 = tpu.memref_slice %arg8[%dma_wait3A_890] : memref<120xf32, #tpu.memory_space<vmem>> -> memref<120xf32, #tpu.memory_space<vmem>>
        %dma_wait3A_892 = arith.constant 0 : i32
        %dma_wait3A_893 = tpu.memref_slice %arg2[%dma_wait3A_889, %dma_wait3A_892] : memref<10000x128xf32, #tpu.memory_space<hbm>> -> memref<1x120xf32, #tpu.memory_space<hbm>>
        %dma_wait3A_894 = tpu.memref_squeeze %dma_wait3A_893 : memref<1x120xf32, #tpu.memory_space<hbm>> -> memref<120xf32, #tpu.memory_space<hbm>>
        %dma_wait3A_895 = arith.constant 0 : i32
        %dma_wait3A_896 = tpu.memref_slice %arg8[%dma_wait3A_895] : memref<120xf32, #tpu.memory_space<vmem>> -> memref<120xf32, #tpu.memory_space<vmem>>
        %dma_wait3A_897 = arith.constant 0 : i32
        %dma_wait3A_898 = tpu.memref_slice %arg2[%dma_wait3A_889, %dma_wait3A_897] : memref<10000x128xf32, #tpu.memory_space<hbm>> -> memref<1x120xf32, #tpu.memory_space<hbm>>
        %dma_wait3A_899 = tpu.memref_squeeze %dma_wait3A_898 : memref<1x120xf32, #tpu.memory_space<hbm>> -> memref<120xf32, #tpu.memory_space<hbm>>
        tpu.wait_dma2 semaphore(%arg23 : memref<!tpu.dma_semaphore, #tpu.memory_space<semaphore_mem>>) src(%dma_wait3A_899 : memref<120xf32, #tpu.memory_space<hbm>>) dst(%dma_wait3A_896 : memref<120xf32, #tpu.memory_space<vmem>>)
      } else {
      }
      %add3A_112 = arith.addi %mul3A_2, %add3A_109 : i32
      %add3A_113 = arith.constant 2 : i32
      %add3A_114 = arith.addi %add3A_112, %add3A_113 : i32
      %dma_start3A_115 = arith.constant 0 : i32
      %dma_start3A_116 = arith.constant 0 : i32
      %dma_start3A_117 = tpu.memref_slice %arg3[%add3A_114, %dma_start3A_115, %dma_start3A_116] : memref<2688x2x120xi32, #tpu.memory_space<hbm>> -> memref<1x2x120xi32, #tpu.memory_space<hbm>>
      %dma_start3A_118 = tpu.memref_squeeze %dma_start3A_117 : memref<1x2x120xi32, #tpu.memory_space<hbm>> -> memref<2x120xi32, #tpu.memory_space<hbm>>
      %dma_start3A_119 = arith.constant 0 : i32
      %dma_start3A_120 = arith.constant 0 : i32
      %dma_start3A_121 = tpu.memref_slice %arg3[%add3A_114, %dma_start3A_119, %dma_start3A_120] : memref<2688x2x120xi32, #tpu.memory_space<hbm>> -> memref<1x2x120xi32, #tpu.memory_space<hbm>>
      %dma_start3A_122 = tpu.memref_squeeze %dma_start3A_121 : memref<1x2x120xi32, #tpu.memory_space<hbm>> -> memref<2x120xi32, #tpu.memory_space<hbm>>
      tpu.enqueue_dma source(%dma_start3A_122 : memref<2x120xi32, #tpu.memory_space<hbm>>) target(%arg14 : memref<2x120xi32, #tpu.memory_space<vmem>>) target_semaphore(%arg27 : memref<!tpu.dma_semaphore, #tpu.memory_space<semaphore_mem>>)
      %dma_wait3A_123 = arith.constant 0 : i32
      %dma_wait3A_124 = arith.constant 0 : i32
      %dma_wait3A_125 = arith.constant 0 : i32
      %dma_wait3A_126 = tpu.memref_slice %arg3[%dma_wait3A_123, %dma_wait3A_124, %dma_wait3A_125] : memref<2688x2x120xi32, #tpu.memory_space<hbm>> -> memref<1x2x120xi32, #tpu.memory_space<hbm>>
      %dma_wait3A_127 = tpu.memref_squeeze %dma_wait3A_126 : memref<1x2x120xi32, #tpu.memory_space<hbm>> -> memref<2x120xi32, #tpu.memory_space<hbm>>
      %dma_wait3A_128 = arith.constant 0 : i32
      %dma_wait3A_129 = arith.constant 0 : i32
      %dma_wait3A_130 = tpu.memref_slice %arg3[%dma_wait3A_123, %dma_wait3A_128, %dma_wait3A_129] : memref<2688x2x120xi32, #tpu.memory_space<hbm>> -> memref<1x2x120xi32, #tpu.memory_space<hbm>>
      %dma_wait3A_131 = tpu.memref_squeeze %dma_wait3A_130 : memref<1x2x120xi32, #tpu.memory_space<hbm>> -> memref<2x120xi32, #tpu.memory_space<hbm>>
      tpu.wait_dma2 semaphore(%arg26 : memref<!tpu.dma_semaphore, #tpu.memory_space<semaphore_mem>>) src(%dma_wait3A_131 : memref<2x120xi32, #tpu.memory_space<hbm>>) dst(%arg13 : memref<2x120xi32, #tpu.memory_space<vmem>>)
      %dma_start3A_132 = arith.constant 0 : i32
      %dma_start3A_133 = arith.constant 0 : i32
      %dma_start3A_134 = tpu.memref_slice %arg13[%dma_start3A_132, %dma_start3A_133] : memref<2x120xi32, #tpu.memory_space<vmem>> -> memref<1x120xi32, #tpu.memory_space<vmem>>
      %dma_start3A_135 = tpu.memref_squeeze %dma_start3A_134 : memref<1x120xi32, #tpu.memory_space<vmem>> -> memref<120xi32, #tpu.memory_space<vmem>>
      %dma_start3A_136 = arith.constant 0 : i32
      %dma_start3A_137 = arith.constant 0 : i32
      %dma_start3A_138 = tpu.memref_slice %arg2[%dma_start3A_136, %dma_start3A_137] : memref<10000x128xf32, #tpu.memory_space<hbm>> -> memref<10000x128xf32, #tpu.memory_space<hbm>>
      tpu.enqueue_indirect_dma source(%dma_start3A_138 : memref<10000x128xf32, #tpu.memory_space<hbm>>) target(%arg10 : memref<120x128xf32, #tpu.memory_space<vmem>>) offsets(%dma_start3A_135 : memref<120xi32, #tpu.memory_space<vmem>>) semaphore(%arg17 : memref<!tpu.dma_semaphore, #tpu.memory_space<semaphore_mem>>)
      %dma_wait3A_139 = arith.constant 0 : i32
      %dma_wait3A_140 = arith.constant 0 : i32
      %dma_wait3A_141 = tpu.memref_slice %arg2[%dma_wait3A_139, %dma_wait3A_140] : memref<10000x128xf32, #tpu.memory_space<hbm>> -> memref<120x128xf32, #tpu.memory_space<hbm>>
      %dma_wait3A_142 = arith.constant 0 : i32
      %dma_wait3A_143 = arith.constant 0 : i32
      %dma_wait3A_144 = tpu.memref_slice %arg2[%dma_wait3A_142, %dma_wait3A_143] : memref<10000x128xf32, #tpu.memory_space<hbm>> -> memref<120x128xf32, #tpu.memory_space<hbm>>
      tpu.wait_dma2 semaphore(%arg16 : memref<!tpu.dma_semaphore, #tpu.memory_space<semaphore_mem>>) src(%dma_wait3A_144 : memref<120x128xf32, #tpu.memory_space<hbm>>) dst(%arg9 : memref<120x128xf32, #tpu.memory_space<vmem>>)
      %dma_start3A_145 = arith.constant 1 : i32
      %dma_start3A_146 = arith.constant 0 : i32
      %dma_start3A_147 = tpu.memref_slice %arg12[%dma_start3A_145, %dma_start3A_146] : memref<2x120xi32, #tpu.memory_space<vmem>> -> memref<1x120xi32, #tpu.memory_space<vmem>>
      %dma_start3A_148 = tpu.memref_squeeze %dma_start3A_147 : memref<1x120xi32, #tpu.memory_space<vmem>> -> memref<120xi32, #tpu.memory_space<vmem>>
      %dma_start3A_149 = arith.constant 0 : i32
      %dma_start3A_150 = arith.constant 0 : i32
      %dma_start3A_151 = tpu.memref_slice %arg6[%dma_start3A_149, %dma_start3A_150] : memref<10240x128xf32, #tpu.memory_space<vmem_shared>> -> memref<10240x128xf32, #tpu.memory_space<vmem_shared>>
      tpu.enqueue_indirect_dma source(%arg9 : memref<120x128xf32, #tpu.memory_space<vmem>>) target(%dma_start3A_151 : memref<10240x128xf32, #tpu.memory_space<vmem_shared>>) offsets(%dma_start3A_148 : memref<120xi32, #tpu.memory_space<vmem>>) semaphore(%arg19 : memref<!tpu.dma_semaphore, #tpu.memory_space<semaphore_mem>>) {add = true}
      %dma_start3A_152 = arith.constant 1 : i32
      %dma_start3A_153 = arith.constant 0 : i32
      %dma_start3A_154 = tpu.memref_slice %arg8[%dma_start3A_153] : memref<120xf32, #tpu.memory_space<vmem>> -> memref<120xf32, #tpu.memory_space<vmem>>
      %dma_start3A_155 = arith.constant 0 : i32
      %dma_start3A_156 = tpu.memref_slice %arg12[%dma_start3A_152, %dma_start3A_155] : memref<2x120xi32, #tpu.memory_space<vmem>> -> memref<1x120xi32, #tpu.memory_space<vmem>>
      %dma_start3A_157 = tpu.memref_squeeze %dma_start3A_156 : memref<1x120xi32, #tpu.memory_space<vmem>> -> memref<120xi32, #tpu.memory_space<vmem>>
      %dma_start3A_158 = arith.constant 0 : i32
      %dma_start3A_159 = tpu.memref_slice %arg7[%dma_start3A_158] : memref<10240xf32, #tpu.memory_space<vmem_shared>> -> memref<10240xf32, #tpu.memory_space<vmem_shared>>
      tpu.enqueue_indirect_dma source(%dma_start3A_154 : memref<120xf32, #tpu.memory_space<vmem>>) target(%dma_start3A_159 : memref<10240xf32, #tpu.memory_space<vmem_shared>>) offsets(%dma_start3A_157 : memref<120xi32, #tpu.memory_space<vmem>>) semaphore(%arg22 : memref<!tpu.dma_semaphore, #tpu.memory_space<semaphore_mem>>) {add = true}
      %mul3A_160 = arith.constant 12 : i32
      %mul3A_161 = arith.muli %scan3A_105, %mul3A_160 : i32
      %add3A_162 = arith.constant 1 : i32
      %add3A_163 = arith.addi %mul3A_161, %add3A_162 : i32
      %gt3A_164 = arith.constant 0 : i32
      %gt3A_165 = arith.cmpi sgt, %scan3A_105, %gt3A_164 : i32
      %convert_element_type3A_166 = arith.extui %gt3A_165 : i1 to i32
      %cond3A_167 = arith.constant 0 : i32
      %cond3A_168 = arith.cmpi ne, %convert_element_type3A_166, %cond3A_167 : i32
      scf.if %cond3A_168 {
        %dma_wait3A_883 = arith.constant 0 : i32
        %dma_wait3A_884 = arith.constant 0 : i32
        %dma_wait3A_885 = tpu.memref_slice %arg2[%dma_wait3A_883, %dma_wait3A_884] : memref<10000x128xf32, #tpu.memory_space<hbm>> -> memref<120x128xf32, #tpu.memory_space<hbm>>
        %dma_wait3A_886 = arith.constant 0 : i32
        %dma_wait3A_887 = arith.constant 0 : i32
        %dma_wait3A_888 = tpu.memref_slice %arg2[%dma_wait3A_886, %dma_wait3A_887] : memref<10000x128xf32, #tpu.memory_space<hbm>> -> memref<120x128xf32, #tpu.memory_space<hbm>>
        tpu.wait_dma2 semaphore(%arg21 : memref<!tpu.dma_semaphore, #tpu.memory_space<semaphore_mem>>) src(%dma_wait3A_888 : memref<120x128xf32, #tpu.memory_space<hbm>>) dst(%arg11 : memref<120x128xf32, #tpu.memory_space<vmem>>)
        %dma_wait3A_889 = arith.constant 0 : i32
        %dma_wait3A_890 = arith.constant 0 : i32
        %dma_wait3A_891 = tpu.memref_slice %arg8[%dma_wait3A_890] : memref<120xf32, #tpu.memory_space<vmem>> -> memref<120xf32, #tpu.memory_space<vmem>>
        %dma_wait3A_892 = arith.constant 0 : i32
        %dma_wait3A_893 = tpu.memref_slice %arg2[%dma_wait3A_889, %dma_wait3A_892] : memref<10000x128xf32, #tpu.memory_space<hbm>> -> memref<1x120xf32, #tpu.memory_space<hbm>>
        %dma_wait3A_894 = tpu.memref_squeeze %dma_wait3A_893 : memref<1x120xf32, #tpu.memory_space<hbm>> -> memref<120xf32, #tpu.memory_space<hbm>>
        %dma_wait3A_895 = arith.constant 0 : i32
        %dma_wait3A_896 = tpu.memref_slice %arg8[%dma_wait3A_895] : memref<120xf32, #tpu.memory_space<vmem>> -> memref<120xf32, #tpu.memory_space<vmem>>
        %dma_wait3A_897 = arith.constant 0 : i32
        %dma_wait3A_898 = tpu.memref_slice %arg2[%dma_wait3A_889, %dma_wait3A_897] : memref<10000x128xf32, #tpu.memory_space<hbm>> -> memref<1x120xf32, #tpu.memory_space<hbm>>
        %dma_wait3A_899 = tpu.memref_squeeze %dma_wait3A_898 : memref<1x120xf32, #tpu.memory_space<hbm>> -> memref<120xf32, #tpu.memory_space<hbm>>
        tpu.wait_dma2 semaphore(%arg24 : memref<!tpu.dma_semaphore, #tpu.memory_space<semaphore_mem>>) src(%dma_wait3A_899 : memref<120xf32, #tpu.memory_space<hbm>>) dst(%dma_wait3A_896 : memref<120xf32, #tpu.memory_space<vmem>>)
      } else {
      }
      %add3A_169 = arith.addi %mul3A_2, %add3A_163 : i32
      %add3A_170 = arith.constant 2 : i32
      %add3A_171 = arith.addi %add3A_169, %add3A_170 : i32
      %dma_start3A_172 = arith.constant 0 : i32
      %dma_start3A_173 = arith.constant 0 : i32
      %dma_start3A_174 = tpu.memref_slice %arg3[%add3A_171, %dma_start3A_172, %dma_start3A_173] : memref<2688x2x120xi32, #tpu.memory_space<hbm>> -> memref<1x2x120xi32, #tpu.memory_space<hbm>>
      %dma_start3A_175 = tpu.memref_squeeze %dma_start3A_174 : memref<1x2x120xi32, #tpu.memory_space<hbm>> -> memref<2x120xi32, #tpu.memory_space<hbm>>
      %dma_start3A_176 = arith.constant 0 : i32
      %dma_start3A_177 = arith.constant 0 : i32
      %dma_start3A_178 = tpu.memref_slice %arg3[%add3A_171, %dma_start3A_176, %dma_start3A_177] : memref<2688x2x120xi32, #tpu.memory_space<hbm>> -> memref<1x2x120xi32, #tpu.memory_space<hbm>>
      %dma_start3A_179 = tpu.memref_squeeze %dma_start3A_178 : memref<1x2x120xi32, #tpu.memory_space<hbm>> -> memref<2x120xi32, #tpu.memory_space<hbm>>
      tpu.enqueue_dma source(%dma_start3A_179 : memref<2x120xi32, #tpu.memory_space<hbm>>) target(%arg15 : memref<2x120xi32, #tpu.memory_space<vmem>>) target_semaphore(%arg28 : memref<!tpu.dma_semaphore, #tpu.memory_space<semaphore_mem>>)
      %dma_wait3A_180 = arith.constant 0 : i32
      %dma_wait3A_181 = arith.constant 0 : i32
      %dma_wait3A_182 = arith.constant 0 : i32
      %dma_wait3A_183 = tpu.memref_slice %arg3[%dma_wait3A_180, %dma_wait3A_181, %dma_wait3A_182] : memref<2688x2x120xi32, #tpu.memory_space<hbm>> -> memref<1x2x120xi32, #tpu.memory_space<hbm>>
      %dma_wait3A_184 = tpu.memref_squeeze %dma_wait3A_183 : memref<1x2x120xi32, #tpu.memory_space<hbm>> -> memref<2x120xi32, #tpu.memory_space<hbm>>
      %dma_wait3A_185 = arith.constant 0 : i32
      %dma_wait3A_186 = arith.constant 0 : i32
      %dma_wait3A_187 = tpu.memref_slice %arg3[%dma_wait3A_180, %dma_wait3A_185, %dma_wait3A_186] : memref<2688x2x120xi32, #tpu.memory_space<hbm>> -> memref<1x2x120xi32, #tpu.memory_space<hbm>>
      %dma_wait3A_188 = tpu.memref_squeeze %dma_wait3A_187 : memref<1x2x120xi32, #tpu.memory_space<hbm>> -> memref<2x120xi32, #tpu.memory_space<hbm>>
      tpu.wait_dma2 semaphore(%arg27 : memref<!tpu.dma_semaphore, #tpu.memory_space<semaphore_mem>>) src(%dma_wait3A_188 : memref<2x120xi32, #tpu.memory_space<hbm>>) dst(%arg14 : memref<2x120xi32, #tpu.memory_space<vmem>>)
      %dma_start3A_189 = arith.constant 0 : i32
      %dma_start3A_190 = arith.constant 0 : i32
      %dma_start3A_191 = tpu.memref_slice %arg14[%dma_start3A_189, %dma_start3A_190] : memref<2x120xi32, #tpu.memory_space<vmem>> -> memref<1x120xi32, #tpu.memory_space<vmem>>
      %dma_start3A_192 = tpu.memref_squeeze %dma_start3A_191 : memref<1x120xi32, #tpu.memory_space<vmem>> -> memref<120xi32, #tpu.memory_space<vmem>>
      %dma_start3A_193 = arith.constant 0 : i32
      %dma_start3A_194 = arith.constant 0 : i32
      %dma_start3A_195 = tpu.memref_slice %arg2[%dma_start3A_193, %dma_start3A_194] : memref<10000x128xf32, #tpu.memory_space<hbm>> -> memref<10000x128xf32, #tpu.memory_space<hbm>>
      tpu.enqueue_indirect_dma source(%dma_start3A_195 : memref<10000x128xf32, #tpu.memory_space<hbm>>) target(%arg11 : memref<120x128xf32, #tpu.memory_space<vmem>>) offsets(%dma_start3A_192 : memref<120xi32, #tpu.memory_space<vmem>>) semaphore(%arg18 : memref<!tpu.dma_semaphore, #tpu.memory_space<semaphore_mem>>)
      %dma_wait3A_196 = arith.constant 0 : i32
      %dma_wait3A_197 = arith.constant 0 : i32
      %dma_wait3A_198 = tpu.memref_slice %arg2[%dma_wait3A_196, %dma_wait3A_197] : memref<10000x128xf32, #tpu.memory_space<hbm>> -> memref<120x128xf32, #tpu.memory_space<hbm>>
      %dma_wait3A_199 = arith.constant 0 : i32
      %dma_wait3A_200 = arith.constant 0 : i32
      %dma_wait3A_201 = tpu.memref_slice %arg2[%dma_wait3A_199, %dma_wait3A_200] : memref<10000x128xf32, #tpu.memory_space<hbm>> -> memref<120x128xf32, #tpu.memory_space<hbm>>
      tpu.wait_dma2 semaphore(%arg17 : memref<!tpu.dma_semaphore, #tpu.memory_space<semaphore_mem>>) src(%dma_wait3A_201 : memref<120x128xf32, #tpu.memory_space<hbm>>) dst(%arg10 : memref<120x128xf32, #tpu.memory_space<vmem>>)
      %dma_start3A_202 = arith.constant 1 : i32
      %dma_start3A_203 = arith.constant 0 : i32
      %dma_start3A_204 = tpu.memref_slice %arg13[%dma_start3A_202, %dma_start3A_203] : memref<2x120xi32, #tpu.memory_space<vmem>> -> memref<1x120xi32, #tpu.memory_space<vmem>>
      %dma_start3A_205 = tpu.memref_squeeze %dma_start3A_204 : memref<1x120xi32, #tpu.memory_space<vmem>> -> memref<120xi32, #tpu.memory_space<vmem>>
      %dma_start3A_206 = arith.constant 0 : i32
      %dma_start3A_207 = arith.constant 0 : i32
      %dma_start3A_208 = tpu.memref_slice %arg6[%dma_start3A_206, %dma_start3A_207] : memref<10240x128xf32, #tpu.memory_space<vmem_shared>> -> memref<10240x128xf32, #tpu.memory_space<vmem_shared>>
      tpu.enqueue_indirect_dma source(%arg10 : memref<120x128xf32, #tpu.memory_space<vmem>>) target(%dma_start3A_208 : memref<10240x128xf32, #tpu.memory_space<vmem_shared>>) offsets(%dma_start3A_205 : memref<120xi32, #tpu.memory_space<vmem>>) semaphore(%arg20 : memref<!tpu.dma_semaphore, #tpu.memory_space<semaphore_mem>>) {add = true}
      %dma_start3A_209 = arith.constant 1 : i32
      %dma_start3A_210 = arith.constant 0 : i32
      %dma_start3A_211 = tpu.memref_slice %arg8[%dma_start3A_210] : memref<120xf32, #tpu.memory_space<vmem>> -> memref<120xf32, #tpu.memory_space<vmem>>
      %dma_start3A_212 = arith.constant 0 : i32
      %dma_start3A_213 = tpu.memref_slice %arg13[%dma_start3A_209, %dma_start3A_212] : memref<2x120xi32, #tpu.memory_space<vmem>> -> memref<1x120xi32, #tpu.memory_space<vmem>>
      %dma_start3A_214 = tpu.memref_squeeze %dma_start3A_213 : memref<1x120xi32, #tpu.memory_space<vmem>> -> memref<120xi32, #tpu.memory_space<vmem>>
      %dma_start3A_215 = arith.constant 0 : i32
      %dma_start3A_216 = tpu.memref_slice %arg7[%dma_start3A_215] : memref<10240xf32, #tpu.memory_space<vmem_shared>> -> memref<10240xf32, #tpu.memory_space<vmem_shared>>
      tpu.enqueue_indirect_dma source(%dma_start3A_211 : memref<120xf32, #tpu.memory_space<vmem>>) target(%dma_start3A_216 : memref<10240xf32, #tpu.memory_space<vmem_shared>>) offsets(%dma_start3A_214 : memref<120xi32, #tpu.memory_space<vmem>>) semaphore(%arg23 : memref<!tpu.dma_semaphore, #tpu.memory_space<semaphore_mem>>) {add = true}
      %mul3A_217 = arith.constant 12 : i32
      %mul3A_218 = arith.muli %scan3A_105, %mul3A_217 : i32
      %add3A_219 = arith.constant 2 : i32
      %add3A_220 = arith.addi %mul3A_218, %add3A_219 : i32
      %dma_wait3A_221 = arith.constant 0 : i32
      %dma_wait3A_222 = arith.constant 0 : i32
      %dma_wait3A_223 = tpu.memref_slice %arg2[%dma_wait3A_221, %dma_wait3A_222] : memref<10000x128xf32, #tpu.memory_space<hbm>> -> memref<120x128xf32, #tpu.memory_space<hbm>>
      %dma_wait3A_224 = arith.constant 0 : i32
      %dma_wait3A_225 = arith.constant 0 : i32
      %dma_wait3A_226 = tpu.memref_slice %arg2[%dma_wait3A_224, %dma_wait3A_225] : memref<10000x128xf32, #tpu.memory_space<hbm>> -> memref<120x128xf32, #tpu.memory_space<hbm>>
      tpu.wait_dma2 semaphore(%arg19 : memref<!tpu.dma_semaphore, #tpu.memory_space<semaphore_mem>>) src(%dma_wait3A_226 : memref<120x128xf32, #tpu.memory_space<hbm>>) dst(%arg9 : memref<120x128xf32, #tpu.memory_space<vmem>>)
      %dma_wait3A_227 = arith.constant 0 : i32
      %dma_wait3A_228 = arith.constant 0 : i32
      %dma_wait3A_229 = tpu.memref_slice %arg8[%dma_wait3A_228] : memref<120xf32, #tpu.memory_space<vmem>> -> memref<120xf32, #tpu.memory_space<vmem>>
      %dma_wait3A_230 = arith.constant 0 : i32
      %dma_wait3A_231 = tpu.memref_slice %arg2[%dma_wait3A_227, %dma_wait3A_230] : memref<10000x128xf32, #tpu.memory_space<hbm>> -> memref<1x120xf32, #tpu.memory_space<hbm>>
      %dma_wait3A_232 = tpu.memref_squeeze %dma_wait3A_231 : memref<1x120xf32, #tpu.memory_space<hbm>> -> memref<120xf32, #tpu.memory_space<hbm>>
      %dma_wait3A_233 = arith.constant 0 : i32
      %dma_wait3A_234 = tpu.memref_slice %arg8[%dma_wait3A_233] : memref<120xf32, #tpu.memory_space<vmem>> -> memref<120xf32, #tpu.memory_space<vmem>>
      %dma_wait3A_235 = arith.constant 0 : i32
      %dma_wait3A_236 = tpu.memref_slice %arg2[%dma_wait3A_227, %dma_wait3A_235] : memref<10000x128xf32, #tpu.memory_space<hbm>> -> memref<1x120xf32, #tpu.memory_space<hbm>>
      %dma_wait3A_237 = tpu.memref_squeeze %dma_wait3A_236 : memref<1x120xf32, #tpu.memory_space<hbm>> -> memref<120xf32, #tpu.memory_space<hbm>>
      tpu.wait_dma2 semaphore(%arg22 : memref<!tpu.dma_semaphore, #tpu.memory_space<semaphore_mem>>) src(%dma_wait3A_237 : memref<120xf32, #tpu.memory_space<hbm>>) dst(%dma_wait3A_234 : memref<120xf32, #tpu.memory_space<vmem>>)
      %add3A_238 = arith.addi %mul3A_2, %add3A_220 : i32
      %add3A_239 = arith.constant 2 : i32
      %add3A_240 = arith.addi %add3A_238, %add3A_239 : i32
      %dma_start3A_241 = arith.constant 0 : i32
      %dma_start3A_242 = arith.constant 0 : i32
      %dma_start3A_243 = tpu.memref_slice %arg3[%add3A_240, %dma_start3A_241, %dma_start3A_242] : memref<2688x2x120xi32, #tpu.memory_space<hbm>> -> memref<1x2x120xi32, #tpu.memory_space<hbm>>
      %dma_start3A_244 = tpu.memref_squeeze %dma_start3A_243 : memref<1x2x120xi32, #tpu.memory_space<hbm>> -> memref<2x120xi32, #tpu.memory_space<hbm>>
      %dma_start3A_245 = arith.constant 0 : i32
      %dma_start3A_246 = arith.constant 0 : i32
      %dma_start3A_247 = tpu.memref_slice %arg3[%add3A_240, %dma_start3A_245, %dma_start3A_246] : memref<2688x2x120xi32, #tpu.memory_space<hbm>> -> memref<1x2x120xi32, #tpu.memory_space<hbm>>
      %dma_start3A_248 = tpu.memref_squeeze %dma_start3A_247 : memref<1x2x120xi32, #tpu.memory_space<hbm>> -> memref<2x120xi32, #tpu.memory_space<hbm>>
      tpu.enqueue_dma source(%dma_start3A_248 : memref<2x120xi32, #tpu.memory_space<hbm>>) target(%arg12 : memref<2x120xi32, #tpu.memory_space<vmem>>) target_semaphore(%arg25 : memref<!tpu.dma_semaphore, #tpu.memory_space<semaphore_mem>>)
      %dma_wait3A_249 = arith.constant 0 : i32
      %dma_wait3A_250 = arith.constant 0 : i32
      %dma_wait3A_251 = arith.constant 0 : i32
      %dma_wait3A_252 = tpu.memref_slice %arg3[%dma_wait3A_249, %dma_wait3A_250, %dma_wait3A_251] : memref<2688x2x120xi32, #tpu.memory_space<hbm>> -> memref<1x2x120xi32, #tpu.memory_space<hbm>>
      %dma_wait3A_253 = tpu.memref_squeeze %dma_wait3A_252 : memref<1x2x120xi32, #tpu.memory_space<hbm>> -> memref<2x120xi32, #tpu.memory_space<hbm>>
      %dma_wait3A_254 = arith.constant 0 : i32
      %dma_wait3A_255 = arith.constant 0 : i32
      %dma_wait3A_256 = tpu.memref_slice %arg3[%dma_wait3A_249, %dma_wait3A_254, %dma_wait3A_255] : memref<2688x2x120xi32, #tpu.memory_space<hbm>> -> memref<1x2x120xi32, #tpu.memory_space<hbm>>
      %dma_wait3A_257 = tpu.memref_squeeze %dma_wait3A_256 : memref<1x2x120xi32, #tpu.memory_space<hbm>> -> memref<2x120xi32, #tpu.memory_space<hbm>>
      tpu.wait_dma2 semaphore(%arg28 : memref<!tpu.dma_semaphore, #tpu.memory_space<semaphore_mem>>) src(%dma_wait3A_257 : memref<2x120xi32, #tpu.memory_space<hbm>>) dst(%arg15 : memref<2x120xi32, #tpu.memory_space<vmem>>)
      %dma_start3A_258 = arith.constant 0 : i32
      %dma_start3A_259 = arith.constant 0 : i32
      %dma_start3A_260 = tpu.memref_slice %arg15[%dma_start3A_258, %dma_start3A_259] : memref<2x120xi32, #tpu.memory_space<vmem>> -> memref<1x120xi32, #tpu.memory_space<vmem>>
      %dma_start3A_261 = tpu.memref_squeeze %dma_start3A_260 : memref<1x120xi32, #tpu.memory_space<vmem>> -> memref<120xi32, #tpu.memory_space<vmem>>
      %dma_start3A_262 = arith.constant 0 : i32
      %dma_start3A_263 = arith.constant 0 : i32
      %dma_start3A_264 = tpu.memref_slice %arg2[%dma_start3A_262, %dma_start3A_263] : memref<10000x128xf32, #tpu.memory_space<hbm>> -> memref<10000x128xf32, #tpu.memory_space<hbm>>
      tpu.enqueue_indirect_dma source(%dma_start3A_264 : memref<10000x128xf32, #tpu.memory_space<hbm>>) target(%arg9 : memref<120x128xf32, #tpu.memory_space<vmem>>) offsets(%dma_start3A_261 : memref<120xi32, #tpu.memory_space<vmem>>) semaphore(%arg16 : memref<!tpu.dma_semaphore, #tpu.memory_space<semaphore_mem>>)
      %dma_wait3A_265 = arith.constant 0 : i32
      %dma_wait3A_266 = arith.constant 0 : i32
      %dma_wait3A_267 = tpu.memref_slice %arg2[%dma_wait3A_265, %dma_wait3A_266] : memref<10000x128xf32, #tpu.memory_space<hbm>> -> memref<120x128xf32, #tpu.memory_space<hbm>>
      %dma_wait3A_268 = arith.constant 0 : i32
      %dma_wait3A_269 = arith.constant 0 : i32
      %dma_wait3A_270 = tpu.memref_slice %arg2[%dma_wait3A_268, %dma_wait3A_269] : memref<10000x128xf32, #tpu.memory_space<hbm>> -> memref<120x128xf32, #tpu.memory_space<hbm>>
      tpu.wait_dma2 semaphore(%arg18 : memref<!tpu.dma_semaphore, #tpu.memory_space<semaphore_mem>>) src(%dma_wait3A_270 : memref<120x128xf32, #tpu.memory_space<hbm>>) dst(%arg11 : memref<120x128xf32, #tpu.memory_space<vmem>>)
      %dma_start3A_271 = arith.constant 1 : i32
      %dma_start3A_272 = arith.constant 0 : i32
      %dma_start3A_273 = tpu.memref_slice %arg14[%dma_start3A_271, %dma_start3A_272] : memref<2x120xi32, #tpu.memory_space<vmem>> -> memref<1x120xi32, #tpu.memory_space<vmem>>
      %dma_start3A_274 = tpu.memref_squeeze %dma_start3A_273 : memref<1x120xi32, #tpu.memory_space<vmem>> -> memref<120xi32, #tpu.memory_space<vmem>>
      %dma_start3A_275 = arith.constant 0 : i32
      %dma_start3A_276 = arith.constant 0 : i32
      %dma_start3A_277 = tpu.memref_slice %arg6[%dma_start3A_275, %dma_start3A_276] : memref<10240x128xf32, #tpu.memory_space<vmem_shared>> -> memref<10240x128xf32, #tpu.memory_space<vmem_shared>>
      tpu.enqueue_indirect_dma source(%arg11 : memref<120x128xf32, #tpu.memory_space<vmem>>) target(%dma_start3A_277 : memref<10240x128xf32, #tpu.memory_space<vmem_shared>>) offsets(%dma_start3A_274 : memref<120xi32, #tpu.memory_space<vmem>>) semaphore(%arg21 : memref<!tpu.dma_semaphore, #tpu.memory_space<semaphore_mem>>) {add = true}
      %dma_start3A_278 = arith.constant 1 : i32
      %dma_start3A_279 = arith.constant 0 : i32
      %dma_start3A_280 = tpu.memref_slice %arg8[%dma_start3A_279] : memref<120xf32, #tpu.memory_space<vmem>> -> memref<120xf32, #tpu.memory_space<vmem>>
      %dma_start3A_281 = arith.constant 0 : i32
      %dma_start3A_282 = tpu.memref_slice %arg14[%dma_start3A_278, %dma_start3A_281] : memref<2x120xi32, #tpu.memory_space<vmem>> -> memref<1x120xi32, #tpu.memory_space<vmem>>
      %dma_start3A_283 = tpu.memref_squeeze %dma_start3A_282 : memref<1x120xi32, #tpu.memory_space<vmem>> -> memref<120xi32, #tpu.memory_space<vmem>>
      %dma_start3A_284 = arith.constant 0 : i32
      %dma_start3A_285 = tpu.memref_slice %arg7[%dma_start3A_284] : memref<10240xf32, #tpu.memory_space<vmem_shared>> -> memref<10240xf32, #tpu.memory_space<vmem_shared>>
      tpu.enqueue_indirect_dma source(%dma_start3A_280 : memref<120xf32, #tpu.memory_space<vmem>>) target(%dma_start3A_285 : memref<10240xf32, #tpu.memory_space<vmem_shared>>) offsets(%dma_start3A_283 : memref<120xi32, #tpu.memory_space<vmem>>) semaphore(%arg24 : memref<!tpu.dma_semaphore, #tpu.memory_space<semaphore_mem>>) {add = true}
      %mul3A_286 = arith.constant 12 : i32
      %mul3A_287 = arith.muli %scan3A_105, %mul3A_286 : i32
      %add3A_288 = arith.constant 3 : i32
      %add3A_289 = arith.addi %mul3A_287, %add3A_288 : i32
      %dma_wait3A_290 = arith.constant 0 : i32
      %dma_wait3A_291 = arith.constant 0 : i32
      %dma_wait3A_292 = tpu.memref_slice %arg2[%dma_wait3A_290, %dma_wait3A_291] : memref<10000x128xf32, #tpu.memory_space<hbm>> -> memref<120x128xf32, #tpu.memory_space<hbm>>
      %dma_wait3A_293 = arith.constant 0 : i32
      %dma_wait3A_294 = arith.constant 0 : i32
      %dma_wait3A_295 = tpu.memref_slice %arg2[%dma_wait3A_293, %dma_wait3A_294] : memref<10000x128xf32, #tpu.memory_space<hbm>> -> memref<120x128xf32, #tpu.memory_space<hbm>>
      tpu.wait_dma2 semaphore(%arg20 : memref<!tpu.dma_semaphore, #tpu.memory_space<semaphore_mem>>) src(%dma_wait3A_295 : memref<120x128xf32, #tpu.memory_space<hbm>>) dst(%arg10 : memref<120x128xf32, #tpu.memory_space<vmem>>)
      %dma_wait3A_296 = arith.constant 0 : i32
      %dma_wait3A_297 = arith.constant 0 : i32
      %dma_wait3A_298 = tpu.memref_slice %arg8[%dma_wait3A_297] : memref<120xf32, #tpu.memory_space<vmem>> -> memref<120xf32, #tpu.memory_space<vmem>>
      %dma_wait3A_299 = arith.constant 0 : i32
      %dma_wait3A_300 = tpu.memref_slice %arg2[%dma_wait3A_296, %dma_wait3A_299] : memref<10000x128xf32, #tpu.memory_space<hbm>> -> memref<1x120xf32, #tpu.memory_space<hbm>>
      %dma_wait3A_301 = tpu.memref_squeeze %dma_wait3A_300 : memref<1x120xf32, #tpu.memory_space<hbm>> -> memref<120xf32, #tpu.memory_space<hbm>>
      %dma_wait3A_302 = arith.constant 0 : i32
      %dma_wait3A_303 = tpu.memref_slice %arg8[%dma_wait3A_302] : memref<120xf32, #tpu.memory_space<vmem>> -> memref<120xf32, #tpu.memory_space<vmem>>
      %dma_wait3A_304 = arith.constant 0 : i32
      %dma_wait3A_305 = tpu.memref_slice %arg2[%dma_wait3A_296, %dma_wait3A_304] : memref<10000x128xf32, #tpu.memory_space<hbm>> -> memref<1x120xf32, #tpu.memory_space<hbm>>
      %dma_wait3A_306 = tpu.memref_squeeze %dma_wait3A_305 : memref<1x120xf32, #tpu.memory_space<hbm>> -> memref<120xf32, #tpu.memory_space<hbm>>
      tpu.wait_dma2 semaphore(%arg23 : memref<!tpu.dma_semaphore, #tpu.memory_space<semaphore_mem>>) src(%dma_wait3A_306 : memref<120xf32, #tpu.memory_space<hbm>>) dst(%dma_wait3A_303 : memref<120xf32, #tpu.memory_space<vmem>>)
      %add3A_307 = arith.addi %mul3A_2, %add3A_289 : i32
      %add3A_308 = arith.constant 2 : i32
      %add3A_309 = arith.addi %add3A_307, %add3A_308 : i32
      %dma_start3A_310 = arith.constant 0 : i32
      %dma_start3A_311 = arith.constant 0 : i32
      %dma_start3A_312 = tpu.memref_slice %arg3[%add3A_309, %dma_start3A_310, %dma_start3A_311] : memref<2688x2x120xi32, #tpu.memory_space<hbm>> -> memref<1x2x120xi32, #tpu.memory_space<hbm>>
      %dma_start3A_313 = tpu.memref_squeeze %dma_start3A_312 : memref<1x2x120xi32, #tpu.memory_space<hbm>> -> memref<2x120xi32, #tpu.memory_space<hbm>>
      %dma_start3A_314 = arith.constant 0 : i32
      %dma_start3A_315 = arith.constant 0 : i32
      %dma_start3A_316 = tpu.memref_slice %arg3[%add3A_309, %dma_start3A_314, %dma_start3A_315] : memref<2688x2x120xi32, #tpu.memory_space<hbm>> -> memref<1x2x120xi32, #tpu.memory_space<hbm>>
      %dma_start3A_317 = tpu.memref_squeeze %dma_start3A_316 : memref<1x2x120xi32, #tpu.memory_space<hbm>> -> memref<2x120xi32, #tpu.memory_space<hbm>>
      tpu.enqueue_dma source(%dma_start3A_317 : memref<2x120xi32, #tpu.memory_space<hbm>>) target(%arg13 : memref<2x120xi32, #tpu.memory_space<vmem>>) target_semaphore(%arg26 : memref<!tpu.dma_semaphore, #tpu.memory_space<semaphore_mem>>)
      %dma_wait3A_318 = arith.constant 0 : i32
      %dma_wait3A_319 = arith.constant 0 : i32
      %dma_wait3A_320 = arith.constant 0 : i32
      %dma_wait3A_321 = tpu.memref_slice %arg3[%dma_wait3A_318, %dma_wait3A_319, %dma_wait3A_320] : memref<2688x2x120xi32, #tpu.memory_space<hbm>> -> memref<1x2x120xi32, #tpu.memory_space<hbm>>
      %dma_wait3A_322 = tpu.memref_squeeze %dma_wait3A_321 : memref<1x2x120xi32, #tpu.memory_space<hbm>> -> memref<2x120xi32, #tpu.memory_space<hbm>>
      %dma_wait3A_323 = arith.constant 0 : i32
      %dma_wait3A_324 = arith.constant 0 : i32
      %dma_wait3A_325 = tpu.memref_slice %arg3[%dma_wait3A_318, %dma_wait3A_323, %dma_wait3A_324] : memref<2688x2x120xi32, #tpu.memory_space<hbm>> -> memref<1x2x120xi32, #tpu.memory_space<hbm>>
      %dma_wait3A_326 = tpu.memref_squeeze %dma_wait3A_325 : memref<1x2x120xi32, #tpu.memory_space<hbm>> -> memref<2x120xi32, #tpu.memory_space<hbm>>
      tpu.wait_dma2 semaphore(%arg25 : memref<!tpu.dma_semaphore, #tpu.memory_space<semaphore_mem>>) src(%dma_wait3A_326 : memref<2x120xi32, #tpu.memory_space<hbm>>) dst(%arg12 : memref<2x120xi32, #tpu.memory_space<vmem>>)
      %dma_start3A_327 = arith.constant 0 : i32
      %dma_start3A_328 = arith.constant 0 : i32
      %dma_start3A_329 = tpu.memref_slice %arg12[%dma_start3A_327, %dma_start3A_328] : memref<2x120xi32, #tpu.memory_space<vmem>> -> memref<1x120xi32, #tpu.memory_space<vmem>>
      %dma_start3A_330 = tpu.memref_squeeze %dma_start3A_329 : memref<1x120xi32, #tpu.memory_space<vmem>> -> memref<120xi32, #tpu.memory_space<vmem>>
      %dma_start3A_331 = arith.constant 0 : i32
      %dma_start3A_332 = arith.constant 0 : i32
      %dma_start3A_333 = tpu.memref_slice %arg2[%dma_start3A_331, %dma_start3A_332] : memref<10000x128xf32, #tpu.memory_space<hbm>> -> memref<10000x128xf32, #tpu.memory_space<hbm>>
      tpu.enqueue_indirect_dma source(%dma_start3A_333 : memref<10000x128xf32, #tpu.memory_space<hbm>>) target(%arg10 : memref<120x128xf32, #tpu.memory_space<vmem>>) offsets(%dma_start3A_330 : memref<120xi32, #tpu.memory_space<vmem>>) semaphore(%arg17 : memref<!tpu.dma_semaphore, #tpu.memory_space<semaphore_mem>>)
      %dma_wait3A_334 = arith.constant 0 : i32
      %dma_wait3A_335 = arith.constant 0 : i32
      %dma_wait3A_336 = tpu.memref_slice %arg2[%dma_wait3A_334, %dma_wait3A_335] : memref<10000x128xf32, #tpu.memory_space<hbm>> -> memref<120x128xf32, #tpu.memory_space<hbm>>
      %dma_wait3A_337 = arith.constant 0 : i32
      %dma_wait3A_338 = arith.constant 0 : i32
      %dma_wait3A_339 = tpu.memref_slice %arg2[%dma_wait3A_337, %dma_wait3A_338] : memref<10000x128xf32, #tpu.memory_space<hbm>> -> memref<120x128xf32, #tpu.memory_space<hbm>>
      tpu.wait_dma2 semaphore(%arg16 : memref<!tpu.dma_semaphore, #tpu.memory_space<semaphore_mem>>) src(%dma_wait3A_339 : memref<120x128xf32, #tpu.memory_space<hbm>>) dst(%arg9 : memref<120x128xf32, #tpu.memory_space<vmem>>)
      %dma_start3A_340 = arith.constant 1 : i32
      %dma_start3A_341 = arith.constant 0 : i32
      %dma_start3A_342 = tpu.memref_slice %arg15[%dma_start3A_340, %dma_start3A_341] : memref<2x120xi32, #tpu.memory_space<vmem>> -> memref<1x120xi32, #tpu.memory_space<vmem>>
      %dma_start3A_343 = tpu.memref_squeeze %dma_start3A_342 : memref<1x120xi32, #tpu.memory_space<vmem>> -> memref<120xi32, #tpu.memory_space<vmem>>
      %dma_start3A_344 = arith.constant 0 : i32
      %dma_start3A_345 = arith.constant 0 : i32
      %dma_start3A_346 = tpu.memref_slice %arg6[%dma_start3A_344, %dma_start3A_345] : memref<10240x128xf32, #tpu.memory_space<vmem_shared>> -> memref<10240x128xf32, #tpu.memory_space<vmem_shared>>
      tpu.enqueue_indirect_dma source(%arg9 : memref<120x128xf32, #tpu.memory_space<vmem>>) target(%dma_start3A_346 : memref<10240x128xf32, #tpu.memory_space<vmem_shared>>) offsets(%dma_start3A_343 : memref<120xi32, #tpu.memory_space<vmem>>) semaphore(%arg19 : memref<!tpu.dma_semaphore, #tpu.memory_space<semaphore_mem>>) {add = true}
      %dma_start3A_347 = arith.constant 1 : i32
      %dma_start3A_348 = arith.constant 0 : i32
      %dma_start3A_349 = tpu.memref_slice %arg8[%dma_start3A_348] : memref<120xf32, #tpu.memory_space<vmem>> -> memref<120xf32, #tpu.memory_space<vmem>>
      %dma_start3A_350 = arith.constant 0 : i32
      %dma_start3A_351 = tpu.memref_slice %arg15[%dma_start3A_347, %dma_start3A_350] : memref<2x120xi32, #tpu.memory_space<vmem>> -> memref<1x120xi32, #tpu.memory_space<vmem>>
      %dma_start3A_352 = tpu.memref_squeeze %dma_start3A_351 : memref<1x120xi32, #tpu.memory_space<vmem>> -> memref<120xi32, #tpu.memory_space<vmem>>
      %dma_start3A_353 = arith.constant 0 : i32
      %dma_start3A_354 = tpu.memref_slice %arg7[%dma_start3A_353] : memref<10240xf32, #tpu.memory_space<vmem_shared>> -> memref<10240xf32, #tpu.memory_space<vmem_shared>>
      tpu.enqueue_indirect_dma source(%dma_start3A_349 : memref<120xf32, #tpu.memory_space<vmem>>) target(%dma_start3A_354 : memref<10240xf32, #tpu.memory_space<vmem_shared>>) offsets(%dma_start3A_352 : memref<120xi32, #tpu.memory_space<vmem>>) semaphore(%arg22 : memref<!tpu.dma_semaphore, #tpu.memory_space<semaphore_mem>>) {add = true}
      %mul3A_355 = arith.constant 12 : i32
      %mul3A_356 = arith.muli %scan3A_105, %mul3A_355 : i32
      %add3A_357 = arith.constant 4 : i32
      %add3A_358 = arith.addi %mul3A_356, %add3A_357 : i32
      %dma_wait3A_359 = arith.constant 0 : i32
      %dma_wait3A_360 = arith.constant 0 : i32
      %dma_wait3A_361 = tpu.memref_slice %arg2[%dma_wait3A_359, %dma_wait3A_360] : memref<10000x128xf32, #tpu.memory_space<hbm>> -> memref<120x128xf32, #tpu.memory_space<hbm>>
      %dma_wait3A_362 = arith.constant 0 : i32
      %dma_wait3A_363 = arith.constant 0 : i32
      %dma_wait3A_364 = tpu.memref_slice %arg2[%dma_wait3A_362, %dma_wait3A_363] : memref<10000x128xf32, #tpu.memory_space<hbm>> -> memref<120x128xf32, #tpu.memory_space<hbm>>
      tpu.wait_dma2 semaphore(%arg21 : memref<!tpu.dma_semaphore, #tpu.memory_space<semaphore_mem>>) src(%dma_wait3A_364 : memref<120x128xf32, #tpu.memory_space<hbm>>) dst(%arg11 : memref<120x128xf32, #tpu.memory_space<vmem>>)
      %dma_wait3A_365 = arith.constant 0 : i32
      %dma_wait3A_366 = arith.constant 0 : i32
      %dma_wait3A_367 = tpu.memref_slice %arg8[%dma_wait3A_366] : memref<120xf32, #tpu.memory_space<vmem>> -> memref<120xf32, #tpu.memory_space<vmem>>
      %dma_wait3A_368 = arith.constant 0 : i32
      %dma_wait3A_369 = tpu.memref_slice %arg2[%dma_wait3A_365, %dma_wait3A_368] : memref<10000x128xf32, #tpu.memory_space<hbm>> -> memref<1x120xf32, #tpu.memory_space<hbm>>
      %dma_wait3A_370 = tpu.memref_squeeze %dma_wait3A_369 : memref<1x120xf32, #tpu.memory_space<hbm>> -> memref<120xf32, #tpu.memory_space<hbm>>
      %dma_wait3A_371 = arith.constant 0 : i32
      %dma_wait3A_372 = tpu.memref_slice %arg8[%dma_wait3A_371] : memref<120xf32, #tpu.memory_space<vmem>> -> memref<120xf32, #tpu.memory_space<vmem>>
      %dma_wait3A_373 = arith.constant 0 : i32
      %dma_wait3A_374 = tpu.memref_slice %arg2[%dma_wait3A_365, %dma_wait3A_373] : memref<10000x128xf32, #tpu.memory_space<hbm>> -> memref<1x120xf32, #tpu.memory_space<hbm>>
      %dma_wait3A_375 = tpu.memref_squeeze %dma_wait3A_374 : memref<1x120xf32, #tpu.memory_space<hbm>> -> memref<120xf32, #tpu.memory_space<hbm>>
      tpu.wait_dma2 semaphore(%arg24 : memref<!tpu.dma_semaphore, #tpu.memory_space<semaphore_mem>>) src(%dma_wait3A_375 : memref<120xf32, #tpu.memory_space<hbm>>) dst(%dma_wait3A_372 : memref<120xf32, #tpu.memory_space<vmem>>)
      %add3A_376 = arith.addi %mul3A_2, %add3A_358 : i32
      %add3A_377 = arith.constant 2 : i32
      %add3A_378 = arith.addi %add3A_376, %add3A_377 : i32
      %dma_start3A_379 = arith.constant 0 : i32
      %dma_start3A_380 = arith.constant 0 : i32
      %dma_start3A_381 = tpu.memref_slice %arg3[%add3A_378, %dma_start3A_379, %dma_start3A_380] : memref<2688x2x120xi32, #tpu.memory_space<hbm>> -> memref<1x2x120xi32, #tpu.memory_space<hbm>>
      %dma_start3A_382 = tpu.memref_squeeze %dma_start3A_381 : memref<1x2x120xi32, #tpu.memory_space<hbm>> -> memref<2x120xi32, #tpu.memory_space<hbm>>
      %dma_start3A_383 = arith.constant 0 : i32
      %dma_start3A_384 = arith.constant 0 : i32
      %dma_start3A_385 = tpu.memref_slice %arg3[%add3A_378, %dma_start3A_383, %dma_start3A_384] : memref<2688x2x120xi32, #tpu.memory_space<hbm>> -> memref<1x2x120xi32, #tpu.memory_space<hbm>>
      %dma_start3A_386 = tpu.memref_squeeze %dma_start3A_385 : memref<1x2x120xi32, #tpu.memory_space<hbm>> -> memref<2x120xi32, #tpu.memory_space<hbm>>
      tpu.enqueue_dma source(%dma_start3A_386 : memref<2x120xi32, #tpu.memory_space<hbm>>) target(%arg14 : memref<2x120xi32, #tpu.memory_space<vmem>>) target_semaphore(%arg27 : memref<!tpu.dma_semaphore, #tpu.memory_space<semaphore_mem>>)
      %dma_wait3A_387 = arith.constant 0 : i32
      %dma_wait3A_388 = arith.constant 0 : i32
      %dma_wait3A_389 = arith.constant 0 : i32
      %dma_wait3A_390 = tpu.memref_slice %arg3[%dma_wait3A_387, %dma_wait3A_388, %dma_wait3A_389] : memref<2688x2x120xi32, #tpu.memory_space<hbm>> -> memref<1x2x120xi32, #tpu.memory_space<hbm>>
      %dma_wait3A_391 = tpu.memref_squeeze %dma_wait3A_390 : memref<1x2x120xi32, #tpu.memory_space<hbm>> -> memref<2x120xi32, #tpu.memory_space<hbm>>
      %dma_wait3A_392 = arith.constant 0 : i32
      %dma_wait3A_393 = arith.constant 0 : i32
      %dma_wait3A_394 = tpu.memref_slice %arg3[%dma_wait3A_387, %dma_wait3A_392, %dma_wait3A_393] : memref<2688x2x120xi32, #tpu.memory_space<hbm>> -> memref<1x2x120xi32, #tpu.memory_space<hbm>>
      %dma_wait3A_395 = tpu.memref_squeeze %dma_wait3A_394 : memref<1x2x120xi32, #tpu.memory_space<hbm>> -> memref<2x120xi32, #tpu.memory_space<hbm>>
      tpu.wait_dma2 semaphore(%arg26 : memref<!tpu.dma_semaphore, #tpu.memory_space<semaphore_mem>>) src(%dma_wait3A_395 : memref<2x120xi32, #tpu.memory_space<hbm>>) dst(%arg13 : memref<2x120xi32, #tpu.memory_space<vmem>>)
      %dma_start3A_396 = arith.constant 0 : i32
      %dma_start3A_397 = arith.constant 0 : i32
      %dma_start3A_398 = tpu.memref_slice %arg13[%dma_start3A_396, %dma_start3A_397] : memref<2x120xi32, #tpu.memory_space<vmem>> -> memref<1x120xi32, #tpu.memory_space<vmem>>
      %dma_start3A_399 = tpu.memref_squeeze %dma_start3A_398 : memref<1x120xi32, #tpu.memory_space<vmem>> -> memref<120xi32, #tpu.memory_space<vmem>>
      %dma_start3A_400 = arith.constant 0 : i32
      %dma_start3A_401 = arith.constant 0 : i32
      %dma_start3A_402 = tpu.memref_slice %arg2[%dma_start3A_400, %dma_start3A_401] : memref<10000x128xf32, #tpu.memory_space<hbm>> -> memref<10000x128xf32, #tpu.memory_space<hbm>>
      tpu.enqueue_indirect_dma source(%dma_start3A_402 : memref<10000x128xf32, #tpu.memory_space<hbm>>) target(%arg11 : memref<120x128xf32, #tpu.memory_space<vmem>>) offsets(%dma_start3A_399 : memref<120xi32, #tpu.memory_space<vmem>>) semaphore(%arg18 : memref<!tpu.dma_semaphore, #tpu.memory_space<semaphore_mem>>)
      %dma_wait3A_403 = arith.constant 0 : i32
      %dma_wait3A_404 = arith.constant 0 : i32
      %dma_wait3A_405 = tpu.memref_slice %arg2[%dma_wait3A_403, %dma_wait3A_404] : memref<10000x128xf32, #tpu.memory_space<hbm>> -> memref<120x128xf32, #tpu.memory_space<hbm>>
      %dma_wait3A_406 = arith.constant 0 : i32
      %dma_wait3A_407 = arith.constant 0 : i32
      %dma_wait3A_408 = tpu.memref_slice %arg2[%dma_wait3A_406, %dma_wait3A_407] : memref<10000x128xf32, #tpu.memory_space<hbm>> -> memref<120x128xf32, #tpu.memory_space<hbm>>
      tpu.wait_dma2 semaphore(%arg17 : memref<!tpu.dma_semaphore, #tpu.memory_space<semaphore_mem>>) src(%dma_wait3A_408 : memref<120x128xf32, #tpu.memory_space<hbm>>) dst(%arg10 : memref<120x128xf32, #tpu.memory_space<vmem>>)
      %dma_start3A_409 = arith.constant 1 : i32
      %dma_start3A_410 = arith.constant 0 : i32
      %dma_start3A_411 = tpu.memref_slice %arg12[%dma_start3A_409, %dma_start3A_410] : memref<2x120xi32, #tpu.memory_space<vmem>> -> memref<1x120xi32, #tpu.memory_space<vmem>>
      %dma_start3A_412 = tpu.memref_squeeze %dma_start3A_411 : memref<1x120xi32, #tpu.memory_space<vmem>> -> memref<120xi32, #tpu.memory_space<vmem>>
      %dma_start3A_413 = arith.constant 0 : i32
      %dma_start3A_414 = arith.constant 0 : i32
      %dma_start3A_415 = tpu.memref_slice %arg6[%dma_start3A_413, %dma_start3A_414] : memref<10240x128xf32, #tpu.memory_space<vmem_shared>> -> memref<10240x128xf32, #tpu.memory_space<vmem_shared>>
      tpu.enqueue_indirect_dma source(%arg10 : memref<120x128xf32, #tpu.memory_space<vmem>>) target(%dma_start3A_415 : memref<10240x128xf32, #tpu.memory_space<vmem_shared>>) offsets(%dma_start3A_412 : memref<120xi32, #tpu.memory_space<vmem>>) semaphore(%arg20 : memref<!tpu.dma_semaphore, #tpu.memory_space<semaphore_mem>>) {add = true}
      %dma_start3A_416 = arith.constant 1 : i32
      %dma_start3A_417 = arith.constant 0 : i32
      %dma_start3A_418 = tpu.memref_slice %arg8[%dma_start3A_417] : memref<120xf32, #tpu.memory_space<vmem>> -> memref<120xf32, #tpu.memory_space<vmem>>
      %dma_start3A_419 = arith.constant 0 : i32
      %dma_start3A_420 = tpu.memref_slice %arg12[%dma_start3A_416, %dma_start3A_419] : memref<2x120xi32, #tpu.memory_space<vmem>> -> memref<1x120xi32, #tpu.memory_space<vmem>>
      %dma_start3A_421 = tpu.memref_squeeze %dma_start3A_420 : memref<1x120xi32, #tpu.memory_space<vmem>> -> memref<120xi32, #tpu.memory_space<vmem>>
      %dma_start3A_422 = arith.constant 0 : i32
      %dma_start3A_423 = tpu.memref_slice %arg7[%dma_start3A_422] : memref<10240xf32, #tpu.memory_space<vmem_shared>> -> memref<10240xf32, #tpu.memory_space<vmem_shared>>
      tpu.enqueue_indirect_dma source(%dma_start3A_418 : memref<120xf32, #tpu.memory_space<vmem>>) target(%dma_start3A_423 : memref<10240xf32, #tpu.memory_space<vmem_shared>>) offsets(%dma_start3A_421 : memref<120xi32, #tpu.memory_space<vmem>>) semaphore(%arg23 : memref<!tpu.dma_semaphore, #tpu.memory_space<semaphore_mem>>) {add = true}
      %mul3A_424 = arith.constant 12 : i32
      %mul3A_425 = arith.muli %scan3A_105, %mul3A_424 : i32
      %add3A_426 = arith.constant 5 : i32
      %add3A_427 = arith.addi %mul3A_425, %add3A_426 : i32
      %dma_wait3A_428 = arith.constant 0 : i32
      %dma_wait3A_429 = arith.constant 0 : i32
      %dma_wait3A_430 = tpu.memref_slice %arg2[%dma_wait3A_428, %dma_wait3A_429] : memref<10000x128xf32, #tpu.memory_space<hbm>> -> memref<120x128xf32, #tpu.memory_space<hbm>>
      %dma_wait3A_431 = arith.constant 0 : i32
      %dma_wait3A_432 = arith.constant 0 : i32
      %dma_wait3A_433 = tpu.memref_slice %arg2[%dma_wait3A_431, %dma_wait3A_432] : memref<10000x128xf32, #tpu.memory_space<hbm>> -> memref<120x128xf32, #tpu.memory_space<hbm>>
      tpu.wait_dma2 semaphore(%arg19 : memref<!tpu.dma_semaphore, #tpu.memory_space<semaphore_mem>>) src(%dma_wait3A_433 : memref<120x128xf32, #tpu.memory_space<hbm>>) dst(%arg9 : memref<120x128xf32, #tpu.memory_space<vmem>>)
      %dma_wait3A_434 = arith.constant 0 : i32
      %dma_wait3A_435 = arith.constant 0 : i32
      %dma_wait3A_436 = tpu.memref_slice %arg8[%dma_wait3A_435] : memref<120xf32, #tpu.memory_space<vmem>> -> memref<120xf32, #tpu.memory_space<vmem>>
      %dma_wait3A_437 = arith.constant 0 : i32
      %dma_wait3A_438 = tpu.memref_slice %arg2[%dma_wait3A_434, %dma_wait3A_437] : memref<10000x128xf32, #tpu.memory_space<hbm>> -> memref<1x120xf32, #tpu.memory_space<hbm>>
      %dma_wait3A_439 = tpu.memref_squeeze %dma_wait3A_438 : memref<1x120xf32, #tpu.memory_space<hbm>> -> memref<120xf32, #tpu.memory_space<hbm>>
      %dma_wait3A_440 = arith.constant 0 : i32
      %dma_wait3A_441 = tpu.memref_slice %arg8[%dma_wait3A_440] : memref<120xf32, #tpu.memory_space<vmem>> -> memref<120xf32, #tpu.memory_space<vmem>>
      %dma_wait3A_442 = arith.constant 0 : i32
      %dma_wait3A_443 = tpu.memref_slice %arg2[%dma_wait3A_434, %dma_wait3A_442] : memref<10000x128xf32, #tpu.memory_space<hbm>> -> memref<1x120xf32, #tpu.memory_space<hbm>>
      %dma_wait3A_444 = tpu.memref_squeeze %dma_wait3A_443 : memref<1x120xf32, #tpu.memory_space<hbm>> -> memref<120xf32, #tpu.memory_space<hbm>>
      tpu.wait_dma2 semaphore(%arg22 : memref<!tpu.dma_semaphore, #tpu.memory_space<semaphore_mem>>) src(%dma_wait3A_444 : memref<120xf32, #tpu.memory_space<hbm>>) dst(%dma_wait3A_441 : memref<120xf32, #tpu.memory_space<vmem>>)
      %add3A_445 = arith.addi %mul3A_2, %add3A_427 : i32
      %add3A_446 = arith.constant 2 : i32
      %add3A_447 = arith.addi %add3A_445, %add3A_446 : i32
      %dma_start3A_448 = arith.constant 0 : i32
      %dma_start3A_449 = arith.constant 0 : i32
      %dma_start3A_450 = tpu.memref_slice %arg3[%add3A_447, %dma_start3A_448, %dma_start3A_449] : memref<2688x2x120xi32, #tpu.memory_space<hbm>> -> memref<1x2x120xi32, #tpu.memory_space<hbm>>
      %dma_start3A_451 = tpu.memref_squeeze %dma_start3A_450 : memref<1x2x120xi32, #tpu.memory_space<hbm>> -> memref<2x120xi32, #tpu.memory_space<hbm>>
      %dma_start3A_452 = arith.constant 0 : i32
      %dma_start3A_453 = arith.constant 0 : i32
      %dma_start3A_454 = tpu.memref_slice %arg3[%add3A_447, %dma_start3A_452, %dma_start3A_453] : memref<2688x2x120xi32, #tpu.memory_space<hbm>> -> memref<1x2x120xi32, #tpu.memory_space<hbm>>
      %dma_start3A_455 = tpu.memref_squeeze %dma_start3A_454 : memref<1x2x120xi32, #tpu.memory_space<hbm>> -> memref<2x120xi32, #tpu.memory_space<hbm>>
      tpu.enqueue_dma source(%dma_start3A_455 : memref<2x120xi32, #tpu.memory_space<hbm>>) target(%arg15 : memref<2x120xi32, #tpu.memory_space<vmem>>) target_semaphore(%arg28 : memref<!tpu.dma_semaphore, #tpu.memory_space<semaphore_mem>>)
      %dma_wait3A_456 = arith.constant 0 : i32
      %dma_wait3A_457 = arith.constant 0 : i32
      %dma_wait3A_458 = arith.constant 0 : i32
      %dma_wait3A_459 = tpu.memref_slice %arg3[%dma_wait3A_456, %dma_wait3A_457, %dma_wait3A_458] : memref<2688x2x120xi32, #tpu.memory_space<hbm>> -> memref<1x2x120xi32, #tpu.memory_space<hbm>>
      %dma_wait3A_460 = tpu.memref_squeeze %dma_wait3A_459 : memref<1x2x120xi32, #tpu.memory_space<hbm>> -> memref<2x120xi32, #tpu.memory_space<hbm>>
      %dma_wait3A_461 = arith.constant 0 : i32
      %dma_wait3A_462 = arith.constant 0 : i32
      %dma_wait3A_463 = tpu.memref_slice %arg3[%dma_wait3A_456, %dma_wait3A_461, %dma_wait3A_462] : memref<2688x2x120xi32, #tpu.memory_space<hbm>> -> memref<1x2x120xi32, #tpu.memory_space<hbm>>
      %dma_wait3A_464 = tpu.memref_squeeze %dma_wait3A_463 : memref<1x2x120xi32, #tpu.memory_space<hbm>> -> memref<2x120xi32, #tpu.memory_space<hbm>>
      tpu.wait_dma2 semaphore(%arg27 : memref<!tpu.dma_semaphore, #tpu.memory_space<semaphore_mem>>) src(%dma_wait3A_464 : memref<2x120xi32, #tpu.memory_space<hbm>>) dst(%arg14 : memref<2x120xi32, #tpu.memory_space<vmem>>)
      %dma_start3A_465 = arith.constant 0 : i32
      %dma_start3A_466 = arith.constant 0 : i32
      %dma_start3A_467 = tpu.memref_slice %arg14[%dma_start3A_465, %dma_start3A_466] : memref<2x120xi32, #tpu.memory_space<vmem>> -> memref<1x120xi32, #tpu.memory_space<vmem>>
      %dma_start3A_468 = tpu.memref_squeeze %dma_start3A_467 : memref<1x120xi32, #tpu.memory_space<vmem>> -> memref<120xi32, #tpu.memory_space<vmem>>
      %dma_start3A_469 = arith.constant 0 : i32
      %dma_start3A_470 = arith.constant 0 : i32
      %dma_start3A_471 = tpu.memref_slice %arg2[%dma_start3A_469, %dma_start3A_470] : memref<10000x128xf32, #tpu.memory_space<hbm>> -> memref<10000x128xf32, #tpu.memory_space<hbm>>
      tpu.enqueue_indirect_dma source(%dma_start3A_471 : memref<10000x128xf32, #tpu.memory_space<hbm>>) target(%arg9 : memref<120x128xf32, #tpu.memory_space<vmem>>) offsets(%dma_start3A_468 : memref<120xi32, #tpu.memory_space<vmem>>) semaphore(%arg16 : memref<!tpu.dma_semaphore, #tpu.memory_space<semaphore_mem>>)
      %dma_wait3A_472 = arith.constant 0 : i32
      %dma_wait3A_473 = arith.constant 0 : i32
      %dma_wait3A_474 = tpu.memref_slice %arg2[%dma_wait3A_472, %dma_wait3A_473] : memref<10000x128xf32, #tpu.memory_space<hbm>> -> memref<120x128xf32, #tpu.memory_space<hbm>>
      %dma_wait3A_475 = arith.constant 0 : i32
      %dma_wait3A_476 = arith.constant 0 : i32
      %dma_wait3A_477 = tpu.memref_slice %arg2[%dma_wait3A_475, %dma_wait3A_476] : memref<10000x128xf32, #tpu.memory_space<hbm>> -> memref<120x128xf32, #tpu.memory_space<hbm>>
      tpu.wait_dma2 semaphore(%arg18 : memref<!tpu.dma_semaphore, #tpu.memory_space<semaphore_mem>>) src(%dma_wait3A_477 : memref<120x128xf32, #tpu.memory_space<hbm>>) dst(%arg11 : memref<120x128xf32, #tpu.memory_space<vmem>>)
      %dma_start3A_478 = arith.constant 1 : i32
      %dma_start3A_479 = arith.constant 0 : i32
      %dma_start3A_480 = tpu.memref_slice %arg13[%dma_start3A_478, %dma_start3A_479] : memref<2x120xi32, #tpu.memory_space<vmem>> -> memref<1x120xi32, #tpu.memory_space<vmem>>
      %dma_start3A_481 = tpu.memref_squeeze %dma_start3A_480 : memref<1x120xi32, #tpu.memory_space<vmem>> -> memref<120xi32, #tpu.memory_space<vmem>>
      %dma_start3A_482 = arith.constant 0 : i32
      %dma_start3A_483 = arith.constant 0 : i32
      %dma_start3A_484 = tpu.memref_slice %arg6[%dma_start3A_482, %dma_start3A_483] : memref<10240x128xf32, #tpu.memory_space<vmem_shared>> -> memref<10240x128xf32, #tpu.memory_space<vmem_shared>>
      tpu.enqueue_indirect_dma source(%arg11 : memref<120x128xf32, #tpu.memory_space<vmem>>) target(%dma_start3A_484 : memref<10240x128xf32, #tpu.memory_space<vmem_shared>>) offsets(%dma_start3A_481 : memref<120xi32, #tpu.memory_space<vmem>>) semaphore(%arg21 : memref<!tpu.dma_semaphore, #tpu.memory_space<semaphore_mem>>) {add = true}
      %dma_start3A_485 = arith.constant 1 : i32
      %dma_start3A_486 = arith.constant 0 : i32
      %dma_start3A_487 = tpu.memref_slice %arg8[%dma_start3A_486] : memref<120xf32, #tpu.memory_space<vmem>> -> memref<120xf32, #tpu.memory_space<vmem>>
      %dma_start3A_488 = arith.constant 0 : i32
      %dma_start3A_489 = tpu.memref_slice %arg13[%dma_start3A_485, %dma_start3A_488] : memref<2x120xi32, #tpu.memory_space<vmem>> -> memref<1x120xi32, #tpu.memory_space<vmem>>
      %dma_start3A_490 = tpu.memref_squeeze %dma_start3A_489 : memref<1x120xi32, #tpu.memory_space<vmem>> -> memref<120xi32, #tpu.memory_space<vmem>>
      %dma_start3A_491 = arith.constant 0 : i32
      %dma_start3A_492 = tpu.memref_slice %arg7[%dma_start3A_491] : memref<10240xf32, #tpu.memory_space<vmem_shared>> -> memref<10240xf32, #tpu.memory_space<vmem_shared>>
      tpu.enqueue_indirect_dma source(%dma_start3A_487 : memref<120xf32, #tpu.memory_space<vmem>>) target(%dma_start3A_492 : memref<10240xf32, #tpu.memory_space<vmem_shared>>) offsets(%dma_start3A_490 : memref<120xi32, #tpu.memory_space<vmem>>) semaphore(%arg24 : memref<!tpu.dma_semaphore, #tpu.memory_space<semaphore_mem>>) {add = true}
      %mul3A_493 = arith.constant 12 : i32
      %mul3A_494 = arith.muli %scan3A_105, %mul3A_493 : i32
      %add3A_495 = arith.constant 6 : i32
      %add3A_496 = arith.addi %mul3A_494, %add3A_495 : i32
      %dma_wait3A_497 = arith.constant 0 : i32
      %dma_wait3A_498 = arith.constant 0 : i32
      %dma_wait3A_499 = tpu.memref_slice %arg2[%dma_wait3A_497, %dma_wait3A_498] : memref<10000x128xf32, #tpu.memory_space<hbm>> -> memref<120x128xf32, #tpu.memory_space<hbm>>
      %dma_wait3A_500 = arith.constant 0 : i32
      %dma_wait3A_501 = arith.constant 0 : i32
      %dma_wait3A_502 = tpu.memref_slice %arg2[%dma_wait3A_500, %dma_wait3A_501] : memref<10000x128xf32, #tpu.memory_space<hbm>> -> memref<120x128xf32, #tpu.memory_space<hbm>>
      tpu.wait_dma2 semaphore(%arg20 : memref<!tpu.dma_semaphore, #tpu.memory_space<semaphore_mem>>) src(%dma_wait3A_502 : memref<120x128xf32, #tpu.memory_space<hbm>>) dst(%arg10 : memref<120x128xf32, #tpu.memory_space<vmem>>)
      %dma_wait3A_503 = arith.constant 0 : i32
      %dma_wait3A_504 = arith.constant 0 : i32
      %dma_wait3A_505 = tpu.memref_slice %arg8[%dma_wait3A_504] : memref<120xf32, #tpu.memory_space<vmem>> -> memref<120xf32, #tpu.memory_space<vmem>>
      %dma_wait3A_506 = arith.constant 0 : i32
      %dma_wait3A_507 = tpu.memref_slice %arg2[%dma_wait3A_503, %dma_wait3A_506] : memref<10000x128xf32, #tpu.memory_space<hbm>> -> memref<1x120xf32, #tpu.memory_space<hbm>>
      %dma_wait3A_508 = tpu.memref_squeeze %dma_wait3A_507 : memref<1x120xf32, #tpu.memory_space<hbm>> -> memref<120xf32, #tpu.memory_space<hbm>>
      %dma_wait3A_509 = arith.constant 0 : i32
      %dma_wait3A_510 = tpu.memref_slice %arg8[%dma_wait3A_509] : memref<120xf32, #tpu.memory_space<vmem>> -> memref<120xf32, #tpu.memory_space<vmem>>
      %dma_wait3A_511 = arith.constant 0 : i32
      %dma_wait3A_512 = tpu.memref_slice %arg2[%dma_wait3A_503, %dma_wait3A_511] : memref<10000x128xf32, #tpu.memory_space<hbm>> -> memref<1x120xf32, #tpu.memory_space<hbm>>
      %dma_wait3A_513 = tpu.memref_squeeze %dma_wait3A_512 : memref<1x120xf32, #tpu.memory_space<hbm>> -> memref<120xf32, #tpu.memory_space<hbm>>
      tpu.wait_dma2 semaphore(%arg23 : memref<!tpu.dma_semaphore, #tpu.memory_space<semaphore_mem>>) src(%dma_wait3A_513 : memref<120xf32, #tpu.memory_space<hbm>>) dst(%dma_wait3A_510 : memref<120xf32, #tpu.memory_space<vmem>>)
      %add3A_514 = arith.addi %mul3A_2, %add3A_496 : i32
      %add3A_515 = arith.constant 2 : i32
      %add3A_516 = arith.addi %add3A_514, %add3A_515 : i32
      %dma_start3A_517 = arith.constant 0 : i32
      %dma_start3A_518 = arith.constant 0 : i32
      %dma_start3A_519 = tpu.memref_slice %arg3[%add3A_516, %dma_start3A_517, %dma_start3A_518] : memref<2688x2x120xi32, #tpu.memory_space<hbm>> -> memref<1x2x120xi32, #tpu.memory_space<hbm>>
      %dma_start3A_520 = tpu.memref_squeeze %dma_start3A_519 : memref<1x2x120xi32, #tpu.memory_space<hbm>> -> memref<2x120xi32, #tpu.memory_space<hbm>>
      %dma_start3A_521 = arith.constant 0 : i32
      %dma_start3A_522 = arith.constant 0 : i32
      %dma_start3A_523 = tpu.memref_slice %arg3[%add3A_516, %dma_start3A_521, %dma_start3A_522] : memref<2688x2x120xi32, #tpu.memory_space<hbm>> -> memref<1x2x120xi32, #tpu.memory_space<hbm>>
      %dma_start3A_524 = tpu.memref_squeeze %dma_start3A_523 : memref<1x2x120xi32, #tpu.memory_space<hbm>> -> memref<2x120xi32, #tpu.memory_space<hbm>>
      tpu.enqueue_dma source(%dma_start3A_524 : memref<2x120xi32, #tpu.memory_space<hbm>>) target(%arg12 : memref<2x120xi32, #tpu.memory_space<vmem>>) target_semaphore(%arg25 : memref<!tpu.dma_semaphore, #tpu.memory_space<semaphore_mem>>)
      %dma_wait3A_525 = arith.constant 0 : i32
      %dma_wait3A_526 = arith.constant 0 : i32
      %dma_wait3A_527 = arith.constant 0 : i32
      %dma_wait3A_528 = tpu.memref_slice %arg3[%dma_wait3A_525, %dma_wait3A_526, %dma_wait3A_527] : memref<2688x2x120xi32, #tpu.memory_space<hbm>> -> memref<1x2x120xi32, #tpu.memory_space<hbm>>
      %dma_wait3A_529 = tpu.memref_squeeze %dma_wait3A_528 : memref<1x2x120xi32, #tpu.memory_space<hbm>> -> memref<2x120xi32, #tpu.memory_space<hbm>>
      %dma_wait3A_530 = arith.constant 0 : i32
      %dma_wait3A_531 = arith.constant 0 : i32
      %dma_wait3A_532 = tpu.memref_slice %arg3[%dma_wait3A_525, %dma_wait3A_530, %dma_wait3A_531] : memref<2688x2x120xi32, #tpu.memory_space<hbm>> -> memref<1x2x120xi32, #tpu.memory_space<hbm>>
      %dma_wait3A_533 = tpu.memref_squeeze %dma_wait3A_532 : memref<1x2x120xi32, #tpu.memory_space<hbm>> -> memref<2x120xi32, #tpu.memory_space<hbm>>
      tpu.wait_dma2 semaphore(%arg28 : memref<!tpu.dma_semaphore, #tpu.memory_space<semaphore_mem>>) src(%dma_wait3A_533 : memref<2x120xi32, #tpu.memory_space<hbm>>) dst(%arg15 : memref<2x120xi32, #tpu.memory_space<vmem>>)
      %dma_start3A_534 = arith.constant 0 : i32
      %dma_start3A_535 = arith.constant 0 : i32
      %dma_start3A_536 = tpu.memref_slice %arg15[%dma_start3A_534, %dma_start3A_535] : memref<2x120xi32, #tpu.memory_space<vmem>> -> memref<1x120xi32, #tpu.memory_space<vmem>>
      %dma_start3A_537 = tpu.memref_squeeze %dma_start3A_536 : memref<1x120xi32, #tpu.memory_space<vmem>> -> memref<120xi32, #tpu.memory_space<vmem>>
      %dma_start3A_538 = arith.constant 0 : i32
      %dma_start3A_539 = arith.constant 0 : i32
      %dma_start3A_540 = tpu.memref_slice %arg2[%dma_start3A_538, %dma_start3A_539] : memref<10000x128xf32, #tpu.memory_space<hbm>> -> memref<10000x128xf32, #tpu.memory_space<hbm>>
      tpu.enqueue_indirect_dma source(%dma_start3A_540 : memref<10000x128xf32, #tpu.memory_space<hbm>>) target(%arg10 : memref<120x128xf32, #tpu.memory_space<vmem>>) offsets(%dma_start3A_537 : memref<120xi32, #tpu.memory_space<vmem>>) semaphore(%arg17 : memref<!tpu.dma_semaphore, #tpu.memory_space<semaphore_mem>>)
      %dma_wait3A_541 = arith.constant 0 : i32
      %dma_wait3A_542 = arith.constant 0 : i32
      %dma_wait3A_543 = tpu.memref_slice %arg2[%dma_wait3A_541, %dma_wait3A_542] : memref<10000x128xf32, #tpu.memory_space<hbm>> -> memref<120x128xf32, #tpu.memory_space<hbm>>
      %dma_wait3A_544 = arith.constant 0 : i32
      %dma_wait3A_545 = arith.constant 0 : i32
      %dma_wait3A_546 = tpu.memref_slice %arg2[%dma_wait3A_544, %dma_wait3A_545] : memref<10000x128xf32, #tpu.memory_space<hbm>> -> memref<120x128xf32, #tpu.memory_space<hbm>>
      tpu.wait_dma2 semaphore(%arg16 : memref<!tpu.dma_semaphore, #tpu.memory_space<semaphore_mem>>) src(%dma_wait3A_546 : memref<120x128xf32, #tpu.memory_space<hbm>>) dst(%arg9 : memref<120x128xf32, #tpu.memory_space<vmem>>)
      %dma_start3A_547 = arith.constant 1 : i32
      %dma_start3A_548 = arith.constant 0 : i32
      %dma_start3A_549 = tpu.memref_slice %arg14[%dma_start3A_547, %dma_start3A_548] : memref<2x120xi32, #tpu.memory_space<vmem>> -> memref<1x120xi32, #tpu.memory_space<vmem>>
      %dma_start3A_550 = tpu.memref_squeeze %dma_start3A_549 : memref<1x120xi32, #tpu.memory_space<vmem>> -> memref<120xi32, #tpu.memory_space<vmem>>
      %dma_start3A_551 = arith.constant 0 : i32
      %dma_start3A_552 = arith.constant 0 : i32
      %dma_start3A_553 = tpu.memref_slice %arg6[%dma_start3A_551, %dma_start3A_552] : memref<10240x128xf32, #tpu.memory_space<vmem_shared>> -> memref<10240x128xf32, #tpu.memory_space<vmem_shared>>
      tpu.enqueue_indirect_dma source(%arg9 : memref<120x128xf32, #tpu.memory_space<vmem>>) target(%dma_start3A_553 : memref<10240x128xf32, #tpu.memory_space<vmem_shared>>) offsets(%dma_start3A_550 : memref<120xi32, #tpu.memory_space<vmem>>) semaphore(%arg19 : memref<!tpu.dma_semaphore, #tpu.memory_space<semaphore_mem>>) {add = true}
      %dma_start3A_554 = arith.constant 1 : i32
      %dma_start3A_555 = arith.constant 0 : i32
      %dma_start3A_556 = tpu.memref_slice %arg8[%dma_start3A_555] : memref<120xf32, #tpu.memory_space<vmem>> -> memref<120xf32, #tpu.memory_space<vmem>>
      %dma_start3A_557 = arith.constant 0 : i32
      %dma_start3A_558 = tpu.memref_slice %arg14[%dma_start3A_554, %dma_start3A_557] : memref<2x120xi32, #tpu.memory_space<vmem>> -> memref<1x120xi32, #tpu.memory_space<vmem>>
      %dma_start3A_559 = tpu.memref_squeeze %dma_start3A_558 : memref<1x120xi32, #tpu.memory_space<vmem>> -> memref<120xi32, #tpu.memory_space<vmem>>
      %dma_start3A_560 = arith.constant 0 : i32
      %dma_start3A_561 = tpu.memref_slice %arg7[%dma_start3A_560] : memref<10240xf32, #tpu.memory_space<vmem_shared>> -> memref<10240xf32, #tpu.memory_space<vmem_shared>>
      tpu.enqueue_indirect_dma source(%dma_start3A_556 : memref<120xf32, #tpu.memory_space<vmem>>) target(%dma_start3A_561 : memref<10240xf32, #tpu.memory_space<vmem_shared>>) offsets(%dma_start3A_559 : memref<120xi32, #tpu.memory_space<vmem>>) semaphore(%arg22 : memref<!tpu.dma_semaphore, #tpu.memory_space<semaphore_mem>>) {add = true}
      %mul3A_562 = arith.constant 12 : i32
      %mul3A_563 = arith.muli %scan3A_105, %mul3A_562 : i32
      %add3A_564 = arith.constant 7 : i32
      %add3A_565 = arith.addi %mul3A_563, %add3A_564 : i32
      %dma_wait3A_566 = arith.constant 0 : i32
      %dma_wait3A_567 = arith.constant 0 : i32
      %dma_wait3A_568 = tpu.memref_slice %arg2[%dma_wait3A_566, %dma_wait3A_567] : memref<10000x128xf32, #tpu.memory_space<hbm>> -> memref<120x128xf32, #tpu.memory_space<hbm>>
      %dma_wait3A_569 = arith.constant 0 : i32
      %dma_wait3A_570 = arith.constant 0 : i32
      %dma_wait3A_571 = tpu.memref_slice %arg2[%dma_wait3A_569, %dma_wait3A_570] : memref<10000x128xf32, #tpu.memory_space<hbm>> -> memref<120x128xf32, #tpu.memory_space<hbm>>
      tpu.wait_dma2 semaphore(%arg21 : memref<!tpu.dma_semaphore, #tpu.memory_space<semaphore_mem>>) src(%dma_wait3A_571 : memref<120x128xf32, #tpu.memory_space<hbm>>) dst(%arg11 : memref<120x128xf32, #tpu.memory_space<vmem>>)
      %dma_wait3A_572 = arith.constant 0 : i32
      %dma_wait3A_573 = arith.constant 0 : i32
      %dma_wait3A_574 = tpu.memref_slice %arg8[%dma_wait3A_573] : memref<120xf32, #tpu.memory_space<vmem>> -> memref<120xf32, #tpu.memory_space<vmem>>
      %dma_wait3A_575 = arith.constant 0 : i32
      %dma_wait3A_576 = tpu.memref_slice %arg2[%dma_wait3A_572, %dma_wait3A_575] : memref<10000x128xf32, #tpu.memory_space<hbm>> -> memref<1x120xf32, #tpu.memory_space<hbm>>
      %dma_wait3A_577 = tpu.memref_squeeze %dma_wait3A_576 : memref<1x120xf32, #tpu.memory_space<hbm>> -> memref<120xf32, #tpu.memory_space<hbm>>
      %dma_wait3A_578 = arith.constant 0 : i32
      %dma_wait3A_579 = tpu.memref_slice %arg8[%dma_wait3A_578] : memref<120xf32, #tpu.memory_space<vmem>> -> memref<120xf32, #tpu.memory_space<vmem>>
      %dma_wait3A_580 = arith.constant 0 : i32
      %dma_wait3A_581 = tpu.memref_slice %arg2[%dma_wait3A_572, %dma_wait3A_580] : memref<10000x128xf32, #tpu.memory_space<hbm>> -> memref<1x120xf32, #tpu.memory_space<hbm>>
      %dma_wait3A_582 = tpu.memref_squeeze %dma_wait3A_581 : memref<1x120xf32, #tpu.memory_space<hbm>> -> memref<120xf32, #tpu.memory_space<hbm>>
      tpu.wait_dma2 semaphore(%arg24 : memref<!tpu.dma_semaphore, #tpu.memory_space<semaphore_mem>>) src(%dma_wait3A_582 : memref<120xf32, #tpu.memory_space<hbm>>) dst(%dma_wait3A_579 : memref<120xf32, #tpu.memory_space<vmem>>)
      %add3A_583 = arith.addi %mul3A_2, %add3A_565 : i32
      %add3A_584 = arith.constant 2 : i32
      %add3A_585 = arith.addi %add3A_583, %add3A_584 : i32
      %dma_start3A_586 = arith.constant 0 : i32
      %dma_start3A_587 = arith.constant 0 : i32
      %dma_start3A_588 = tpu.memref_slice %arg3[%add3A_585, %dma_start3A_586, %dma_start3A_587] : memref<2688x2x120xi32, #tpu.memory_space<hbm>> -> memref<1x2x120xi32, #tpu.memory_space<hbm>>
      %dma_start3A_589 = tpu.memref_squeeze %dma_start3A_588 : memref<1x2x120xi32, #tpu.memory_space<hbm>> -> memref<2x120xi32, #tpu.memory_space<hbm>>
      %dma_start3A_590 = arith.constant 0 : i32
      %dma_start3A_591 = arith.constant 0 : i32
      %dma_start3A_592 = tpu.memref_slice %arg3[%add3A_585, %dma_start3A_590, %dma_start3A_591] : memref<2688x2x120xi32, #tpu.memory_space<hbm>> -> memref<1x2x120xi32, #tpu.memory_space<hbm>>
      %dma_start3A_593 = tpu.memref_squeeze %dma_start3A_592 : memref<1x2x120xi32, #tpu.memory_space<hbm>> -> memref<2x120xi32, #tpu.memory_space<hbm>>
      tpu.enqueue_dma source(%dma_start3A_593 : memref<2x120xi32, #tpu.memory_space<hbm>>) target(%arg13 : memref<2x120xi32, #tpu.memory_space<vmem>>) target_semaphore(%arg26 : memref<!tpu.dma_semaphore, #tpu.memory_space<semaphore_mem>>)
      %dma_wait3A_594 = arith.constant 0 : i32
      %dma_wait3A_595 = arith.constant 0 : i32
      %dma_wait3A_596 = arith.constant 0 : i32
      %dma_wait3A_597 = tpu.memref_slice %arg3[%dma_wait3A_594, %dma_wait3A_595, %dma_wait3A_596] : memref<2688x2x120xi32, #tpu.memory_space<hbm>> -> memref<1x2x120xi32, #tpu.memory_space<hbm>>
      %dma_wait3A_598 = tpu.memref_squeeze %dma_wait3A_597 : memref<1x2x120xi32, #tpu.memory_space<hbm>> -> memref<2x120xi32, #tpu.memory_space<hbm>>
      %dma_wait3A_599 = arith.constant 0 : i32
      %dma_wait3A_600 = arith.constant 0 : i32
      %dma_wait3A_601 = tpu.memref_slice %arg3[%dma_wait3A_594, %dma_wait3A_599, %dma_wait3A_600] : memref<2688x2x120xi32, #tpu.memory_space<hbm>> -> memref<1x2x120xi32, #tpu.memory_space<hbm>>
      %dma_wait3A_602 = tpu.memref_squeeze %dma_wait3A_601 : memref<1x2x120xi32, #tpu.memory_space<hbm>> -> memref<2x120xi32, #tpu.memory_space<hbm>>
      tpu.wait_dma2 semaphore(%arg25 : memref<!tpu.dma_semaphore, #tpu.memory_space<semaphore_mem>>) src(%dma_wait3A_602 : memref<2x120xi32, #tpu.memory_space<hbm>>) dst(%arg12 : memref<2x120xi32, #tpu.memory_space<vmem>>)
      %dma_start3A_603 = arith.constant 0 : i32
      %dma_start3A_604 = arith.constant 0 : i32
      %dma_start3A_605 = tpu.memref_slice %arg12[%dma_start3A_603, %dma_start3A_604] : memref<2x120xi32, #tpu.memory_space<vmem>> -> memref<1x120xi32, #tpu.memory_space<vmem>>
      %dma_start3A_606 = tpu.memref_squeeze %dma_start3A_605 : memref<1x120xi32, #tpu.memory_space<vmem>> -> memref<120xi32, #tpu.memory_space<vmem>>
      %dma_start3A_607 = arith.constant 0 : i32
      %dma_start3A_608 = arith.constant 0 : i32
      %dma_start3A_609 = tpu.memref_slice %arg2[%dma_start3A_607, %dma_start3A_608] : memref<10000x128xf32, #tpu.memory_space<hbm>> -> memref<10000x128xf32, #tpu.memory_space<hbm>>
      tpu.enqueue_indirect_dma source(%dma_start3A_609 : memref<10000x128xf32, #tpu.memory_space<hbm>>) target(%arg11 : memref<120x128xf32, #tpu.memory_space<vmem>>) offsets(%dma_start3A_606 : memref<120xi32, #tpu.memory_space<vmem>>) semaphore(%arg18 : memref<!tpu.dma_semaphore, #tpu.memory_space<semaphore_mem>>)
      %dma_wait3A_610 = arith.constant 0 : i32
      %dma_wait3A_611 = arith.constant 0 : i32
      %dma_wait3A_612 = tpu.memref_slice %arg2[%dma_wait3A_610, %dma_wait3A_611] : memref<10000x128xf32, #tpu.memory_space<hbm>> -> memref<120x128xf32, #tpu.memory_space<hbm>>
      %dma_wait3A_613 = arith.constant 0 : i32
      %dma_wait3A_614 = arith.constant 0 : i32
      %dma_wait3A_615 = tpu.memref_slice %arg2[%dma_wait3A_613, %dma_wait3A_614] : memref<10000x128xf32, #tpu.memory_space<hbm>> -> memref<120x128xf32, #tpu.memory_space<hbm>>
      tpu.wait_dma2 semaphore(%arg17 : memref<!tpu.dma_semaphore, #tpu.memory_space<semaphore_mem>>) src(%dma_wait3A_615 : memref<120x128xf32, #tpu.memory_space<hbm>>) dst(%arg10 : memref<120x128xf32, #tpu.memory_space<vmem>>)
      %dma_start3A_616 = arith.constant 1 : i32
      %dma_start3A_617 = arith.constant 0 : i32
      %dma_start3A_618 = tpu.memref_slice %arg15[%dma_start3A_616, %dma_start3A_617] : memref<2x120xi32, #tpu.memory_space<vmem>> -> memref<1x120xi32, #tpu.memory_space<vmem>>
      %dma_start3A_619 = tpu.memref_squeeze %dma_start3A_618 : memref<1x120xi32, #tpu.memory_space<vmem>> -> memref<120xi32, #tpu.memory_space<vmem>>
      %dma_start3A_620 = arith.constant 0 : i32
      %dma_start3A_621 = arith.constant 0 : i32
      %dma_start3A_622 = tpu.memref_slice %arg6[%dma_start3A_620, %dma_start3A_621] : memref<10240x128xf32, #tpu.memory_space<vmem_shared>> -> memref<10240x128xf32, #tpu.memory_space<vmem_shared>>
      tpu.enqueue_indirect_dma source(%arg10 : memref<120x128xf32, #tpu.memory_space<vmem>>) target(%dma_start3A_622 : memref<10240x128xf32, #tpu.memory_space<vmem_shared>>) offsets(%dma_start3A_619 : memref<120xi32, #tpu.memory_space<vmem>>) semaphore(%arg20 : memref<!tpu.dma_semaphore, #tpu.memory_space<semaphore_mem>>) {add = true}
      %dma_start3A_623 = arith.constant 1 : i32
      %dma_start3A_624 = arith.constant 0 : i32
      %dma_start3A_625 = tpu.memref_slice %arg8[%dma_start3A_624] : memref<120xf32, #tpu.memory_space<vmem>> -> memref<120xf32, #tpu.memory_space<vmem>>
      %dma_start3A_626 = arith.constant 0 : i32
      %dma_start3A_627 = tpu.memref_slice %arg15[%dma_start3A_623, %dma_start3A_626] : memref<2x120xi32, #tpu.memory_space<vmem>> -> memref<1x120xi32, #tpu.memory_space<vmem>>
      %dma_start3A_628 = tpu.memref_squeeze %dma_start3A_627 : memref<1x120xi32, #tpu.memory_space<vmem>> -> memref<120xi32, #tpu.memory_space<vmem>>
      %dma_start3A_629 = arith.constant 0 : i32
      %dma_start3A_630 = tpu.memref_slice %arg7[%dma_start3A_629] : memref<10240xf32, #tpu.memory_space<vmem_shared>> -> memref<10240xf32, #tpu.memory_space<vmem_shared>>
      tpu.enqueue_indirect_dma source(%dma_start3A_625 : memref<120xf32, #tpu.memory_space<vmem>>) target(%dma_start3A_630 : memref<10240xf32, #tpu.memory_space<vmem_shared>>) offsets(%dma_start3A_628 : memref<120xi32, #tpu.memory_space<vmem>>) semaphore(%arg23 : memref<!tpu.dma_semaphore, #tpu.memory_space<semaphore_mem>>) {add = true}
      %mul3A_631 = arith.constant 12 : i32
      %mul3A_632 = arith.muli %scan3A_105, %mul3A_631 : i32
      %add3A_633 = arith.constant 8 : i32
      %add3A_634 = arith.addi %mul3A_632, %add3A_633 : i32
      %dma_wait3A_635 = arith.constant 0 : i32
      %dma_wait3A_636 = arith.constant 0 : i32
      %dma_wait3A_637 = tpu.memref_slice %arg2[%dma_wait3A_635, %dma_wait3A_636] : memref<10000x128xf32, #tpu.memory_space<hbm>> -> memref<120x128xf32, #tpu.memory_space<hbm>>
      %dma_wait3A_638 = arith.constant 0 : i32
      %dma_wait3A_639 = arith.constant 0 : i32
      %dma_wait3A_640 = tpu.memref_slice %arg2[%dma_wait3A_638, %dma_wait3A_639] : memref<10000x128xf32, #tpu.memory_space<hbm>> -> memref<120x128xf32, #tpu.memory_space<hbm>>
      tpu.wait_dma2 semaphore(%arg19 : memref<!tpu.dma_semaphore, #tpu.memory_space<semaphore_mem>>) src(%dma_wait3A_640 : memref<120x128xf32, #tpu.memory_space<hbm>>) dst(%arg9 : memref<120x128xf32, #tpu.memory_space<vmem>>)
      %dma_wait3A_641 = arith.constant 0 : i32
      %dma_wait3A_642 = arith.constant 0 : i32
      %dma_wait3A_643 = tpu.memref_slice %arg8[%dma_wait3A_642] : memref<120xf32, #tpu.memory_space<vmem>> -> memref<120xf32, #tpu.memory_space<vmem>>
      %dma_wait3A_644 = arith.constant 0 : i32
      %dma_wait3A_645 = tpu.memref_slice %arg2[%dma_wait3A_641, %dma_wait3A_644] : memref<10000x128xf32, #tpu.memory_space<hbm>> -> memref<1x120xf32, #tpu.memory_space<hbm>>
      %dma_wait3A_646 = tpu.memref_squeeze %dma_wait3A_645 : memref<1x120xf32, #tpu.memory_space<hbm>> -> memref<120xf32, #tpu.memory_space<hbm>>
      %dma_wait3A_647 = arith.constant 0 : i32
      %dma_wait3A_648 = tpu.memref_slice %arg8[%dma_wait3A_647] : memref<120xf32, #tpu.memory_space<vmem>> -> memref<120xf32, #tpu.memory_space<vmem>>
      %dma_wait3A_649 = arith.constant 0 : i32
      %dma_wait3A_650 = tpu.memref_slice %arg2[%dma_wait3A_641, %dma_wait3A_649] : memref<10000x128xf32, #tpu.memory_space<hbm>> -> memref<1x120xf32, #tpu.memory_space<hbm>>
      %dma_wait3A_651 = tpu.memref_squeeze %dma_wait3A_650 : memref<1x120xf32, #tpu.memory_space<hbm>> -> memref<120xf32, #tpu.memory_space<hbm>>
      tpu.wait_dma2 semaphore(%arg22 : memref<!tpu.dma_semaphore, #tpu.memory_space<semaphore_mem>>) src(%dma_wait3A_651 : memref<120xf32, #tpu.memory_space<hbm>>) dst(%dma_wait3A_648 : memref<120xf32, #tpu.memory_space<vmem>>)
      %add3A_652 = arith.addi %mul3A_2, %add3A_634 : i32
      %add3A_653 = arith.constant 2 : i32
      %add3A_654 = arith.addi %add3A_652, %add3A_653 : i32
      %dma_start3A_655 = arith.constant 0 : i32
      %dma_start3A_656 = arith.constant 0 : i32
      %dma_start3A_657 = tpu.memref_slice %arg3[%add3A_654, %dma_start3A_655, %dma_start3A_656] : memref<2688x2x120xi32, #tpu.memory_space<hbm>> -> memref<1x2x120xi32, #tpu.memory_space<hbm>>
      %dma_start3A_658 = tpu.memref_squeeze %dma_start3A_657 : memref<1x2x120xi32, #tpu.memory_space<hbm>> -> memref<2x120xi32, #tpu.memory_space<hbm>>
      %dma_start3A_659 = arith.constant 0 : i32
      %dma_start3A_660 = arith.constant 0 : i32
      %dma_start3A_661 = tpu.memref_slice %arg3[%add3A_654, %dma_start3A_659, %dma_start3A_660] : memref<2688x2x120xi32, #tpu.memory_space<hbm>> -> memref<1x2x120xi32, #tpu.memory_space<hbm>>
      %dma_start3A_662 = tpu.memref_squeeze %dma_start3A_661 : memref<1x2x120xi32, #tpu.memory_space<hbm>> -> memref<2x120xi32, #tpu.memory_space<hbm>>
      tpu.enqueue_dma source(%dma_start3A_662 : memref<2x120xi32, #tpu.memory_space<hbm>>) target(%arg14 : memref<2x120xi32, #tpu.memory_space<vmem>>) target_semaphore(%arg27 : memref<!tpu.dma_semaphore, #tpu.memory_space<semaphore_mem>>)
      %dma_wait3A_663 = arith.constant 0 : i32
      %dma_wait3A_664 = arith.constant 0 : i32
      %dma_wait3A_665 = arith.constant 0 : i32
      %dma_wait3A_666 = tpu.memref_slice %arg3[%dma_wait3A_663, %dma_wait3A_664, %dma_wait3A_665] : memref<2688x2x120xi32, #tpu.memory_space<hbm>> -> memref<1x2x120xi32, #tpu.memory_space<hbm>>
      %dma_wait3A_667 = tpu.memref_squeeze %dma_wait3A_666 : memref<1x2x120xi32, #tpu.memory_space<hbm>> -> memref<2x120xi32, #tpu.memory_space<hbm>>
      %dma_wait3A_668 = arith.constant 0 : i32
      %dma_wait3A_669 = arith.constant 0 : i32
      %dma_wait3A_670 = tpu.memref_slice %arg3[%dma_wait3A_663, %dma_wait3A_668, %dma_wait3A_669] : memref<2688x2x120xi32, #tpu.memory_space<hbm>> -> memref<1x2x120xi32, #tpu.memory_space<hbm>>
      %dma_wait3A_671 = tpu.memref_squeeze %dma_wait3A_670 : memref<1x2x120xi32, #tpu.memory_space<hbm>> -> memref<2x120xi32, #tpu.memory_space<hbm>>
      tpu.wait_dma2 semaphore(%arg26 : memref<!tpu.dma_semaphore, #tpu.memory_space<semaphore_mem>>) src(%dma_wait3A_671 : memref<2x120xi32, #tpu.memory_space<hbm>>) dst(%arg13 : memref<2x120xi32, #tpu.memory_space<vmem>>)
      %dma_start3A_672 = arith.constant 0 : i32
      %dma_start3A_673 = arith.constant 0 : i32
      %dma_start3A_674 = tpu.memref_slice %arg13[%dma_start3A_672, %dma_start3A_673] : memref<2x120xi32, #tpu.memory_space<vmem>> -> memref<1x120xi32, #tpu.memory_space<vmem>>
      %dma_start3A_675 = tpu.memref_squeeze %dma_start3A_674 : memref<1x120xi32, #tpu.memory_space<vmem>> -> memref<120xi32, #tpu.memory_space<vmem>>
      %dma_start3A_676 = arith.constant 0 : i32
      %dma_start3A_677 = arith.constant 0 : i32
      %dma_start3A_678 = tpu.memref_slice %arg2[%dma_start3A_676, %dma_start3A_677] : memref<10000x128xf32, #tpu.memory_space<hbm>> -> memref<10000x128xf32, #tpu.memory_space<hbm>>
      tpu.enqueue_indirect_dma source(%dma_start3A_678 : memref<10000x128xf32, #tpu.memory_space<hbm>>) target(%arg9 : memref<120x128xf32, #tpu.memory_space<vmem>>) offsets(%dma_start3A_675 : memref<120xi32, #tpu.memory_space<vmem>>) semaphore(%arg16 : memref<!tpu.dma_semaphore, #tpu.memory_space<semaphore_mem>>)
      %dma_wait3A_679 = arith.constant 0 : i32
      %dma_wait3A_680 = arith.constant 0 : i32
      %dma_wait3A_681 = tpu.memref_slice %arg2[%dma_wait3A_679, %dma_wait3A_680] : memref<10000x128xf32, #tpu.memory_space<hbm>> -> memref<120x128xf32, #tpu.memory_space<hbm>>
      %dma_wait3A_682 = arith.constant 0 : i32
      %dma_wait3A_683 = arith.constant 0 : i32
      %dma_wait3A_684 = tpu.memref_slice %arg2[%dma_wait3A_682, %dma_wait3A_683] : memref<10000x128xf32, #tpu.memory_space<hbm>> -> memref<120x128xf32, #tpu.memory_space<hbm>>
      tpu.wait_dma2 semaphore(%arg18 : memref<!tpu.dma_semaphore, #tpu.memory_space<semaphore_mem>>) src(%dma_wait3A_684 : memref<120x128xf32, #tpu.memory_space<hbm>>) dst(%arg11 : memref<120x128xf32, #tpu.memory_space<vmem>>)
      %dma_start3A_685 = arith.constant 1 : i32
      %dma_start3A_686 = arith.constant 0 : i32
      %dma_start3A_687 = tpu.memref_slice %arg12[%dma_start3A_685, %dma_start3A_686] : memref<2x120xi32, #tpu.memory_space<vmem>> -> memref<1x120xi32, #tpu.memory_space<vmem>>
      %dma_start3A_688 = tpu.memref_squeeze %dma_start3A_687 : memref<1x120xi32, #tpu.memory_space<vmem>> -> memref<120xi32, #tpu.memory_space<vmem>>
      %dma_start3A_689 = arith.constant 0 : i32
      %dma_start3A_690 = arith.constant 0 : i32
      %dma_start3A_691 = tpu.memref_slice %arg6[%dma_start3A_689, %dma_start3A_690] : memref<10240x128xf32, #tpu.memory_space<vmem_shared>> -> memref<10240x128xf32, #tpu.memory_space<vmem_shared>>
      tpu.enqueue_indirect_dma source(%arg11 : memref<120x128xf32, #tpu.memory_space<vmem>>) target(%dma_start3A_691 : memref<10240x128xf32, #tpu.memory_space<vmem_shared>>) offsets(%dma_start3A_688 : memref<120xi32, #tpu.memory_space<vmem>>) semaphore(%arg21 : memref<!tpu.dma_semaphore, #tpu.memory_space<semaphore_mem>>) {add = true}
      %dma_start3A_692 = arith.constant 1 : i32
      %dma_start3A_693 = arith.constant 0 : i32
      %dma_start3A_694 = tpu.memref_slice %arg8[%dma_start3A_693] : memref<120xf32, #tpu.memory_space<vmem>> -> memref<120xf32, #tpu.memory_space<vmem>>
      %dma_start3A_695 = arith.constant 0 : i32
      %dma_start3A_696 = tpu.memref_slice %arg12[%dma_start3A_692, %dma_start3A_695] : memref<2x120xi32, #tpu.memory_space<vmem>> -> memref<1x120xi32, #tpu.memory_space<vmem>>
      %dma_start3A_697 = tpu.memref_squeeze %dma_start3A_696 : memref<1x120xi32, #tpu.memory_space<vmem>> -> memref<120xi32, #tpu.memory_space<vmem>>
      %dma_start3A_698 = arith.constant 0 : i32
      %dma_start3A_699 = tpu.memref_slice %arg7[%dma_start3A_698] : memref<10240xf32, #tpu.memory_space<vmem_shared>> -> memref<10240xf32, #tpu.memory_space<vmem_shared>>
      tpu.enqueue_indirect_dma source(%dma_start3A_694 : memref<120xf32, #tpu.memory_space<vmem>>) target(%dma_start3A_699 : memref<10240xf32, #tpu.memory_space<vmem_shared>>) offsets(%dma_start3A_697 : memref<120xi32, #tpu.memory_space<vmem>>) semaphore(%arg24 : memref<!tpu.dma_semaphore, #tpu.memory_space<semaphore_mem>>) {add = true}
      %mul3A_700 = arith.constant 12 : i32
      %mul3A_701 = arith.muli %scan3A_105, %mul3A_700 : i32
      %add3A_702 = arith.constant 9 : i32
      %add3A_703 = arith.addi %mul3A_701, %add3A_702 : i32
      %dma_wait3A_704 = arith.constant 0 : i32
      %dma_wait3A_705 = arith.constant 0 : i32
      %dma_wait3A_706 = tpu.memref_slice %arg2[%dma_wait3A_704, %dma_wait3A_705] : memref<10000x128xf32, #tpu.memory_space<hbm>> -> memref<120x128xf32, #tpu.memory_space<hbm>>
      %dma_wait3A_707 = arith.constant 0 : i32
      %dma_wait3A_708 = arith.constant 0 : i32
      %dma_wait3A_709 = tpu.memref_slice %arg2[%dma_wait3A_707, %dma_wait3A_708] : memref<10000x128xf32, #tpu.memory_space<hbm>> -> memref<120x128xf32, #tpu.memory_space<hbm>>
      tpu.wait_dma2 semaphore(%arg20 : memref<!tpu.dma_semaphore, #tpu.memory_space<semaphore_mem>>) src(%dma_wait3A_709 : memref<120x128xf32, #tpu.memory_space<hbm>>) dst(%arg10 : memref<120x128xf32, #tpu.memory_space<vmem>>)
      %dma_wait3A_710 = arith.constant 0 : i32
      %dma_wait3A_711 = arith.constant 0 : i32
      %dma_wait3A_712 = tpu.memref_slice %arg8[%dma_wait3A_711] : memref<120xf32, #tpu.memory_space<vmem>> -> memref<120xf32, #tpu.memory_space<vmem>>
      %dma_wait3A_713 = arith.constant 0 : i32
      %dma_wait3A_714 = tpu.memref_slice %arg2[%dma_wait3A_710, %dma_wait3A_713] : memref<10000x128xf32, #tpu.memory_space<hbm>> -> memref<1x120xf32, #tpu.memory_space<hbm>>
      %dma_wait3A_715 = tpu.memref_squeeze %dma_wait3A_714 : memref<1x120xf32, #tpu.memory_space<hbm>> -> memref<120xf32, #tpu.memory_space<hbm>>
      %dma_wait3A_716 = arith.constant 0 : i32
      %dma_wait3A_717 = tpu.memref_slice %arg8[%dma_wait3A_716] : memref<120xf32, #tpu.memory_space<vmem>> -> memref<120xf32, #tpu.memory_space<vmem>>
      %dma_wait3A_718 = arith.constant 0 : i32
      %dma_wait3A_719 = tpu.memref_slice %arg2[%dma_wait3A_710, %dma_wait3A_718] : memref<10000x128xf32, #tpu.memory_space<hbm>> -> memref<1x120xf32, #tpu.memory_space<hbm>>
      %dma_wait3A_720 = tpu.memref_squeeze %dma_wait3A_719 : memref<1x120xf32, #tpu.memory_space<hbm>> -> memref<120xf32, #tpu.memory_space<hbm>>
      tpu.wait_dma2 semaphore(%arg23 : memref<!tpu.dma_semaphore, #tpu.memory_space<semaphore_mem>>) src(%dma_wait3A_720 : memref<120xf32, #tpu.memory_space<hbm>>) dst(%dma_wait3A_717 : memref<120xf32, #tpu.memory_space<vmem>>)
      %add3A_721 = arith.addi %mul3A_2, %add3A_703 : i32
      %add3A_722 = arith.constant 2 : i32
      %add3A_723 = arith.addi %add3A_721, %add3A_722 : i32
      %dma_start3A_724 = arith.constant 0 : i32
      %dma_start3A_725 = arith.constant 0 : i32
      %dma_start3A_726 = tpu.memref_slice %arg3[%add3A_723, %dma_start3A_724, %dma_start3A_725] : memref<2688x2x120xi32, #tpu.memory_space<hbm>> -> memref<1x2x120xi32, #tpu.memory_space<hbm>>
      %dma_start3A_727 = tpu.memref_squeeze %dma_start3A_726 : memref<1x2x120xi32, #tpu.memory_space<hbm>> -> memref<2x120xi32, #tpu.memory_space<hbm>>
      %dma_start3A_728 = arith.constant 0 : i32
      %dma_start3A_729 = arith.constant 0 : i32
      %dma_start3A_730 = tpu.memref_slice %arg3[%add3A_723, %dma_start3A_728, %dma_start3A_729] : memref<2688x2x120xi32, #tpu.memory_space<hbm>> -> memref<1x2x120xi32, #tpu.memory_space<hbm>>
      %dma_start3A_731 = tpu.memref_squeeze %dma_start3A_730 : memref<1x2x120xi32, #tpu.memory_space<hbm>> -> memref<2x120xi32, #tpu.memory_space<hbm>>
      tpu.enqueue_dma source(%dma_start3A_731 : memref<2x120xi32, #tpu.memory_space<hbm>>) target(%arg15 : memref<2x120xi32, #tpu.memory_space<vmem>>) target_semaphore(%arg28 : memref<!tpu.dma_semaphore, #tpu.memory_space<semaphore_mem>>)
      %dma_wait3A_732 = arith.constant 0 : i32
      %dma_wait3A_733 = arith.constant 0 : i32
      %dma_wait3A_734 = arith.constant 0 : i32
      %dma_wait3A_735 = tpu.memref_slice %arg3[%dma_wait3A_732, %dma_wait3A_733, %dma_wait3A_734] : memref<2688x2x120xi32, #tpu.memory_space<hbm>> -> memref<1x2x120xi32, #tpu.memory_space<hbm>>
      %dma_wait3A_736 = tpu.memref_squeeze %dma_wait3A_735 : memref<1x2x120xi32, #tpu.memory_space<hbm>> -> memref<2x120xi32, #tpu.memory_space<hbm>>
      %dma_wait3A_737 = arith.constant 0 : i32
      %dma_wait3A_738 = arith.constant 0 : i32
      %dma_wait3A_739 = tpu.memref_slice %arg3[%dma_wait3A_732, %dma_wait3A_737, %dma_wait3A_738] : memref<2688x2x120xi32, #tpu.memory_space<hbm>> -> memref<1x2x120xi32, #tpu.memory_space<hbm>>
      %dma_wait3A_740 = tpu.memref_squeeze %dma_wait3A_739 : memref<1x2x120xi32, #tpu.memory_space<hbm>> -> memref<2x120xi32, #tpu.memory_space<hbm>>
      tpu.wait_dma2 semaphore(%arg27 : memref<!tpu.dma_semaphore, #tpu.memory_space<semaphore_mem>>) src(%dma_wait3A_740 : memref<2x120xi32, #tpu.memory_space<hbm>>) dst(%arg14 : memref<2x120xi32, #tpu.memory_space<vmem>>)
      %dma_start3A_741 = arith.constant 0 : i32
      %dma_start3A_742 = arith.constant 0 : i32
      %dma_start3A_743 = tpu.memref_slice %arg14[%dma_start3A_741, %dma_start3A_742] : memref<2x120xi32, #tpu.memory_space<vmem>> -> memref<1x120xi32, #tpu.memory_space<vmem>>
      %dma_start3A_744 = tpu.memref_squeeze %dma_start3A_743 : memref<1x120xi32, #tpu.memory_space<vmem>> -> memref<120xi32, #tpu.memory_space<vmem>>
      %dma_start3A_745 = arith.constant 0 : i32
      %dma_start3A_746 = arith.constant 0 : i32
      %dma_start3A_747 = tpu.memref_slice %arg2[%dma_start3A_745, %dma_start3A_746] : memref<10000x128xf32, #tpu.memory_space<hbm>> -> memref<10000x128xf32, #tpu.memory_space<hbm>>
      tpu.enqueue_indirect_dma source(%dma_start3A_747 : memref<10000x128xf32, #tpu.memory_space<hbm>>) target(%arg10 : memref<120x128xf32, #tpu.memory_space<vmem>>) offsets(%dma_start3A_744 : memref<120xi32, #tpu.memory_space<vmem>>) semaphore(%arg17 : memref<!tpu.dma_semaphore, #tpu.memory_space<semaphore_mem>>)
      %dma_wait3A_748 = arith.constant 0 : i32
      %dma_wait3A_749 = arith.constant 0 : i32
      %dma_wait3A_750 = tpu.memref_slice %arg2[%dma_wait3A_748, %dma_wait3A_749] : memref<10000x128xf32, #tpu.memory_space<hbm>> -> memref<120x128xf32, #tpu.memory_space<hbm>>
      %dma_wait3A_751 = arith.constant 0 : i32
      %dma_wait3A_752 = arith.constant 0 : i32
      %dma_wait3A_753 = tpu.memref_slice %arg2[%dma_wait3A_751, %dma_wait3A_752] : memref<10000x128xf32, #tpu.memory_space<hbm>> -> memref<120x128xf32, #tpu.memory_space<hbm>>
      tpu.wait_dma2 semaphore(%arg16 : memref<!tpu.dma_semaphore, #tpu.memory_space<semaphore_mem>>) src(%dma_wait3A_753 : memref<120x128xf32, #tpu.memory_space<hbm>>) dst(%arg9 : memref<120x128xf32, #tpu.memory_space<vmem>>)
      %dma_start3A_754 = arith.constant 1 : i32
      %dma_start3A_755 = arith.constant 0 : i32
      %dma_start3A_756 = tpu.memref_slice %arg13[%dma_start3A_754, %dma_start3A_755] : memref<2x120xi32, #tpu.memory_space<vmem>> -> memref<1x120xi32, #tpu.memory_space<vmem>>
      %dma_start3A_757 = tpu.memref_squeeze %dma_start3A_756 : memref<1x120xi32, #tpu.memory_space<vmem>> -> memref<120xi32, #tpu.memory_space<vmem>>
      %dma_start3A_758 = arith.constant 0 : i32
      %dma_start3A_759 = arith.constant 0 : i32
      %dma_start3A_760 = tpu.memref_slice %arg6[%dma_start3A_758, %dma_start3A_759] : memref<10240x128xf32, #tpu.memory_space<vmem_shared>> -> memref<10240x128xf32, #tpu.memory_space<vmem_shared>>
      tpu.enqueue_indirect_dma source(%arg9 : memref<120x128xf32, #tpu.memory_space<vmem>>) target(%dma_start3A_760 : memref<10240x128xf32, #tpu.memory_space<vmem_shared>>) offsets(%dma_start3A_757 : memref<120xi32, #tpu.memory_space<vmem>>) semaphore(%arg19 : memref<!tpu.dma_semaphore, #tpu.memory_space<semaphore_mem>>) {add = true}
      %dma_start3A_761 = arith.constant 1 : i32
      %dma_start3A_762 = arith.constant 0 : i32
      %dma_start3A_763 = tpu.memref_slice %arg8[%dma_start3A_762] : memref<120xf32, #tpu.memory_space<vmem>> -> memref<120xf32, #tpu.memory_space<vmem>>
      %dma_start3A_764 = arith.constant 0 : i32
      %dma_start3A_765 = tpu.memref_slice %arg13[%dma_start3A_761, %dma_start3A_764] : memref<2x120xi32, #tpu.memory_space<vmem>> -> memref<1x120xi32, #tpu.memory_space<vmem>>
      %dma_start3A_766 = tpu.memref_squeeze %dma_start3A_765 : memref<1x120xi32, #tpu.memory_space<vmem>> -> memref<120xi32, #tpu.memory_space<vmem>>
      %dma_start3A_767 = arith.constant 0 : i32
      %dma_start3A_768 = tpu.memref_slice %arg7[%dma_start3A_767] : memref<10240xf32, #tpu.memory_space<vmem_shared>> -> memref<10240xf32, #tpu.memory_space<vmem_shared>>
      tpu.enqueue_indirect_dma source(%dma_start3A_763 : memref<120xf32, #tpu.memory_space<vmem>>) target(%dma_start3A_768 : memref<10240xf32, #tpu.memory_space<vmem_shared>>) offsets(%dma_start3A_766 : memref<120xi32, #tpu.memory_space<vmem>>) semaphore(%arg22 : memref<!tpu.dma_semaphore, #tpu.memory_space<semaphore_mem>>) {add = true}
      %mul3A_769 = arith.constant 12 : i32
      %mul3A_770 = arith.muli %scan3A_105, %mul3A_769 : i32
      %add3A_771 = arith.constant 10 : i32
      %add3A_772 = arith.addi %mul3A_770, %add3A_771 : i32
      %dma_wait3A_773 = arith.constant 0 : i32
      %dma_wait3A_774 = arith.constant 0 : i32
      %dma_wait3A_775 = tpu.memref_slice %arg2[%dma_wait3A_773, %dma_wait3A_774] : memref<10000x128xf32, #tpu.memory_space<hbm>> -> memref<120x128xf32, #tpu.memory_space<hbm>>
      %dma_wait3A_776 = arith.constant 0 : i32
      %dma_wait3A_777 = arith.constant 0 : i32
      %dma_wait3A_778 = tpu.memref_slice %arg2[%dma_wait3A_776, %dma_wait3A_777] : memref<10000x128xf32, #tpu.memory_space<hbm>> -> memref<120x128xf32, #tpu.memory_space<hbm>>
      tpu.wait_dma2 semaphore(%arg21 : memref<!tpu.dma_semaphore, #tpu.memory_space<semaphore_mem>>) src(%dma_wait3A_778 : memref<120x128xf32, #tpu.memory_space<hbm>>) dst(%arg11 : memref<120x128xf32, #tpu.memory_space<vmem>>)
      %dma_wait3A_779 = arith.constant 0 : i32
      %dma_wait3A_780 = arith.constant 0 : i32
      %dma_wait3A_781 = tpu.memref_slice %arg8[%dma_wait3A_780] : memref<120xf32, #tpu.memory_space<vmem>> -> memref<120xf32, #tpu.memory_space<vmem>>
      %dma_wait3A_782 = arith.constant 0 : i32
      %dma_wait3A_783 = tpu.memref_slice %arg2[%dma_wait3A_779, %dma_wait3A_782] : memref<10000x128xf32, #tpu.memory_space<hbm>> -> memref<1x120xf32, #tpu.memory_space<hbm>>
      %dma_wait3A_784 = tpu.memref_squeeze %dma_wait3A_783 : memref<1x120xf32, #tpu.memory_space<hbm>> -> memref<120xf32, #tpu.memory_space<hbm>>
      %dma_wait3A_785 = arith.constant 0 : i32
      %dma_wait3A_786 = tpu.memref_slice %arg8[%dma_wait3A_785] : memref<120xf32, #tpu.memory_space<vmem>> -> memref<120xf32, #tpu.memory_space<vmem>>
      %dma_wait3A_787 = arith.constant 0 : i32
      %dma_wait3A_788 = tpu.memref_slice %arg2[%dma_wait3A_779, %dma_wait3A_787] : memref<10000x128xf32, #tpu.memory_space<hbm>> -> memref<1x120xf32, #tpu.memory_space<hbm>>
      %dma_wait3A_789 = tpu.memref_squeeze %dma_wait3A_788 : memref<1x120xf32, #tpu.memory_space<hbm>> -> memref<120xf32, #tpu.memory_space<hbm>>
      tpu.wait_dma2 semaphore(%arg24 : memref<!tpu.dma_semaphore, #tpu.memory_space<semaphore_mem>>) src(%dma_wait3A_789 : memref<120xf32, #tpu.memory_space<hbm>>) dst(%dma_wait3A_786 : memref<120xf32, #tpu.memory_space<vmem>>)
      %lt3A = arith.constant 6 : i32
      %lt3A_790 = arith.cmpi slt, %scan3A_105, %lt3A : i32
      %convert_element_type3A_791 = arith.extui %lt3A_790 : i1 to i32
      %cond3A_792 = arith.constant 0 : i32
      %cond3A_793 = arith.cmpi ne, %convert_element_type3A_791, %cond3A_792 : i32
      scf.if %cond3A_793 {
        %add3A_883 = arith.addi %mul3A_2, %add3A_772 : i32
        %add3A_884 = arith.constant 2 : i32
        %add3A_885 = arith.addi %add3A_883, %add3A_884 : i32
        %dma_start3A_886 = arith.constant 0 : i32
        %dma_start3A_887 = arith.constant 0 : i32
        %dma_start3A_888 = tpu.memref_slice %arg3[%add3A_885, %dma_start3A_886, %dma_start3A_887] : memref<2688x2x120xi32, #tpu.memory_space<hbm>> -> memref<1x2x120xi32, #tpu.memory_space<hbm>>
        %dma_start3A_889 = tpu.memref_squeeze %dma_start3A_888 : memref<1x2x120xi32, #tpu.memory_space<hbm>> -> memref<2x120xi32, #tpu.memory_space<hbm>>
        %dma_start3A_890 = arith.constant 0 : i32
        %dma_start3A_891 = arith.constant 0 : i32
        %dma_start3A_892 = tpu.memref_slice %arg3[%add3A_885, %dma_start3A_890, %dma_start3A_891] : memref<2688x2x120xi32, #tpu.memory_space<hbm>> -> memref<1x2x120xi32, #tpu.memory_space<hbm>>
        %dma_start3A_893 = tpu.memref_squeeze %dma_start3A_892 : memref<1x2x120xi32, #tpu.memory_space<hbm>> -> memref<2x120xi32, #tpu.memory_space<hbm>>
        tpu.enqueue_dma source(%dma_start3A_893 : memref<2x120xi32, #tpu.memory_space<hbm>>) target(%arg12 : memref<2x120xi32, #tpu.memory_space<vmem>>) target_semaphore(%arg25 : memref<!tpu.dma_semaphore, #tpu.memory_space<semaphore_mem>>)
      } else {
      }
      %dma_wait3A_794 = arith.constant 0 : i32
      %dma_wait3A_795 = arith.constant 0 : i32
      %dma_wait3A_796 = arith.constant 0 : i32
      %dma_wait3A_797 = tpu.memref_slice %arg3[%dma_wait3A_794, %dma_wait3A_795, %dma_wait3A_796] : memref<2688x2x120xi32, #tpu.memory_space<hbm>> -> memref<1x2x120xi32, #tpu.memory_space<hbm>>
      %dma_wait3A_798 = tpu.memref_squeeze %dma_wait3A_797 : memref<1x2x120xi32, #tpu.memory_space<hbm>> -> memref<2x120xi32, #tpu.memory_space<hbm>>
      %dma_wait3A_799 = arith.constant 0 : i32
      %dma_wait3A_800 = arith.constant 0 : i32
      %dma_wait3A_801 = tpu.memref_slice %arg3[%dma_wait3A_794, %dma_wait3A_799, %dma_wait3A_800] : memref<2688x2x120xi32, #tpu.memory_space<hbm>> -> memref<1x2x120xi32, #tpu.memory_space<hbm>>
      %dma_wait3A_802 = tpu.memref_squeeze %dma_wait3A_801 : memref<1x2x120xi32, #tpu.memory_space<hbm>> -> memref<2x120xi32, #tpu.memory_space<hbm>>
      tpu.wait_dma2 semaphore(%arg28 : memref<!tpu.dma_semaphore, #tpu.memory_space<semaphore_mem>>) src(%dma_wait3A_802 : memref<2x120xi32, #tpu.memory_space<hbm>>) dst(%arg15 : memref<2x120xi32, #tpu.memory_space<vmem>>)
      %dma_start3A_803 = arith.constant 0 : i32
      %dma_start3A_804 = arith.constant 0 : i32
      %dma_start3A_805 = tpu.memref_slice %arg15[%dma_start3A_803, %dma_start3A_804] : memref<2x120xi32, #tpu.memory_space<vmem>> -> memref<1x120xi32, #tpu.memory_space<vmem>>
      %dma_start3A_806 = tpu.memref_squeeze %dma_start3A_805 : memref<1x120xi32, #tpu.memory_space<vmem>> -> memref<120xi32, #tpu.memory_space<vmem>>
      %dma_start3A_807 = arith.constant 0 : i32
      %dma_start3A_808 = arith.constant 0 : i32
      %dma_start3A_809 = tpu.memref_slice %arg2[%dma_start3A_807, %dma_start3A_808] : memref<10000x128xf32, #tpu.memory_space<hbm>> -> memref<10000x128xf32, #tpu.memory_space<hbm>>
      tpu.enqueue_indirect_dma source(%dma_start3A_809 : memref<10000x128xf32, #tpu.memory_space<hbm>>) target(%arg11 : memref<120x128xf32, #tpu.memory_space<vmem>>) offsets(%dma_start3A_806 : memref<120xi32, #tpu.memory_space<vmem>>) semaphore(%arg18 : memref<!tpu.dma_semaphore, #tpu.memory_space<semaphore_mem>>)
      %dma_wait3A_810 = arith.constant 0 : i32
      %dma_wait3A_811 = arith.constant 0 : i32
      %dma_wait3A_812 = tpu.memref_slice %arg2[%dma_wait3A_810, %dma_wait3A_811] : memref<10000x128xf32, #tpu.memory_space<hbm>> -> memref<120x128xf32, #tpu.memory_space<hbm>>
      %dma_wait3A_813 = arith.constant 0 : i32
      %dma_wait3A_814 = arith.constant 0 : i32
      %dma_wait3A_815 = tpu.memref_slice %arg2[%dma_wait3A_813, %dma_wait3A_814] : memref<10000x128xf32, #tpu.memory_space<hbm>> -> memref<120x128xf32, #tpu.memory_space<hbm>>
      tpu.wait_dma2 semaphore(%arg17 : memref<!tpu.dma_semaphore, #tpu.memory_space<semaphore_mem>>) src(%dma_wait3A_815 : memref<120x128xf32, #tpu.memory_space<hbm>>) dst(%arg10 : memref<120x128xf32, #tpu.memory_space<vmem>>)
      %dma_start3A_816 = arith.constant 1 : i32
      %dma_start3A_817 = arith.constant 0 : i32
      %dma_start3A_818 = tpu.memref_slice %arg14[%dma_start3A_816, %dma_start3A_817] : memref<2x120xi32, #tpu.memory_space<vmem>> -> memref<1x120xi32, #tpu.memory_space<vmem>>
      %dma_start3A_819 = tpu.memref_squeeze %dma_start3A_818 : memref<1x120xi32, #tpu.memory_space<vmem>> -> memref<120xi32, #tpu.memory_space<vmem>>
      %dma_start3A_820 = arith.constant 0 : i32
      %dma_start3A_821 = arith.constant 0 : i32
      %dma_start3A_822 = tpu.memref_slice %arg6[%dma_start3A_820, %dma_start3A_821] : memref<10240x128xf32, #tpu.memory_space<vmem_shared>> -> memref<10240x128xf32, #tpu.memory_space<vmem_shared>>
      tpu.enqueue_indirect_dma source(%arg10 : memref<120x128xf32, #tpu.memory_space<vmem>>) target(%dma_start3A_822 : memref<10240x128xf32, #tpu.memory_space<vmem_shared>>) offsets(%dma_start3A_819 : memref<120xi32, #tpu.memory_space<vmem>>) semaphore(%arg20 : memref<!tpu.dma_semaphore, #tpu.memory_space<semaphore_mem>>) {add = true}
      %dma_start3A_823 = arith.constant 1 : i32
      %dma_start3A_824 = arith.constant 0 : i32
      %dma_start3A_825 = tpu.memref_slice %arg8[%dma_start3A_824] : memref<120xf32, #tpu.memory_space<vmem>> -> memref<120xf32, #tpu.memory_space<vmem>>
      %dma_start3A_826 = arith.constant 0 : i32
      %dma_start3A_827 = tpu.memref_slice %arg14[%dma_start3A_823, %dma_start3A_826] : memref<2x120xi32, #tpu.memory_space<vmem>> -> memref<1x120xi32, #tpu.memory_space<vmem>>
      %dma_start3A_828 = tpu.memref_squeeze %dma_start3A_827 : memref<1x120xi32, #tpu.memory_space<vmem>> -> memref<120xi32, #tpu.memory_space<vmem>>
      %dma_start3A_829 = arith.constant 0 : i32
      %dma_start3A_830 = tpu.memref_slice %arg7[%dma_start3A_829] : memref<10240xf32, #tpu.memory_space<vmem_shared>> -> memref<10240xf32, #tpu.memory_space<vmem_shared>>
      tpu.enqueue_indirect_dma source(%dma_start3A_825 : memref<120xf32, #tpu.memory_space<vmem>>) target(%dma_start3A_830 : memref<10240xf32, #tpu.memory_space<vmem_shared>>) offsets(%dma_start3A_828 : memref<120xi32, #tpu.memory_space<vmem>>) semaphore(%arg23 : memref<!tpu.dma_semaphore, #tpu.memory_space<semaphore_mem>>) {add = true}
      %mul3A_831 = arith.constant 12 : i32
      %mul3A_832 = arith.muli %scan3A_105, %mul3A_831 : i32
      %add3A_833 = arith.constant 11 : i32
      %add3A_834 = arith.addi %mul3A_832, %add3A_833 : i32
      %dma_wait3A_835 = arith.constant 0 : i32
      %dma_wait3A_836 = arith.constant 0 : i32
      %dma_wait3A_837 = tpu.memref_slice %arg2[%dma_wait3A_835, %dma_wait3A_836] : memref<10000x128xf32, #tpu.memory_space<hbm>> -> memref<120x128xf32, #tpu.memory_space<hbm>>
      %dma_wait3A_838 = arith.constant 0 : i32
      %dma_wait3A_839 = arith.constant 0 : i32
      %dma_wait3A_840 = tpu.memref_slice %arg2[%dma_wait3A_838, %dma_wait3A_839] : memref<10000x128xf32, #tpu.memory_space<hbm>> -> memref<120x128xf32, #tpu.memory_space<hbm>>
      tpu.wait_dma2 semaphore(%arg19 : memref<!tpu.dma_semaphore, #tpu.memory_space<semaphore_mem>>) src(%dma_wait3A_840 : memref<120x128xf32, #tpu.memory_space<hbm>>) dst(%arg9 : memref<120x128xf32, #tpu.memory_space<vmem>>)
      %dma_wait3A_841 = arith.constant 0 : i32
      %dma_wait3A_842 = arith.constant 0 : i32
      %dma_wait3A_843 = tpu.memref_slice %arg8[%dma_wait3A_842] : memref<120xf32, #tpu.memory_space<vmem>> -> memref<120xf32, #tpu.memory_space<vmem>>
      %dma_wait3A_844 = arith.constant 0 : i32
      %dma_wait3A_845 = tpu.memref_slice %arg2[%dma_wait3A_841, %dma_wait3A_844] : memref<10000x128xf32, #tpu.memory_space<hbm>> -> memref<1x120xf32, #tpu.memory_space<hbm>>
      %dma_wait3A_846 = tpu.memref_squeeze %dma_wait3A_845 : memref<1x120xf32, #tpu.memory_space<hbm>> -> memref<120xf32, #tpu.memory_space<hbm>>
      %dma_wait3A_847 = arith.constant 0 : i32
      %dma_wait3A_848 = tpu.memref_slice %arg8[%dma_wait3A_847] : memref<120xf32, #tpu.memory_space<vmem>> -> memref<120xf32, #tpu.memory_space<vmem>>
      %dma_wait3A_849 = arith.constant 0 : i32
      %dma_wait3A_850 = tpu.memref_slice %arg2[%dma_wait3A_841, %dma_wait3A_849] : memref<10000x128xf32, #tpu.memory_space<hbm>> -> memref<1x120xf32, #tpu.memory_space<hbm>>
      %dma_wait3A_851 = tpu.memref_squeeze %dma_wait3A_850 : memref<1x120xf32, #tpu.memory_space<hbm>> -> memref<120xf32, #tpu.memory_space<hbm>>
      tpu.wait_dma2 semaphore(%arg22 : memref<!tpu.dma_semaphore, #tpu.memory_space<semaphore_mem>>) src(%dma_wait3A_851 : memref<120xf32, #tpu.memory_space<hbm>>) dst(%dma_wait3A_848 : memref<120xf32, #tpu.memory_space<vmem>>)
      %lt3A_852 = arith.constant 6 : i32
      %lt3A_853 = arith.cmpi slt, %scan3A_105, %lt3A_852 : i32
      %convert_element_type3A_854 = arith.extui %lt3A_853 : i1 to i32
      %cond3A_855 = arith.constant 0 : i32
      %cond3A_856 = arith.cmpi ne, %convert_element_type3A_854, %cond3A_855 : i32
      scf.if %cond3A_856 {
        %add3A_883 = arith.addi %mul3A_2, %add3A_834 : i32
        %add3A_884 = arith.constant 2 : i32
        %add3A_885 = arith.addi %add3A_883, %add3A_884 : i32
        %dma_start3A_886 = arith.constant 0 : i32
        %dma_start3A_887 = arith.constant 0 : i32
        %dma_start3A_888 = tpu.memref_slice %arg3[%add3A_885, %dma_start3A_886, %dma_start3A_887] : memref<2688x2x120xi32, #tpu.memory_space<hbm>> -> memref<1x2x120xi32, #tpu.memory_space<hbm>>
        %dma_start3A_889 = tpu.memref_squeeze %dma_start3A_888 : memref<1x2x120xi32, #tpu.memory_space<hbm>> -> memref<2x120xi32, #tpu.memory_space<hbm>>
        %dma_start3A_890 = arith.constant 0 : i32
        %dma_start3A_891 = arith.constant 0 : i32
        %dma_start3A_892 = tpu.memref_slice %arg3[%add3A_885, %dma_start3A_890, %dma_start3A_891] : memref<2688x2x120xi32, #tpu.memory_space<hbm>> -> memref<1x2x120xi32, #tpu.memory_space<hbm>>
        %dma_start3A_893 = tpu.memref_squeeze %dma_start3A_892 : memref<1x2x120xi32, #tpu.memory_space<hbm>> -> memref<2x120xi32, #tpu.memory_space<hbm>>
        tpu.enqueue_dma source(%dma_start3A_893 : memref<2x120xi32, #tpu.memory_space<hbm>>) target(%arg13 : memref<2x120xi32, #tpu.memory_space<vmem>>) target_semaphore(%arg26 : memref<!tpu.dma_semaphore, #tpu.memory_space<semaphore_mem>>)
      } else {
      }
      %lt3A_857 = arith.constant 6 : i32
      %lt3A_858 = arith.cmpi slt, %scan3A_105, %lt3A_857 : i32
      %convert_element_type3A_859 = arith.extui %lt3A_858 : i1 to i32
      %cond3A_860 = arith.constant 0 : i32
      %cond3A_861 = arith.cmpi ne, %convert_element_type3A_859, %cond3A_860 : i32
      scf.if %cond3A_861 {
        %dma_wait3A_883 = arith.constant 0 : i32
        %dma_wait3A_884 = arith.constant 0 : i32
        %dma_wait3A_885 = arith.constant 0 : i32
        %dma_wait3A_886 = tpu.memref_slice %arg3[%dma_wait3A_883, %dma_wait3A_884, %dma_wait3A_885] : memref<2688x2x120xi32, #tpu.memory_space<hbm>> -> memref<1x2x120xi32, #tpu.memory_space<hbm>>
        %dma_wait3A_887 = tpu.memref_squeeze %dma_wait3A_886 : memref<1x2x120xi32, #tpu.memory_space<hbm>> -> memref<2x120xi32, #tpu.memory_space<hbm>>
        %dma_wait3A_888 = arith.constant 0 : i32
        %dma_wait3A_889 = arith.constant 0 : i32
        %dma_wait3A_890 = tpu.memref_slice %arg3[%dma_wait3A_883, %dma_wait3A_888, %dma_wait3A_889] : memref<2688x2x120xi32, #tpu.memory_space<hbm>> -> memref<1x2x120xi32, #tpu.memory_space<hbm>>
        %dma_wait3A_891 = tpu.memref_squeeze %dma_wait3A_890 : memref<1x2x120xi32, #tpu.memory_space<hbm>> -> memref<2x120xi32, #tpu.memory_space<hbm>>
        tpu.wait_dma2 semaphore(%arg25 : memref<!tpu.dma_semaphore, #tpu.memory_space<semaphore_mem>>) src(%dma_wait3A_891 : memref<2x120xi32, #tpu.memory_space<hbm>>) dst(%arg12 : memref<2x120xi32, #tpu.memory_space<vmem>>)
        %dma_start3A_892 = arith.constant 0 : i32
        %dma_start3A_893 = arith.constant 0 : i32
        %dma_start3A_894 = tpu.memref_slice %arg12[%dma_start3A_892, %dma_start3A_893] : memref<2x120xi32, #tpu.memory_space<vmem>> -> memref<1x120xi32, #tpu.memory_space<vmem>>
        %dma_start3A_895 = tpu.memref_squeeze %dma_start3A_894 : memref<1x120xi32, #tpu.memory_space<vmem>> -> memref<120xi32, #tpu.memory_space<vmem>>
        %dma_start3A_896 = arith.constant 0 : i32
        %dma_start3A_897 = arith.constant 0 : i32
        %dma_start3A_898 = tpu.memref_slice %arg2[%dma_start3A_896, %dma_start3A_897] : memref<10000x128xf32, #tpu.memory_space<hbm>> -> memref<10000x128xf32, #tpu.memory_space<hbm>>
        tpu.enqueue_indirect_dma source(%dma_start3A_898 : memref<10000x128xf32, #tpu.memory_space<hbm>>) target(%arg9 : memref<120x128xf32, #tpu.memory_space<vmem>>) offsets(%dma_start3A_895 : memref<120xi32, #tpu.memory_space<vmem>>) semaphore(%arg16 : memref<!tpu.dma_semaphore, #tpu.memory_space<semaphore_mem>>)
      } else {
      }
      %dma_wait3A_862 = arith.constant 0 : i32
      %dma_wait3A_863 = arith.constant 0 : i32
      %dma_wait3A_864 = tpu.memref_slice %arg2[%dma_wait3A_862, %dma_wait3A_863] : memref<10000x128xf32, #tpu.memory_space<hbm>> -> memref<120x128xf32, #tpu.memory_space<hbm>>
      %dma_wait3A_865 = arith.constant 0 : i32
      %dma_wait3A_866 = arith.constant 0 : i32
      %dma_wait3A_867 = tpu.memref_slice %arg2[%dma_wait3A_865, %dma_wait3A_866] : memref<10000x128xf32, #tpu.memory_space<hbm>> -> memref<120x128xf32, #tpu.memory_space<hbm>>
      tpu.wait_dma2 semaphore(%arg18 : memref<!tpu.dma_semaphore, #tpu.memory_space<semaphore_mem>>) src(%dma_wait3A_867 : memref<120x128xf32, #tpu.memory_space<hbm>>) dst(%arg11 : memref<120x128xf32, #tpu.memory_space<vmem>>)
      %dma_start3A_868 = arith.constant 1 : i32
      %dma_start3A_869 = arith.constant 0 : i32
      %dma_start3A_870 = tpu.memref_slice %arg15[%dma_start3A_868, %dma_start3A_869] : memref<2x120xi32, #tpu.memory_space<vmem>> -> memref<1x120xi32, #tpu.memory_space<vmem>>
      %dma_start3A_871 = tpu.memref_squeeze %dma_start3A_870 : memref<1x120xi32, #tpu.memory_space<vmem>> -> memref<120xi32, #tpu.memory_space<vmem>>
      %dma_start3A_872 = arith.constant 0 : i32
      %dma_start3A_873 = arith.constant 0 : i32
      %dma_start3A_874 = tpu.memref_slice %arg6[%dma_start3A_872, %dma_start3A_873] : memref<10240x128xf32, #tpu.memory_space<vmem_shared>> -> memref<10240x128xf32, #tpu.memory_space<vmem_shared>>
      tpu.enqueue_indirect_dma source(%arg11 : memref<120x128xf32, #tpu.memory_space<vmem>>) target(%dma_start3A_874 : memref<10240x128xf32, #tpu.memory_space<vmem_shared>>) offsets(%dma_start3A_871 : memref<120xi32, #tpu.memory_space<vmem>>) semaphore(%arg21 : memref<!tpu.dma_semaphore, #tpu.memory_space<semaphore_mem>>) {add = true}
      %dma_start3A_875 = arith.constant 1 : i32
      %dma_start3A_876 = arith.constant 0 : i32
      %dma_start3A_877 = tpu.memref_slice %arg8[%dma_start3A_876] : memref<120xf32, #tpu.memory_space<vmem>> -> memref<120xf32, #tpu.memory_space<vmem>>
      %dma_start3A_878 = arith.constant 0 : i32
      %dma_start3A_879 = tpu.memref_slice %arg15[%dma_start3A_875, %dma_start3A_878] : memref<2x120xi32, #tpu.memory_space<vmem>> -> memref<1x120xi32, #tpu.memory_space<vmem>>
      %dma_start3A_880 = tpu.memref_squeeze %dma_start3A_879 : memref<1x120xi32, #tpu.memory_space<vmem>> -> memref<120xi32, #tpu.memory_space<vmem>>
      %dma_start3A_881 = arith.constant 0 : i32
      %dma_start3A_882 = tpu.memref_slice %arg7[%dma_start3A_881] : memref<10240xf32, #tpu.memory_space<vmem_shared>> -> memref<10240xf32, #tpu.memory_space<vmem_shared>>
      tpu.enqueue_indirect_dma source(%dma_start3A_877 : memref<120xf32, #tpu.memory_space<vmem>>) target(%dma_start3A_882 : memref<10240xf32, #tpu.memory_space<vmem_shared>>) offsets(%dma_start3A_880 : memref<120xi32, #tpu.memory_space<vmem>>) semaphore(%arg24 : memref<!tpu.dma_semaphore, #tpu.memory_space<semaphore_mem>>) {add = true}
    }
    %scan3A_69 = arith.constant 7 : i32
    %dma_wait3A_70 = arith.constant 0 : i32
    %dma_wait3A_71 = arith.constant 0 : i32
    %dma_wait3A_72 = tpu.memref_slice %arg2[%dma_wait3A_70, %dma_wait3A_71] : memref<10000x128xf32, #tpu.memory_space<hbm>> -> memref<120x128xf32, #tpu.memory_space<hbm>>
    %dma_wait3A_73 = arith.constant 0 : i32
    %dma_wait3A_74 = arith.constant 0 : i32
    %dma_wait3A_75 = tpu.memref_slice %arg2[%dma_wait3A_73, %dma_wait3A_74] : memref<10000x128xf32, #tpu.memory_space<hbm>> -> memref<120x128xf32, #tpu.memory_space<hbm>>
    tpu.wait_dma2 semaphore(%arg20 : memref<!tpu.dma_semaphore, #tpu.memory_space<semaphore_mem>>) src(%dma_wait3A_75 : memref<120x128xf32, #tpu.memory_space<hbm>>) dst(%arg10 : memref<120x128xf32, #tpu.memory_space<vmem>>)
    %dma_wait3A_76 = arith.constant 0 : i32
    %dma_wait3A_77 = arith.constant 0 : i32
    %dma_wait3A_78 = tpu.memref_slice %arg8[%dma_wait3A_77] : memref<120xf32, #tpu.memory_space<vmem>> -> memref<120xf32, #tpu.memory_space<vmem>>
    %dma_wait3A_79 = arith.constant 0 : i32
    %dma_wait3A_80 = tpu.memref_slice %arg2[%dma_wait3A_76, %dma_wait3A_79] : memref<10000x128xf32, #tpu.memory_space<hbm>> -> memref<1x120xf32, #tpu.memory_space<hbm>>
    %dma_wait3A_81 = tpu.memref_squeeze %dma_wait3A_80 : memref<1x120xf32, #tpu.memory_space<hbm>> -> memref<120xf32, #tpu.memory_space<hbm>>
    %dma_wait3A_82 = arith.constant 0 : i32
    %dma_wait3A_83 = tpu.memref_slice %arg8[%dma_wait3A_82] : memref<120xf32, #tpu.memory_space<vmem>> -> memref<120xf32, #tpu.memory_space<vmem>>
    %dma_wait3A_84 = arith.constant 0 : i32
    %dma_wait3A_85 = tpu.memref_slice %arg2[%dma_wait3A_76, %dma_wait3A_84] : memref<10000x128xf32, #tpu.memory_space<hbm>> -> memref<1x120xf32, #tpu.memory_space<hbm>>
    %dma_wait3A_86 = tpu.memref_squeeze %dma_wait3A_85 : memref<1x120xf32, #tpu.memory_space<hbm>> -> memref<120xf32, #tpu.memory_space<hbm>>
    tpu.wait_dma2 semaphore(%arg23 : memref<!tpu.dma_semaphore, #tpu.memory_space<semaphore_mem>>) src(%dma_wait3A_86 : memref<120xf32, #tpu.memory_space<hbm>>) dst(%dma_wait3A_83 : memref<120xf32, #tpu.memory_space<vmem>>)
    %dma_wait3A_87 = arith.constant 0 : i32
    %dma_wait3A_88 = arith.constant 0 : i32
    %dma_wait3A_89 = tpu.memref_slice %arg2[%dma_wait3A_87, %dma_wait3A_88] : memref<10000x128xf32, #tpu.memory_space<hbm>> -> memref<120x128xf32, #tpu.memory_space<hbm>>
    %dma_wait3A_90 = arith.constant 0 : i32
    %dma_wait3A_91 = arith.constant 0 : i32
    %dma_wait3A_92 = tpu.memref_slice %arg2[%dma_wait3A_90, %dma_wait3A_91] : memref<10000x128xf32, #tpu.memory_space<hbm>> -> memref<120x128xf32, #tpu.memory_space<hbm>>
    tpu.wait_dma2 semaphore(%arg21 : memref<!tpu.dma_semaphore, #tpu.memory_space<semaphore_mem>>) src(%dma_wait3A_92 : memref<120x128xf32, #tpu.memory_space<hbm>>) dst(%arg11 : memref<120x128xf32, #tpu.memory_space<vmem>>)
    %dma_wait3A_93 = arith.constant 0 : i32
    %dma_wait3A_94 = arith.constant 0 : i32
    %dma_wait3A_95 = tpu.memref_slice %arg8[%dma_wait3A_94] : memref<120xf32, #tpu.memory_space<vmem>> -> memref<120xf32, #tpu.memory_space<vmem>>
    %dma_wait3A_96 = arith.constant 0 : i32
    %dma_wait3A_97 = tpu.memref_slice %arg2[%dma_wait3A_93, %dma_wait3A_96] : memref<10000x128xf32, #tpu.memory_space<hbm>> -> memref<1x120xf32, #tpu.memory_space<hbm>>
    %dma_wait3A_98 = tpu.memref_squeeze %dma_wait3A_97 : memref<1x120xf32, #tpu.memory_space<hbm>> -> memref<120xf32, #tpu.memory_space<hbm>>
    %dma_wait3A_99 = arith.constant 0 : i32
    %dma_wait3A_100 = tpu.memref_slice %arg8[%dma_wait3A_99] : memref<120xf32, #tpu.memory_space<vmem>> -> memref<120xf32, #tpu.memory_space<vmem>>
    %dma_wait3A_101 = arith.constant 0 : i32
    %dma_wait3A_102 = tpu.memref_slice %arg2[%dma_wait3A_93, %dma_wait3A_101] : memref<10000x128xf32, #tpu.memory_space<hbm>> -> memref<1x120xf32, #tpu.memory_space<hbm>>
    %dma_wait3A_103 = tpu.memref_squeeze %dma_wait3A_102 : memref<1x120xf32, #tpu.memory_space<hbm>> -> memref<120xf32, #tpu.memory_space<hbm>>
    tpu.wait_dma2 semaphore(%arg24 : memref<!tpu.dma_semaphore, #tpu.memory_space<semaphore_mem>>) src(%dma_wait3A_103 : memref<120xf32, #tpu.memory_space<hbm>>) dst(%dma_wait3A_100 : memref<120xf32, #tpu.memory_space<vmem>>)
    %barrier3A_104 = arith.constant 0 : index
    tpu.barrier barrier_id(%barrier3A_104)
    "tpu.region"() ({
      %run_scoped3A_105 = tpu.sem_alloc : memref<!tpu.dma_semaphore, #tpu.memory_space<semaphore_mem>>
      %dma_start3A_106 = arith.constant 0 : i32
      %dma_start3A_107 = tpu.memref_slice %arg4[%arg0, %mul3A_35, %dma_start3A_106] : memref<2x10240x128xf32, #tpu.memory_space<hbm>> -> memref<1x640x128xf32, #tpu.memory_space<hbm>>
      %dma_start3A_108 = tpu.memref_squeeze %dma_start3A_107 : memref<1x640x128xf32, #tpu.memory_space<hbm>> -> memref<640x128xf32, #tpu.memory_space<hbm>>
      %dma_start3A_109 = arith.constant 0 : i32
      %dma_start3A_110 = tpu.memref_slice %arg6[%mul3A_35, %dma_start3A_109] : memref<10240x128xf32, #tpu.memory_space<vmem_shared>> -> memref<640x128xf32, #tpu.memory_space<vmem_shared>>
      tpu.enqueue_dma source(%dma_start3A_110 : memref<640x128xf32, #tpu.memory_space<vmem_shared>>) target(%dma_start3A_108 : memref<640x128xf32, #tpu.memory_space<hbm>>) target_semaphore(%run_scoped3A_105 : memref<!tpu.dma_semaphore, #tpu.memory_space<semaphore_mem>>)
      %dma_wait3A_111 = arith.constant 0 : i32
      %dma_wait3A_112 = tpu.memref_slice %arg4[%arg0, %mul3A_35, %dma_wait3A_111] : memref<2x10240x128xf32, #tpu.memory_space<hbm>> -> memref<1x640x128xf32, #tpu.memory_space<hbm>>
      %dma_wait3A_113 = tpu.memref_squeeze %dma_wait3A_112 : memref<1x640x128xf32, #tpu.memory_space<hbm>> -> memref<640x128xf32, #tpu.memory_space<hbm>>
      %dma_wait3A_114 = arith.constant 0 : i32
      %dma_wait3A_115 = tpu.memref_slice %arg6[%mul3A_35, %dma_wait3A_114] : memref<10240x128xf32, #tpu.memory_space<vmem_shared>> -> memref<640x128xf32, #tpu.memory_space<vmem_shared>>
      tpu.wait_dma2 semaphore(%run_scoped3A_105 : memref<!tpu.dma_semaphore, #tpu.memory_space<semaphore_mem>>) src(%dma_wait3A_115 : memref<640x128xf32, #tpu.memory_space<vmem_shared>>) dst(%dma_wait3A_113 : memref<640x128xf32, #tpu.memory_space<hbm>>)
      tpu.yield
    }) : () -> ()
    "tpu.region"() ({
      %run_scoped3A_105 = tpu.sem_alloc : memref<!tpu.dma_semaphore, #tpu.memory_space<semaphore_mem>>
      %dma_start3A_106 = tpu.memref_slice %arg5[%arg0, %mul3A_35] : memref<2x10240xf32, #tpu.memory_space<hbm>> -> memref<1x640xf32, #tpu.memory_space<hbm>>
      %dma_start3A_107 = tpu.memref_squeeze %dma_start3A_106 : memref<1x640xf32, #tpu.memory_space<hbm>> -> memref<640xf32, #tpu.memory_space<hbm>>
      %dma_start3A_108 = tpu.memref_slice %arg7[%mul3A_35] : memref<10240xf32, #tpu.memory_space<vmem_shared>> -> memref<640xf32, #tpu.memory_space<vmem_shared>>
      tpu.enqueue_dma source(%dma_start3A_108 : memref<640xf32, #tpu.memory_space<vmem_shared>>) target(%dma_start3A_107 : memref<640xf32, #tpu.memory_space<hbm>>) target_semaphore(%run_scoped3A_105 : memref<!tpu.dma_semaphore, #tpu.memory_space<semaphore_mem>>)
      %dma_wait3A_109 = tpu.memref_slice %arg5[%arg0, %mul3A_35] : memref<2x10240xf32, #tpu.memory_space<hbm>> -> memref<1x640xf32, #tpu.memory_space<hbm>>
      %dma_wait3A_110 = tpu.memref_squeeze %dma_wait3A_109 : memref<1x640xf32, #tpu.memory_space<hbm>> -> memref<640xf32, #tpu.memory_space<hbm>>
      %dma_wait3A_111 = tpu.memref_slice %arg7[%mul3A_35] : memref<10240xf32, #tpu.memory_space<vmem_shared>> -> memref<640xf32, #tpu.memory_space<vmem_shared>>
      tpu.wait_dma2 semaphore(%run_scoped3A_105 : memref<!tpu.dma_semaphore, #tpu.memory_space<semaphore_mem>>) src(%dma_wait3A_111 : memref<640xf32, #tpu.memory_space<vmem_shared>>) dst(%dma_wait3A_110 : memref<640xf32, #tpu.memory_space<hbm>>)
      tpu.yield
    }) : () -> ()
    return
  }
}

module attributes {stable_mosaic.version = 14 : i64} {
  func.func @body(%arg0: i32, %arg1: memref<2048x128xf32, #tpu.memory_space<vmem>>, %arg2: memref<128x128xf32, #tpu.memory_space<vmem>>, %arg3: memref<1x128xf32, #tpu.memory_space<vmem>>, %arg4: memref<2048x128xf32, #tpu.memory_space<vmem>>) attributes {dimension_semantics = [#tpu.dimension_semantics<arbitrary>], iteration_bounds = array<i64: 5>, scalar_prefetch = 0 : i64, scratch_operands = 0 : i64, tpu.core_type = #tpu.core_type<tc>, window_params = [{transform_indices = @transform_0, window_bounds = array<i64: 2048, 128>}, {pipeline_mode = #tpu.pipeline_mode<synchronous>, transform_indices = @transform_1, window_bounds = array<i64: 128, 128>}, {pipeline_mode = #tpu.pipeline_mode<synchronous>, transform_indices = @transform_2, window_bounds = array<i64: 1, 128>}, {transform_indices = @transform_3, window_bounds = array<i64: 2048, 128>}]} {
    %get3A = arith.constant 0 : index
    %get3A_0 = arith.constant 0 : index
    %get3A_1 = vector.load %arg1[%get3A, %get3A_0] : memref<2048x128xf32, #tpu.memory_space<vmem>>, vector<2048x128xf32>
    %get3A_2 = arith.constant 0 : index
    %get3A_3 = arith.constant 0 : index
    %get3A_4 = vector.load %arg2[%get3A_2, %get3A_3] : memref<128x128xf32, #tpu.memory_space<vmem>>, vector<128x128xf32>
    %dot_general3A = arith.constant dense<0.000000e+00> : vector<2048x128xf32>
    %dot_general3A_5 = tpu.matmul %get3A_1, %get3A_4, %dot_general3A {dimension_numbers = #tpu.dot_dimension_numbers<[1], [0], [0], [1], [0, 0, 1, 1], [], []>, transpose_lhs_hint = false} : vector<2048x128xf32>, vector<128x128xf32>, vector<2048x128xf32> -> vector<2048x128xf32>
    %get3A_6 = arith.constant 0 : index
    %get3A_7 = arith.constant 0 : index
    %get3A_8 = vector.load %arg3[%get3A_6, %get3A_7] : memref<1x128xf32, #tpu.memory_space<vmem>>, vector<1x128xf32>
    %add3A = vector.broadcast %get3A_8 : vector<1x128xf32> to vector<2048x128xf32>
    %add3A_9 = arith.addf %dot_general3A_5, %add3A : vector<2048x128xf32>
    %swap3A = arith.constant 0 : index
    %swap3A_10 = arith.constant 0 : index
    %swap3A_11 = vector.load %arg4[%swap3A, %swap3A_10] : memref<2048x128xf32, #tpu.memory_space<vmem>>, vector<2048x128xf32>
    tpu.vector_store %arg4[%swap3A, %swap3A_10], %add3A_9 {strides = array<i32>} : memref<2048x128xf32, #tpu.memory_space<vmem>>, vector<2048x128xf32>,
    return
  }
  func.func @transform_0(%arg0: i32) -> (i32, i32) {
    %c0_i32 = arith.constant 0 : i32
    %c0_i32_0 = arith.constant 0 : i32
    return %arg0, %c0_i32 : i32, i32
  }
  func.func @transform_1(%arg0: i32) -> (i32, i32) {
    %c0_i32 = arith.constant 0 : i32
    %c0_i32_0 = arith.constant 0 : i32
    %c0_i32_1 = arith.constant 0 : i32
    return %c0_i32, %c0_i32_0 : i32, i32
  }
  func.func @transform_2(%arg0: i32) -> (i32, i32) {
    %c0_i32 = arith.constant 0 : i32
    %c0_i32_0 = arith.constant 0 : i32
    %c0_i32_1 = arith.constant 0 : i32
    return %c0_i32, %c0_i32_0 : i32, i32
  }
  func.func @transform_3(%arg0: i32) -> (i32, i32) {
    %c0_i32 = arith.constant 0 : i32
    %c0_i32_0 = arith.constant 0 : i32
    return %arg0, %c0_i32 : i32, i32
  }
}

module attributes {stable_mosaic.version = 14 : i64} {
  func.func @body(%arg0: i32, %arg1: memref<2048x128xf32, #tpu.memory_space<vmem>>, %arg2: memref<1x2048x128xf32, #tpu.memory_space<vmem>>, %arg3: memref<1x2048x128xf32, #tpu.memory_space<vmem>>, %arg4: memref<2048xf32, #tpu.memory_space<vmem>>, %arg5: memref<128x128xf32, #tpu.memory_space<vmem>>, %arg6: memref<2048x128xf32, #tpu.memory_space<vmem>>) attributes {dimension_semantics = [#tpu.dimension_semantics<arbitrary>], iteration_bounds = array<i64: 5>, scalar_prefetch = 0 : i64, scratch_operands = 0 : i64, tpu.core_type = #tpu.core_type<tc>, window_params = [{transform_indices = @transform_0, window_bounds = array<i64: 2048, 128>}, {transform_indices = @transform_1, window_bounds = array<i64: 1, 2048, 128>}, {transform_indices = @transform_2, window_bounds = array<i64: 1, 2048, 128>}, {transform_indices = @transform_3, window_bounds = array<i64: 2048>}, {pipeline_mode = #tpu.pipeline_mode<synchronous>, transform_indices = @transform_4, window_bounds = array<i64: 128, 128>}, {transform_indices = @transform_5, window_bounds = array<i64: 2048, 128>}]} {
    %get3A = arith.constant 0 : index
    %get3A_0 = vector.load %arg4[%get3A] : memref<2048xf32, #tpu.memory_space<vmem>>, vector<2048xf32>
    %max3A = arith.constant 1.000000e+00 : f32
    %max3A_1 = vector.broadcast %max3A : f32 to vector<2048xf32>
    %max3A_2 = arith.maximumf %get3A_0, %max3A_1 : vector<2048xf32>
    %get3A_3 = arith.constant 0 : index
    %get3A_4 = arith.constant 0 : index
    %get3A_5 = arith.constant 0 : index
    %get3A_6 = vector.load %arg2[%get3A_3, %get3A_4, %get3A_5] : memref<1x2048x128xf32, #tpu.memory_space<vmem>>, vector<1x2048x128xf32>
    %get3A_7 = vector.shape_cast %get3A_6 : vector<1x2048x128xf32> to vector<2048x128xf32>
    %get3A_8 = arith.constant 0 : index
    %get3A_9 = arith.constant 0 : index
    %get3A_10 = arith.constant 0 : index
    %get3A_11 = vector.load %arg3[%get3A_8, %get3A_9, %get3A_10] : memref<1x2048x128xf32, #tpu.memory_space<vmem>>, vector<1x2048x128xf32>
    %get3A_12 = vector.shape_cast %get3A_11 : vector<1x2048x128xf32> to vector<2048x128xf32>
    %add3A = arith.addf %get3A_7, %get3A_12 : vector<2048x128xf32>
    %broadcast_in_dim3A = vector.shape_cast %max3A_2 : vector<2048xf32> to vector<2048x1xf32>
    %div3A = vector.broadcast %broadcast_in_dim3A : vector<2048x1xf32> to vector<2048x128xf32>
    %div3A_13 = arith.divf %add3A, %div3A : vector<2048x128xf32>
    %get3A_14 = arith.constant 0 : index
    %get3A_15 = arith.constant 0 : index
    %get3A_16 = vector.load %arg1[%get3A_14, %get3A_15] : memref<2048x128xf32, #tpu.memory_space<vmem>>, vector<2048x128xf32>
    %get3A_17 = arith.constant 0 : index
    %get3A_18 = arith.constant 0 : index
    %get3A_19 = vector.load %arg5[%get3A_17, %get3A_18] : memref<128x128xf32, #tpu.memory_space<vmem>>, vector<128x128xf32>
    %dot_general3A = arith.constant dense<0.000000e+00> : vector<2048x128xf32>
    %dot_general3A_20 = tpu.matmul %div3A_13, %get3A_19, %dot_general3A {dimension_numbers = #tpu.dot_dimension_numbers<[1], [0], [0], [1], [0, 0, 1, 1], [], []>, transpose_lhs_hint = false} : vector<2048x128xf32>, vector<128x128xf32>, vector<2048x128xf32> -> vector<2048x128xf32>
    %add3A_21 = arith.addf %get3A_16, %dot_general3A_20 : vector<2048x128xf32>
    %max3A_22 = arith.constant 0.000000e+00 : f32
    %max3A_23 = vector.broadcast %max3A_22 : f32 to vector<2048x128xf32>
    %max3A_24 = arith.maximumf %add3A_21, %max3A_23 : vector<2048x128xf32>
    %swap3A = arith.constant 0 : index
    %swap3A_25 = arith.constant 0 : index
    %swap3A_26 = vector.load %arg6[%swap3A, %swap3A_25] : memref<2048x128xf32, #tpu.memory_space<vmem>>, vector<2048x128xf32>
    tpu.vector_store %arg6[%swap3A, %swap3A_25], %max3A_24 {strides = array<i32>} : memref<2048x128xf32, #tpu.memory_space<vmem>>, vector<2048x128xf32>,
    return
  }
  func.func @transform_0(%arg0: i32) -> (i32, i32) {
    %c0_i32 = arith.constant 0 : i32
    %c0_i32_0 = arith.constant 0 : i32
    return %arg0, %c0_i32 : i32, i32
  }
  func.func @transform_1(%arg0: i32) -> (i32, i32, i32) {
    %c0_i32 = arith.constant 0 : i32
    %c0_i32_0 = arith.constant 0 : i32
    %c0_i32_1 = arith.constant 0 : i32
    return %c0_i32, %arg0, %c0_i32_0 : i32, i32, i32
  }
  func.func @transform_2(%arg0: i32) -> (i32, i32, i32) {
    %c1_i32 = arith.constant 1 : i32
    %c0_i32 = arith.constant 0 : i32
    %c0_i32_0 = arith.constant 0 : i32
    return %c1_i32, %arg0, %c0_i32 : i32, i32, i32
  }
  func.func @transform_3(%arg0: i32) -> i32 {
    %c0_i32 = arith.constant 0 : i32
    return %arg0 : i32
  }
  func.func @transform_4(%arg0: i32) -> (i32, i32) {
    %c0_i32 = arith.constant 0 : i32
    %c0_i32_0 = arith.constant 0 : i32
    %c0_i32_1 = arith.constant 0 : i32
    return %c0_i32, %c0_i32_0 : i32, i32
  }
  func.func @transform_5(%arg0: i32) -> (i32, i32) {
    %c0_i32 = arith.constant 0 : i32
    %c0_i32_0 = arith.constant 0 : i32
    return %arg0, %c0_i32 : i32, i32
  }
}

</mosaic_0001>

<sc_bundles>
// kernel: kernel.5.cloned.1.call-start
scs
__scs_entry_jumppad:
0x0: {  	(pc) =	sbr.rel $0x88, $3  }
0x1: {  	(tag) =	ssettag $0x0;
	lr =	simm.s32 $0x1  }
0x2: {  	[smem:$0x3F9C] =	sst lr;
	_ =	strace $0xD0000000  }
0x3: {  	_ = 	snop  }
0x4: {  	_ = 	snop  }
0x5: {  	_ = 	snop  }
0x6: {  	_ = 	snop  }
0x7: {  	_ = 	snop  }
__scs_overlays_trampoline_lowered:
0x8: {  	[smem:$0x3FAB] =	sst s0  }
0x9: {  	[smem:$0x3FAC] =	sst s1  }
0xa: {  	[smem:$0x3FAD] =	sst s2  }
0xb: {  	[smem:$0x3FAE] =	sst s3  }
0xc: {  	[smem:$0x3FAF] =	sst s4  }
0xd: {  	[smem:$0x3FB0] =	sst s5  }
0xe: {  	[smem:$0x3FB1] =	sst s6  }
0xf: {  	[smem:$0x3FB2] =	sst s7  }
0x10: {  	[smem:$0x3FB3] =	sst s8  }
0x11: {  	[smem:$0x3FB4] =	sst s9;
	s0 =	simm.s32 @!p0 $0x0  }
0x12: {  	s1 =	sld [smem:$0x3F9A];
	s0 =	simm.s32 @p0 $0x1  }
0x13: {  	[smem:$0x3FB5] =	sst s0;
	s0 =	simm.s32 @!p1 $0x0  }
0x14: {  	s2 =	sld [smem:$0x3F99];
	s0 =	simm.s32 @p1 $0x1  }
0x15: {  	[smem:$0x3FB6] =	sst s0;
	s0 =	simm.s32 @!p2 $0x0  }
0x16: {  	s3 =	sld [smem:$0x3FDB];
	s0 =	simm.s32 @p2 $0x1  }
0x17: {  	s4 =	simm.s32 $0x1BF5;
	[smem:$0x3FB8] =	sst s0  }
0x18: {  	s0 =	sld [smem:$0x3F9B];
	_ =	swait.ge [sflag:s4], $0x0  }
0x19: {  	s7 =	sld [smem:$0x3F9C]  }
0x1a: {  	s8 =	sadd.s32 $0xFFFFE003, lr  }
0x1b: {  	s9 =	sadd.s32 $0xFFFFFEF7, lr;
	s5 =	simm.s32 $0xFFFFFFFF;
	p2 =	slt.u32 s8, $0xFFFFF086  }
0x1c: {  	p1 =	slt.u32 s9, $0xF7A;
	s5 =	simm.s32 @!p2 $0x0  }
0x1d: {  	s5 =	simm.s32 @p1 $0x1;
	p0 =	seq.s32 s7, s2  }
0x1e: {  	s7 =	smul.u32 @!p0 $0xF7A, s2;
	p2 =	seq.s32 @!p0 s5, $0x0  }
0x1f: {  	s9 =	smul.u32 $0xF7A, s1;
	s8 =	simm.s32 @!p0 $0x1BF5;
	p2 =	por !p2, p0  }
0x20: {  	[sflag:s8] =	ssyncset.s32 @!p0 $0xFFFFF086;
	s6 =	sadd.s32 @!p0 s3, s7;
	s7 =	simm.s32 @!p0 $0x108  }
0x21: {  	s3 =	sadd.s32 s3, s9;
	s6 =	sadd.s32 @!p0 $0x88, s6;
	s7 =	simm.s32 @p2 $0x1082  }
0x22: {  	[simem:s7], [sflag:s8] =	dma.local @!p0 [hbm:s6], $0xF7A  }
0x23: {  	s9 =	sor.u32 $0xD0000000, s2;
	s6 =	simm.s32 $0x108;
	_ =	swait.ge @!p0 [sflag:s8], $0x0  }
0x24: {  	s3 =	sadd.s32 $0x88, s3;
	s6 =	simm.s32 @!p1 $0x1082;
	[sflag:s4] =	ssyncset.s32 $0xFFFFF086  }
0x25: {  	[simem:s6], [sflag:s4] =	dma.local [hbm:s3], $0xF7A  }
0x26: {  	[smem:$0x3F9C] =	sst s1;
	(tag) =	ssettag s2;
	_ =	strace s9  }
0x27: {  	s1 =	sld [smem:$0x3FAC]  }
0x28: {  	s2 =	sld [smem:$0x3FAD]  }
0x29: {  	s4 =	sld [smem:$0x3FAF]  }
0x2a: {  	p0 =	seq.s32 s5, $0x0;
	s5 =	sld [smem:$0x3FB0]  }
0x2b: {  	s6 =	sld [smem:$0x3FB1]  }
0x2c: {  	s7 =	sld [smem:$0x3FB2]  }
0x2d: {  	s3 =	simm.s32 $0x108;
	s8 =	sld [smem:$0x3FB3]  }
0x2e: {  	s3 =	simm.s32 @!p0 $0x1082;
	s9 =	sld [smem:$0x3FB4]  }
0x2f: {  	lr =	sadd.s32 s0, s3;
	s0 =	sld [smem:$0x3FAB]  }
0x30: {  	s3 =	sld [smem:$0x3FAE]  }
0x31: {  	[smem:$0x3FB7] =	sst s10  }
0x32: {  	s10 =	sld [smem:$0x3FB5];
	_ =	sdelay $0x3  }
0x33: {  	p0 =	seq.s32 s10, $0x1;
	s10 =	sld [smem:$0x3FB7];
	_ =	sdelay $0x3  }
0x34: {  	[smem:$0x3FB7] =	sst s10  }
0x35: {  	s10 =	sld [smem:$0x3FB6];
	_ =	sdelay $0x3  }
0x36: {  	p1 =	seq.s32 s10, $0x1;
	s10 =	sld [smem:$0x3FB7];
	_ =	sdelay $0x3  }
0x37: {  	[smem:$0x3FB7] =	sst s10  }
0x38: {  	s10 =	sld [smem:$0x3FB8]  }
0x39: {  	_ = 	snop;
	(pc) =	sbr.ind lr, $3  }
0x3a: {  	_ = 	snop  }
0x3b: {  	_ = 	snop  }
0x3c: {  	p2 =	seq.s32 s10, $0x1;
	s10 =	sld [smem:$0x3FB7]  }
0x3d: {  	_ =	shalt  }
0x3e: {  	_ =	shalt  }
0x3f: {  	_ =	shalt  }
0x40: {  	_ =	shalt  }
0x41: {  	_ =	shalt  }
0x42: {  	_ =	shalt  }
0x43: {  	_ =	shalt  }
0x44: {  	_ =	shalt  }
0x45: {  	_ =	shalt  }
0x46: {  	_ =	shalt  }
0x47: {  	_ =	shalt  }
0x48: {  	_ =	shalt  }
0x49: {  	_ =	shalt  }
0x4a: {  	_ =	shalt  }
0x4b: {  	_ =	shalt  }
0x4c: {  	_ =	shalt  }
0x4d: {  	_ =	shalt  }
0x4e: {  	_ =	shalt  }
0x4f: {  	_ =	shalt  }
0x50: {  	_ =	shalt  }
0x51: {  	_ =	shalt  }
0x52: {  	_ =	shalt  }
0x53: {  	_ =	shalt  }
0x54: {  	_ =	shalt  }
0x55: {  	_ =	shalt  }
0x56: {  	_ =	shalt  }
0x57: {  	_ =	shalt  }
0x58: {  	_ =	shalt  }
0x59: {  	_ =	shalt  }
0x5a: {  	_ =	shalt  }
0x5b: {  	_ =	shalt  }
0x5c: {  	_ =	shalt  }
0x5d: {  	_ =	shalt  }
0x5e: {  	_ =	shalt  }
0x5f: {  	_ =	shalt  }
0x60: {  	_ =	shalt  }
0x61: {  	_ =	shalt  }
0x62: {  	_ =	shalt  }
0x63: {  	_ =	shalt  }
0x64: {  	_ =	shalt  }
0x65: {  	_ =	shalt  }
0x66: {  	_ =	shalt  }
0x67: {  	_ =	shalt  }
0x68: {  	_ =	shalt  }
0x69: {  	_ =	shalt  }
0x6a: {  	_ =	shalt  }
0x6b: {  	_ =	shalt  }
0x6c: {  	_ =	shalt  }
0x6d: {  	_ =	shalt  }
0x6e: {  	_ =	shalt  }
0x6f: {  	_ =	shalt  }
0x70: {  	_ =	shalt  }
0x71: {  	_ =	shalt  }
0x72: {  	_ =	shalt  }
0x73: {  	_ =	shalt  }
0x74: {  	_ =	shalt  }
0x75: {  	_ =	shalt  }
0x76: {  	_ =	shalt  }
0x77: {  	_ =	shalt  }
0x78: {  	_ =	shalt  }
0x79: {  	_ =	shalt  }
0x7a: {  	_ =	shalt  }
0x7b: {  	_ =	shalt  }
0x7c: {  	_ =	shalt  }
0x7d: {  	_ =	shalt  }
0x7e: {  	_ =	shalt  }
0x7f: {  	_ =	shalt  }
0x80: {  	_ =	shalt  }
0x81: {  	_ =	shalt  }
0x82: {  	_ =	shalt  }
0x83: {  	_ =	shalt  }
0x84: {  	_ =	shalt  }
0x85: {  	_ =	shalt  }
0x86: {  	_ =	shalt  }
0x87: {  	_ =	shalt  }
.Lfunc_end0:
.L_simem_size_0:
called_computation_lowered:
.L_overlay_start_0:
0x88: {  	s2 =	sld [smem:$0x3FD9]  }
0x89: {  	s3 =	sld [smem:$0x3FFE];
	_ =	sdelay $0x1  }
0x8a: {  	s1 =	srdreg.scid  }
0x8b: {  	s0 =	sand.u32 $0x1, s1  }
0x8c: {  	s17 =	sshll.u32 s0, $0xA;
	s2 =	sadd.s32 s3, s2  }
0x8d: {  	s2 =	sadd.s32 s2, s17  }
0x8e: {  	[smem:$0x3FC3] =	sst s2  }
0x8f: {  	_ = 	snop  }
0x90: {  	s2 =	sld [smem:$0x3FC9]  }
0x91: {  	s18 =	sld [smem:$0x3FD0];
	(tm) =	ssettm $0x1  }
0x92: {  	s4 =	sld [smem:$0x3FFB];
	_ =	sdelay $0x3  }
0x93: {  	_ =	strace s4  }
0x94: {  	s4 =	sld [smem:$0x3FFC];
	_ =	sdelay $0x3  }
0x95: {  	_ =	strace s4  }
0x96: {  	s4 =	sld [smem:$0x3FFD];
	_ =	sdelay $0x3  }
0x97: {  	_ =	strace s4  }
0x98: {  	_ =	strace $0x8FFFFFFF  }
0x99: {  	s19 =	sld [smem:$0x3FDB];
	_ =	sdelay $0x1  }
0x9a: {  	s5 =	simm.s32 $_scs_section_size  }
0x9b: {  	s6 =	simm.s32 $_size__tile_overlayer_lowered;
	s7 =	simm.s32 $_tile_overlayer_lowered  }
0x9c: {  	s22 =	simm.s32 $0x1BFF;
	s21 =	sshll.u32 s7, $0x1;
	s4 =	sadd.s32 s5, s19  }
0x9d: {  	s8 =	simm.s32 $0x0;
	s20 =	sshll.u32 s6, $0x1;
	s6 =	sadd.s32 s21, s4  }
0x9e: {  	[timem:s8], [sflag:s22] =	dma.local [hbm:s6], s20  }
0x9f: {  	_ =	swait.ge [sflag:s22], s20  }
0xa0: {  	s5 =	ssub.s32 $0x0, s20;
	[sflag:s22] =	ssyncset.done $0x0  }
0xa1: {  	[sflag:s22] =	ssyncadd.s32 s5;
	_ =	sdelay $0x1  }
0xa2: {  	s23 =	simm.s32 $0x1B8B  }
0xa3: {  	_ =	swait.ge [sflag:s23], $0x1  }
0xa4: {  	[sflag:s23] =	ssyncset.done $0x0  }
0xa5: {  	s25 =	simm.s32 $0x1B8E;
	s24 =	sld [smem:$0x3FFE];
	[sflag:s23] =	ssyncadd.s32 $0xFFFFFFFF  }
0xa6: {  	s26 =	simm.s32 $execute0_lowered;
	[smem:$0x3FD2] =	sst s25  }
0xa7: {  	s6 =	sshll.u32 s26, $0x1;
	_ =	strace $0x80000046;
	[dreg:$0x1] =	wrdreg $0xFFFFFFFF  }
0xa8: {  	s28 =	simm.s32 $_size_execute0_lowered;
	s4 =	sadd.s32 s4, s6;
	[dreg:$0x0] =	wrdreg $0x0  }
0xa9: {  	s6 =	sshll.u32 s28, $0x1;
	[dreg:$0x2] =	wrdreg s4  }
0xaa: {  	[dreg:$0x3] =	wrdreg s6  }
0xab: {  	[dreg:$0x4] =	wrdreg $0xC0  }
0xac: {  	_ =	task [dreg:s8], $0x5FFFF  }
0xad: {  	[dreg:$0x1] =	wrdreg $0xFFFFFFFF  }
0xae: {  	[dreg:$0x0] =	wrdreg $0x60  }
0xaf: {  	[dreg:$0x2] =	wrdreg s2  }
0xb0: {  	[dreg:$0x3] =	wrdreg s18  }
0xb1: {  	[dreg:$0x4] =	wrdreg s24  }
0xb2: {  	[dreg:$0x5] =	wrdreg $0x0  }
0xb3: {  	[dreg:$0x6] =	wrdreg $0x140000  }
0xb4: {  	[dreg:$0x7] =	wrdreg $0x9  }
0xb5: {  	_ =	task.clear_ibuf [dreg:s8], $0x8FFFF;
	_ =	strace $0x90000046  }
0xb6: {  	s29 =	simm.s32 $0x9;
	_ =	strace $0x80000048  }
0xb7: {  	_ =	swait.ge [sflag:s29], $0x1  }
0xb8: {  	[sflag:s29] =	ssyncadd.s32 $0xFFFFFFFF  }
0xb9: {  	_ =	strace $0x90000048  }
0xba: {  	_ =	sfence  }
0xbb: {  	s30 =	sld [smem:$0x0];
	_ =	sdelay $0x2  }
0xbc: {  	s31 =	sshll.u32 s1, $0xD;
	s1 =	sshrl.u32 s1, $0x2  }
0xbd: {  	s3 =	sand.u32 $0x4000, s31;
	s1 =	sadd.s32 s1, s30  }
0xbe: {  	s0 =	sor.u32 s3, s0;
	s1 =	sshll.u32 s1, $0x11  }
0xbf: {  	s0 =	sor.u32 s1, s0  }
0xc0: {  	s0 =	sadd.s32 $0x8F2B, s0  }
0xc1: {  	[sflag:s0] =	ssyncadd.remote.s32 $0x1  }
0xc2: {  	_ =	sfence.sel $0xFFFF  }
0xc3: {  	[dreg:$0x0] =	wrdreg $0xFFFFFFFF;
	(pc) =	sbr.abs _section_cstart, $3  }
0xc4: {  	[dreg:$0x1] =	wrdreg $0xFFFFFFFF  }
0xc5: {  	_ =	task.clear_ibuf [dreg:s8], $0x2FFFF;
	_ =	strace $0x9FFFFFFF  }
0xc6: {  	(tm) =	ssettm $0x7FFFFFFF  }
0xc7: {  	_ =	shalt  }
tec
execute0_lowered:
.L_overlay_start_1:
0x0: {  	(tag) =	ssettag $0x1  }
0x1: {  	s3 =	rddreg [dreg:$0x0]  }
0x2: {  	s2 =	rddreg [dreg:$0x1];
	s14 =	stileid.u32  }
0x3: {  	s6 =	rddreg [dreg:$0x2];
	s8 =	smul.u32 $0x14000, s14  }
0x4: {  	s1 =	srdreg.scid;
	s17 =	smul.u32 $0x500, s14  }
0x5: {  	s4 =	rddreg [dreg:$0x3];
	s13 =	smul.u32 $0x50000, s14  }
0x6: {  	s5 =	rddreg [dreg:$0x4];
	s1 =	sand.u32 $0x1, s1;
	s25 =	smul.u32 $0xA8, s14  }
0x7: {  	s0 =	simm.s32 $0x0;
	s10 =	sshll.u32 s14, $0x1;
	s7 =	smul.u32 $0x140000, s1  }
0x8: {  	[smem:$0x7FF] =	sst s0;
	s18 =	sor.u32 s1, s10;
	s10 =	smul.u32 $0x280, s14  }
0x9: {  	s30 =	simm.s32 $0x78;
	_ =	strace $0x80000047;
	s28 =	smul.u32 $0x54, s1  }
0xa: {  	s9 =	sshll.u32 s1, $0x7;
	s11 =	ssub.s32 $0x2, s1;
	s1 =	smul.u32 $0xA80, s1  }
0xb: {  	s19 =	sshrl.u32 s11, $0x1;
	s23 =	sshrl.u32 s13, $0x2;
	s7 =	sadd.s32 s8, s7  }
0xc: {  	s8 =	sor.u32 s9, s17;
	s9 =	smul.u32 $0xA80, s18;
	s12 =	sadd.s32 $0x258, s10  }
0xd: {  	s31 =	sadd.s32 s23, s4;
	s24 =	sor.u32 $0x78, s10;
	s29 =	sadd.s32 s10, s5  }
0xe: {  	s13 =	sadd.s32 $0xF0, s10;
	s7 =	sshrl.u32 s7, $0x3;
	[dreg:$0x14] =	wrdreg s29  }
0xf: {  	s8 =	sshrl.u32 s8, $0x3;
	s22 =	sadd.s32 s12, s5;
	[dreg:$0x12] =	wrdreg s31  }
0x10: {  	s20 =	sshll.u32 s12, $0x7;
	s12 =	sadd.s32 s24, s5;
	[dreg:$0x10] =	wrdreg s22  }
0x11: {  	s26 =	sshll.u32 s24, $0x7;
	s15 =	sadd.s32 s2, s9;
	[dreg:$0x17] =	wrdreg s12  }
0x12: {  	s24 =	sadd.s32 $0x1E0, s10;
	s9 =	sadd.s32 s20, s4;
	[dreg:$0xd] =	wrdreg s15  }
0x13: {  	s16 =	sshll.u32 s13, $0x7;
	s29 =	sadd.s32 s24, s5;
	[dreg:$0xf] =	wrdreg s9  }
0x14: {  	s7 =	sadd.s32 s7, s6;
	s21 =	sadd.s32 $0x20, s15;
	[dreg:$0x1d] =	wrdreg s29  }
0x15: {  	s6 =	sadd.s32 s8, s6;
	s7 =	sadd.s32 $0x1C00, s7;
	[dreg:$0xe] =	wrdreg s21  }
0x16: {  	s8 =	ssub.s32 s11, s19;
	s6 =	sadd.s32 $0x1200, s6;
	[dreg:$0x11] =	wrdreg s7  }
0x17: {  	s19 =	sadd.s32 $0x168, s10;
	s8 =	smax.u32 s8, $0x1;
	[dreg:$0x13] =	wrdreg s6  }
0x18: {  	s15 =	sadd.s32 s28, s25;
	[dreg:$0x15] =	wrdreg s8;
	s6 =	sadd.s32 s26, s4  }
0x19: {  	s7 =	sshll.u32 s15, $0x5;
	s8 =	sadd.s32 s16, s4;
	[dreg:$0x16] =	wrdreg s6  }
0x1a: {  	s21 =	sshll.u32 s19, $0x7;
	[dreg:$0x18] =	wrdreg s8;
	s6 =	sadd.s32 s13, s5  }
0x1b: {  	s26 =	sshll.u32 s24, $0x7;
	s9 =	sadd.s32 s21, s4;
	[dreg:$0x19] =	wrdreg s6  }
0x1c: {  	s18 =	sadd.s32 s7, s2;
	s7 =	sadd.s32 s19, s5;
	[dreg:$0x1a] =	wrdreg s9  }
0x1d: {  	s17 =	smul.u32 $0x1500, s14;
	s28 =	sadd.s32 s26, s4;
	[dreg:$0x1b] =	wrdreg s7  }
0x1e: {  	s10 =	simm.s32 $0x1F700;
	s20 =	sadd.s32 $0x160, s18;
	[dreg:$0x1c] =	wrdreg s28  }
0x1f: {  	s11 =	simm.s32 $0x14300;
	s22 =	sadd.s32 $0x140, s18;
	[dreg:$0x6] =	wrdreg s20  }
0x20: {  	s12 =	simm.s32 $0xC;
	s23 =	sadd.s32 $0xE0, s18;
	[dreg:$0x7] =	wrdreg s22  }
0x21: {  	s2 =	sadd.s32 s17, s2;
	s25 =	sadd.s32 $0xC0, s18;
	[dreg:$0x8] =	wrdreg s23  }
0x22: {  	s16 =	simm.s32 $0x1F800;
	s1 =	sadd.s32 s1, s2;
	[dreg:$0x9] =	wrdreg s25  }
0x23: {  	s26 =	simm.s32 $0xB;
	s6 =	sadd.s32 $0x60, s18;
	[dreg:$0xb] =	wrdreg s1  }
0x24: {  	s17 =	simm.s32 $0x4;
	s18 =	simm.s32 $0x7;
	[dreg:$0xa] =	wrdreg s6  }
0x25: {  	v0 =	vimm.f32 $1.000000000e+00;
	v1 =	vimm.f32 $0.0e+00;
	s6 =	simm.s32 $0x1;
	s1 =	simm.s32 $0x3;
	s20 =	simm.s32 $0x0  }
.LBB2_1:
0x26: {  	s8 =	rddreg [dreg:$0xd]  }
0x27: {  	[tilespmem:s10], [sflag:$0xA] =	stream.linear.gather [hbm4b:s8+s0], $0x100, $0x38;
	[tilespmem:$0x1FB00] =	vst v63  }
0x28: {  	s29 =	rddreg [dreg:$0xe]  }
0x29: {  	[tilespmem:s16], [sflag:$0xB] =	stream.linear.gather [hbm4b:s29+s0], $0x100, $0x38;
	[tilespmem:$0x1FB00] =	vst v63  }
0x2a: {  	[tilespmem:$0x14280] =	vst v0  }
0x2b: {  	[tilespmem:$0x14290] =	vst v0  }
0x2c: {  	[tilespmem:$0x142A0] =	vst v0  }
0x2d: {  	[tilespmem:$0x142B0] =	vst v0  }
0x2e: {  	[tilespmem:$0x142C0] =	vst v0  }
0x2f: {  	s23 =	sand.u32 $0xFE00, s0;
	[tilespmem:$0x142D0] =	vst v0  }
0x30: {  	[dreg:$0x1e] =	wrdreg s20;
	s24 =	sand.u32 $0x70, s0;
	s25 =	sshrl.u32 s23, $0x2;
	[tilespmem:$0x142E0] =	vst v0  }
0x31: {  	s23 =	simm.s32 $0x40;
	s25 =	sor.u32 s24, s25;
	s24 =	simm.s32 $0x0;
	[tilespmem:$0x142F0] =	vst v0  }
.LBB2_2:
0x32: {  	p0 =	sne.s32 s23, $0xEFC0  }
0x33: {  	[tilespmem:s25+$0x14300] =	vst v1;
	s24 =	sadd.s32 $0x10, s24;
	s25 =	smov.u32 s23;
	s23 =	sadd.s32 $0x40, s23  }
.Ltmp0:
0x34: {  	(pc) =	sbr.rel @p0 .LBB2_2-.Ltmp0, $4  }
0x35: {  	_ = 	snop  }
0x36: {  	s25 =	sand.u32 $0xFE00, s25  }
0x37: {  	s29 =	sand.u32 $0x70, s24;
	s25 =	sshrl.u32 s25, $0x2  }
0x38: {  	s25 =	sor.u32 s29, s25  }
0x39: {  	[tilespmem:s25+$0x14300] =	vst v1;
	s10 =	simm.s32 $0xE  }
0x3a: {  	[spmem:s31] =	stream.linear.scatter [tilespmem:s11], [sflag:$0xE], $0x3C00, $0x38;
	[tilespmem:$0x1FB00] =	vst v63  }
0x3b: {  	_ =	swait.ge [sflag:s10], $0x3C00  }
0x3c: {  	[sflag:s10] =	ssyncset.done $0x0  }
0x3d: {  	s8 =	rddreg [dreg:$0x14];
	[sflag:s10] =	ssyncadd.s32 $0xFFFFC400  }
0x3e: {  	[spmem:s8] =	stream.linear.scatter [tilespmem:s11], [sflag:$0xE], $0x78, $0x38;
	[tilespmem:$0x1FB00] =	vst v63  }
0x3f: {  	_ =	swait.ge [sflag:s10], $0x78  }
0x40: {  	[sflag:s10] =	ssyncset.done $0x0  }
0x41: {  	s20 =	rddreg [dreg:$0x16];
	[sflag:s10] =	ssyncadd.s32 $0xFFFFFF88  }
0x42: {  	[spmem:s20] =	stream.linear.scatter [tilespmem:s11], [sflag:$0xE], $0x3C00, $0x38;
	[tilespmem:$0x1FB00] =	vst v63  }
0x43: {  	_ =	swait.ge [sflag:s10], $0x3C00  }
0x44: {  	[sflag:s10] =	ssyncset.done $0x0  }
0x45: {  	s21 =	rddreg [dreg:$0x17];
	[sflag:s10] =	ssyncadd.s32 $0xFFFFC400  }
0x46: {  	[spmem:s21] =	stream.linear.scatter [tilespmem:s11], [sflag:$0xE], $0x78, $0x38;
	[tilespmem:$0x1FB00] =	vst v63  }
0x47: {  	_ =	swait.ge [sflag:s10], $0x78  }
0x48: {  	[sflag:s10] =	ssyncset.done $0x0  }
0x49: {  	s22 =	rddreg [dreg:$0x18];
	[sflag:s10] =	ssyncadd.s32 $0xFFFFFF88  }
0x4a: {  	[spmem:s22] =	stream.linear.scatter [tilespmem:s11], [sflag:$0xE], $0x3C00, $0x38;
	[tilespmem:$0x1FB00] =	vst v63  }
0x4b: {  	_ =	swait.ge [sflag:s10], $0x3C00  }
0x4c: {  	[sflag:s10] =	ssyncset.done $0x0  }
0x4d: {  	s23 =	rddreg [dreg:$0x19];
	[sflag:s10] =	ssyncadd.s32 $0xFFFFC400  }
0x4e: {  	[spmem:s23] =	stream.linear.scatter [tilespmem:s11], [sflag:$0xE], $0x78, $0x38;
	[tilespmem:$0x1FB00] =	vst v63  }
0x4f: {  	_ =	swait.ge [sflag:s10], $0x78  }
0x50: {  	[sflag:s10] =	ssyncset.done $0x0  }
0x51: {  	s24 =	rddreg [dreg:$0x1a];
	[sflag:s10] =	ssyncadd.s32 $0xFFFFFF88  }
0x52: {  	[spmem:s24] =	stream.linear.scatter [tilespmem:s11], [sflag:$0xE], $0x3C00, $0x38;
	[tilespmem:$0x1FB00] =	vst v63  }
0x53: {  	_ =	swait.ge [sflag:s10], $0x3C00  }
0x54: {  	[sflag:s10] =	ssyncset.done $0x0  }
0x55: {  	s25 =	rddreg [dreg:$0x1b];
	[sflag:s10] =	ssyncadd.s32 $0xFFFFC400  }
0x56: {  	[spmem:s25] =	stream.linear.scatter [tilespmem:s11], [sflag:$0xE], $0x78, $0x38;
	[tilespmem:$0x1FB00] =	vst v63  }
0x57: {  	_ =	swait.ge [sflag:s10], $0x78  }
0x58: {  	[sflag:s10] =	ssyncset.done $0x0  }
0x59: {  	s29 =	rddreg [dreg:$0x1c];
	[sflag:s10] =	ssyncadd.s32 $0xFFFFFF88  }
0x5a: {  	[spmem:s29] =	stream.linear.scatter [tilespmem:s11], [sflag:$0xE], $0x3C00, $0x38;
	[tilespmem:$0x1FB00] =	vst v63  }
0x5b: {  	_ =	swait.ge [sflag:s10], $0x3C00  }
0x5c: {  	[sflag:s10] =	ssyncset.done $0x0  }
0x5d: {  	s0 =	rddreg [dreg:$0x1d];
	[sflag:s10] =	ssyncadd.s32 $0xFFFFC400  }
0x5e: {  	[spmem:s0] =	stream.linear.scatter [tilespmem:s11], [sflag:$0xE], $0x78, $0x38;
	[tilespmem:$0x1FB00] =	vst v63  }
0x5f: {  	_ =	swait.ge [sflag:s10], $0x78  }
0x60: {  	[sflag:s10] =	ssyncset.done $0x0  }
0x61: {  	s2 =	rddreg [dreg:$0xf];
	[sflag:s10] =	ssyncadd.s32 $0xFFFFFF88  }
0x62: {  	[spmem:s2] =	stream.linear.scatter [tilespmem:s11], [sflag:$0xE], $0x1400, $0x38;
	[tilespmem:$0x1FB00] =	vst v63  }
0x63: {  	_ =	swait.ge [sflag:s10], $0x1400  }
0x64: {  	[sflag:s10] =	ssyncset.done $0x0  }
0x65: {  	s7 =	rddreg [dreg:$0x10];
	[sflag:s10] =	ssyncadd.s32 $0xFFFFEC00  }
0x66: {  	[spmem:s7] =	stream.linear.scatter [tilespmem:s11], [sflag:$0xE], $0x28, $0x38;
	[tilespmem:$0x1FB00] =	vst v63  }
0x67: {  	_ =	swait.ge [sflag:s10], $0x28  }
0x68: {  	[sflag:s10] =	ssyncset.done $0x0  }
0x69: {  	[sflag:s10] =	ssyncadd.s32 $0xFFFFFFD8  }
0x6a: {  	s14 =	simm.s32 $0xA;
	[bflag:$0x0] =	sbarrier.arrive $0xFFFF  }
0x6b: {  	p0 =	por $0x1, $0x1;
	_ =	swait.ge [sflag:s14], $0x100  }
0x6c: {  	p0 =	por p0, p0;
	[sflag:s14] =	ssyncset.done $0x0  }
0x6d: {  	s23 =	simm.s32 @!p0 $0x5;
	s29 =	simm.s32 $0x1F700;
	[sflag:s14] =	ssyncadd.s32 $0xFFFFFF00  }
0x6e: {  	[tilespmem:s11], [sflag:$0x1] =	stream.indirect.gather [hbm4b:s3+s30], $0x80, s29, s30, $0xb8;
	[tilespmem:$0x1FB00] =	vst v63  }
0x6f: {  	_ =	swait.ge @!p0 [sflag:s23], $0x3C00  }
0x70: {  	[sflag:s23] =	ssyncset.done @!p0 $0x0  }
0x71: {  	s24 =	simm.s32 @!p0 $0x8;
	[sflag:s23] =	ssyncadd.s32 @!p0 $0xFFFFC400  }
0x72: {  	_ =	swait.ge @!p0 [sflag:s24], $0x78  }
0x73: {  	s0 =	rddreg [dreg:$0xb]  }
0x74: {  	s19 =	simm.s32 $0x1F900;
	[sflag:s24] =	ssyncset.done @!p0 $0x0;
	s23 =	sadd.s32 $0x0, s0  }
0x75: {  	s10 =	simm.s32 $0x0;
	[sflag:s24] =	ssyncadd.s32 @!p0 $0xFFFFFF88;
	s9 =	sadd.s32 $0x40, s23  }
0x76: {  	[tilespmem:s19], [sflag:$0xC] =	stream.linear.gather [hbm4b:s9+s10], $0x100, $0x38;
	[tilespmem:$0x1FB00] =	vst v63  }
0x77: {  	_ =	swait.ge [sflag:s26], $0x100  }
0x78: {  	[sflag:s26] =	ssyncset.done $0x0  }
0x79: {  	s20 =	simm.s32 $0x17F00;
	s11 =	simm.s32 $0x1F800;
	[sflag:s26] =	ssyncadd.s32 $0xFFFFFF00  }
0x7a: {  	[tilespmem:s20], [sflag:$0x2] =	stream.indirect.gather [hbm4b:s3+s30], $0x80, s11, s30, $0xb8;
	[tilespmem:$0x1FB00] =	vst v63  }
0x7b: {  	_ =	swait.ge [sflag:s6], $0x3C00  }
0x7c: {  	[sflag:s6] =	ssyncset.done $0x0  }
0x7d: {  	s8 =	simm.s32 $0x14300;
	[sflag:s6] =	ssyncadd.s32 $0xFFFFC400;
	s6 =	simm.s32 $0x1F780  }
0x7e: {  	[spmem:s4] =	stream.indirect.scatter.add.f32 [tilespmem:s8], [sflag:$0x4], $0x80, s6, s30, $0xb8;
	[tilespmem:$0x1FB00] =	vst v63  }
0x7f: {  	s28 =	simm.s32 $0x14280;
	s24 =	simm.s32 @!p0 $0x6  }
0x80: {  	[spmem:s5] =	stream.indirect.scatter.add.f32 [tilespmem:s28], [sflag:$0x7], $0x1, s6, s30, $0xb8;
	[tilespmem:$0x1FB00] =	vst v63  }
0x81: {  	_ =	swait.ge @!p0 [sflag:s24], $0x3C00  }
0x82: {  	[sflag:s24] =	ssyncset.done @!p0 $0x0  }
0x83: {  	[sflag:s24] =	ssyncadd.s32 @!p0 $0xFFFFC400;
	s24 =	simm.s32 @!p0 $0x9  }
0x84: {  	_ =	swait.ge @!p0 [sflag:s24], $0x78  }
0x85: {  	s13 =	rddreg [dreg:$0xa];
	[sflag:s24] =	ssyncset.done @!p0 $0x0  }
0x86: {  	s16 =	simm.s32 $0x1FA00;
	[sflag:s24] =	ssyncadd.s32 @!p0 $0xFFFFFF88;
	s15 =	sadd.s32 $0x0, s13  }
0x87: {  	[tilespmem:s16], [sflag:$0xD] =	stream.linear.gather [hbm4b:s15+s10], $0x100, $0x38;
	[tilespmem:$0x1FB00] =	vst v63  }
0x88: {  	_ =	swait.ge [sflag:s12], $0x100  }
0x89: {  	[sflag:s12] =	ssyncset.done $0x0  }
0x8a: {  	s16 =	simm.s32 $0x1BB00;
	s15 =	simm.s32 $0x2;
	[sflag:s12] =	ssyncadd.s32 $0xFFFFFF00  }
0x8b: {  	[tilespmem:s16], [sflag:$0x3] =	stream.indirect.gather [hbm4b:s3+s30], $0x80, s19, s30, $0xb8;
	[tilespmem:$0x1FB00] =	vst v63  }
0x8c: {  	_ =	swait.ge [sflag:s15], $0x3C00  }
0x8d: {  	[sflag:s15] =	ssyncset.done $0x0  }
0x8e: {  	s2 =	simm.s32 $0x1F880;
	[sflag:s15] =	ssyncadd.s32 $0xFFFFC400  }
0x8f: {  	[spmem:s4] =	stream.indirect.scatter.add.f32 [tilespmem:s20], [sflag:$0x5], $0x80, s2, s30, $0xb8;
	[tilespmem:$0x1FB00] =	vst v63  }
0x90: {  	_ = 	snop  }
0x91: {  	[spmem:s5] =	stream.indirect.scatter.add.f32 [tilespmem:s28], [sflag:$0x8], $0x1, s2, s30, $0xb8;
	[tilespmem:$0x1FB00] =	vst v63  }
0x92: {  	_ =	swait.ge [sflag:s17], $0x3C00  }
0x93: {  	[sflag:s17] =	ssyncset.done $0x0  }
0x94: {  	[sflag:s17] =	ssyncadd.s32 $0xFFFFC400  }
0x95: {  	_ =	swait.ge [sflag:s18], $0x78  }
0x96: {  	[sflag:s18] =	ssyncset.done $0x0  }
0x97: {  	s7 =	simm.s32 $0xD;
	s22 =	sadd.s32 $0x80, s23;
	[sflag:s18] =	ssyncadd.s32 $0xFFFFFF88  }
0x98: {  	[tilespmem:s29], [sflag:$0xA] =	stream.linear.gather [hbm4b:s22+s10], $0x100, $0x38;
	[tilespmem:$0x1FB00] =	vst v63  }
0x99: {  	_ =	swait.ge [sflag:s7], $0x100  }
0x9a: {  	[sflag:s7] =	ssyncset.done $0x0  }
0x9b: {  	s21 =	simm.s32 $0x1FA00;
	[sflag:s7] =	ssyncadd.s32 $0xFFFFFF00  }
0x9c: {  	[tilespmem:s8], [sflag:$0x1] =	stream.indirect.gather [hbm4b:s3+s30], $0x80, s21, s30, $0xb8;
	[tilespmem:$0x1FB00] =	vst v63  }
0x9d: {  	_ =	swait.ge [sflag:s1], $0x3C00  }
0x9e: {  	[sflag:s1] =	ssyncset.done $0x0  }
0x9f: {  	s11 =	simm.s32 $0x1F980;
	[sflag:s1] =	ssyncadd.s32 $0xFFFFC400  }
0xa0: {  	[spmem:s4] =	stream.indirect.scatter.add.f32 [tilespmem:s16], [sflag:$0x6], $0x80, s11, s30, $0xb8;
	[tilespmem:$0x1FB00] =	vst v63  }
0xa1: {  	s0 =	simm.s32 $0x5  }
0xa2: {  	[spmem:s5] =	stream.indirect.scatter.add.f32 [tilespmem:s28], [sflag:$0x9], $0x1, s11, s30, $0xb8;
	[tilespmem:$0x1FB00] =	vst v63  }
0xa3: {  	_ =	swait.ge [sflag:s0], $0x3C00  }
0xa4: {  	[sflag:s0] =	ssyncset.done $0x0  }
0xa5: {  	s22 =	simm.s32 $0x8;
	[sflag:s0] =	ssyncadd.s32 $0xFFFFC400  }
0xa6: {  	_ =	swait.ge [sflag:s22], $0x78  }
0xa7: {  	[sflag:s22] =	ssyncset.done $0x0  }
0xa8: {  	s25 =	sadd.s32 $0xA0, s23;
	s1 =	simm.s32 $0x1F800;
	[sflag:s22] =	ssyncadd.s32 $0xFFFFFF88  }
0xa9: {  	[tilespmem:s1], [sflag:$0xB] =	stream.linear.gather [hbm4b:s25+s10], $0x100, $0x38;
	[tilespmem:$0x1FB00] =	vst v63  }
0xaa: {  	_ =	swait.ge [sflag:s14], $0x100  }
0xab: {  	[sflag:s14] =	ssyncset.done $0x0  }
0xac: {  	s9 =	simm.s32 $0x1;
	[sflag:s14] =	ssyncadd.s32 $0xFFFFFF00  }
0xad: {  	[tilespmem:s20], [sflag:$0x2] =	stream.indirect.gather [hbm4b:s3+s30], $0x80, s29, s30, $0xb8;
	[tilespmem:$0x1FB00] =	vst v63  }
0xae: {  	_ =	swait.ge [sflag:s9], $0x3C00  }
0xaf: {  	[sflag:s9] =	ssyncset.done $0x0  }
0xb0: {  	s31 =	simm.s32 $0x1FA80;
	[sflag:s9] =	ssyncadd.s32 $0xFFFFC400  }
0xb1: {  	[spmem:s4] =	stream.indirect.scatter.add.f32 [tilespmem:s8], [sflag:$0x4], $0x80, s31, s30, $0xb8;
	[tilespmem:$0x1FB00] =	vst v63  }
0xb2: {  	s21 =	simm.s32 $0x6  }
0xb3: {  	[spmem:s5] =	stream.indirect.scatter.add.f32 [tilespmem:s28], [sflag:$0x7], $0x1, s31, s30, $0xb8;
	[tilespmem:$0x1FB00] =	vst v63  }
0xb4: {  	_ =	swait.ge [sflag:s21], $0x3C00  }
0xb5: {  	[sflag:s21] =	ssyncset.done $0x0  }
0xb6: {  	s25 =	simm.s32 $0x9;
	[sflag:s21] =	ssyncadd.s32 $0xFFFFC400  }
0xb7: {  	_ =	swait.ge [sflag:s25], $0x78  }
0xb8: {  	s24 =	rddreg [dreg:$0x9];
	[sflag:s25] =	ssyncset.done $0x0  }
0xb9: {  	[sflag:s25] =	ssyncadd.s32 $0xFFFFFF88;
	s24 =	sadd.s32 $0x0, s24  }
0xba: {  	[tilespmem:s19], [sflag:$0xC] =	stream.linear.gather [hbm4b:s24+s10], $0x100, $0x38;
	[tilespmem:$0x1FB00] =	vst v63  }
0xbb: {  	_ =	swait.ge [sflag:s26], $0x100  }
0xbc: {  	[sflag:s26] =	ssyncset.done $0x0  }
0xbd: {  	[sflag:s26] =	ssyncadd.s32 $0xFFFFFF00  }
0xbe: {  	[tilespmem:s16], [sflag:$0x3] =	stream.indirect.gather [hbm4b:s3+s30], $0x80, s1, s30, $0xb8;
	[tilespmem:$0x1FB00] =	vst v63  }
0xbf: {  	_ =	swait.ge [sflag:s15], $0x3C00  }
0xc0: {  	[sflag:s15] =	ssyncset.done $0x0  }
0xc1: {  	[sflag:s15] =	ssyncadd.s32 $0xFFFFC400  }
0xc2: {  	[spmem:s4] =	stream.indirect.scatter.add.f32 [tilespmem:s20], [sflag:$0x5], $0x80, s6, s30, $0xb8;
	[tilespmem:$0x1FB00] =	vst v63  }
0xc3: {  	_ = 	snop  }
0xc4: {  	[spmem:s5] =	stream.indirect.scatter.add.f32 [tilespmem:s28], [sflag:$0x8], $0x1, s6, s30, $0xb8;
	[tilespmem:$0x1FB00] =	vst v63  }
0xc5: {  	_ =	swait.ge [sflag:s17], $0x3C00  }
0xc6: {  	[sflag:s17] =	ssyncset.done $0x0  }
0xc7: {  	[sflag:s17] =	ssyncadd.s32 $0xFFFFC400  }
0xc8: {  	_ =	swait.ge [sflag:s18], $0x78  }
0xc9: {  	s1 =	rddreg [dreg:$0x8];
	[sflag:s18] =	ssyncset.done $0x0  }
0xca: {  	[sflag:s18] =	ssyncadd.s32 $0xFFFFFF88;
	s24 =	sadd.s32 $0x0, s1;
	s1 =	simm.s32 $0x1FA00  }
0xcb: {  	[tilespmem:s1], [sflag:$0xD] =	stream.linear.gather [hbm4b:s24+s10], $0x100, $0x38;
	[tilespmem:$0x1FB00] =	vst v63  }
0xcc: {  	_ =	swait.ge [sflag:s12], $0x100  }
0xcd: {  	[sflag:s12] =	ssyncset.done $0x0  }
0xce: {  	s13 =	simm.s32 $0x3;
	[sflag:s12] =	ssyncadd.s32 $0xFFFFFF00  }
0xcf: {  	[tilespmem:s8], [sflag:$0x1] =	stream.indirect.gather [hbm4b:s3+s30], $0x80, s19, s30, $0xb8;
	[tilespmem:$0x1FB00] =	vst v63  }
0xd0: {  	_ =	swait.ge [sflag:s13], $0x3C00  }
0xd1: {  	[sflag:s13] =	ssyncset.done $0x0  }
0xd2: {  	[sflag:s13] =	ssyncadd.s32 $0xFFFFC400  }
0xd3: {  	[spmem:s4] =	stream.indirect.scatter.add.f32 [tilespmem:s16], [sflag:$0x6], $0x80, s2, s30, $0xb8;
	[tilespmem:$0x1FB00] =	vst v63  }
0xd4: {  	_ = 	snop  }
0xd5: {  	[spmem:s5] =	stream.indirect.scatter.add.f32 [tilespmem:s28], [sflag:$0x9], $0x1, s2, s30, $0xb8;
	[tilespmem:$0x1FB00] =	vst v63  }
0xd6: {  	_ =	swait.ge [sflag:s0], $0x3C00  }
0xd7: {  	[sflag:s0] =	ssyncset.done $0x0  }
0xd8: {  	[sflag:s0] =	ssyncadd.s32 $0xFFFFC400  }
0xd9: {  	_ =	swait.ge [sflag:s22], $0x78  }
0xda: {  	[sflag:s22] =	ssyncset.done $0x0  }
0xdb: {  	s16 =	sadd.s32 $0x100, s23;
	[sflag:s22] =	ssyncadd.s32 $0xFFFFFF88  }
0xdc: {  	[tilespmem:s29], [sflag:$0xA] =	stream.linear.gather [hbm4b:s16+s10], $0x100, $0x38;
	[tilespmem:$0x1FB00] =	vst v63  }
0xdd: {  	_ =	swait.ge [sflag:s7], $0x100  }
0xde: {  	[sflag:s7] =	ssyncset.done $0x0  }
0xdf: {  	s1 =	simm.s32 $0x1FA00;
	[sflag:s7] =	ssyncadd.s32 $0xFFFFFF00  }
0xe0: {  	[tilespmem:s20], [sflag:$0x2] =	stream.indirect.gather [hbm4b:s3+s30], $0x80, s1, s30, $0xb8;
	[tilespmem:$0x1FB00] =	vst v63  }
0xe1: {  	_ =	swait.ge [sflag:s9], $0x3C00  }
0xe2: {  	[sflag:s9] =	ssyncset.done $0x0  }
0xe3: {  	[sflag:s9] =	ssyncadd.s32 $0xFFFFC400  }
0xe4: {  	[spmem:s4] =	stream.indirect.scatter.add.f32 [tilespmem:s8], [sflag:$0x4], $0x80, s11, s30, $0xb8;
	[tilespmem:$0x1FB00] =	vst v63  }
0xe5: {  	_ = 	snop  }
0xe6: {  	[spmem:s5] =	stream.indirect.scatter.add.f32 [tilespmem:s28], [sflag:$0x7], $0x1, s11, s30, $0xb8;
	[tilespmem:$0x1FB00] =	vst v63  }
0xe7: {  	_ =	swait.ge [sflag:s21], $0x3C00  }
0xe8: {  	[sflag:s21] =	ssyncset.done $0x0  }
0xe9: {  	[sflag:s21] =	ssyncadd.s32 $0xFFFFC400  }
0xea: {  	_ =	swait.ge [sflag:s25], $0x78  }
0xeb: {  	[sflag:s25] =	ssyncset.done $0x0  }
0xec: {  	s24 =	simm.s32 $0x1F800;
	s23 =	sadd.s32 $0x120, s23;
	[sflag:s25] =	ssyncadd.s32 $0xFFFFFF88  }
0xed: {  	[tilespmem:s24], [sflag:$0xB] =	stream.linear.gather [hbm4b:s23+s10], $0x100, $0x38;
	[tilespmem:$0x1FB00] =	vst v63  }
0xee: {  	_ =	swait.ge [sflag:s14], $0x100  }
0xef: {  	[sflag:s14] =	ssyncset.done $0x0  }
0xf0: {  	[sflag:s14] =	ssyncadd.s32 $0xFFFFFF00;
	s14 =	simm.s32 $0x1BB00  }
0xf1: {  	[tilespmem:s14], [sflag:$0x3] =	stream.indirect.gather [hbm4b:s3+s30], $0x80, s29, s30, $0xb8;
	[tilespmem:$0x1FB00] =	vst v63  }
0xf2: {  	_ =	swait.ge [sflag:s15], $0x3C00  }
0xf3: {  	[sflag:s15] =	ssyncset.done $0x0  }
0xf4: {  	[sflag:s15] =	ssyncadd.s32 $0xFFFFC400  }
0xf5: {  	[spmem:s4] =	stream.indirect.scatter.add.f32 [tilespmem:s20], [sflag:$0x5], $0x80, s31, s30, $0xb8;
	[tilespmem:$0x1FB00] =	vst v63  }
0xf6: {  	_ = 	snop  }
0xf7: {  	[spmem:s5] =	stream.indirect.scatter.add.f32 [tilespmem:s28], [sflag:$0x8], $0x1, s31, s30, $0xb8;
	[tilespmem:$0x1FB00] =	vst v63  }
0xf8: {  	_ =	swait.ge [sflag:s17], $0x3C00  }
0xf9: {  	[sflag:s17] =	ssyncset.done $0x0  }
0xfa: {  	[sflag:s17] =	ssyncadd.s32 $0xFFFFC400  }
0xfb: {  	_ =	swait.ge [sflag:s18], $0x78  }
0xfc: {  	s29 =	rddreg [dreg:$0x7];
	[sflag:s18] =	ssyncset.done $0x0  }
0xfd: {  	[sflag:s18] =	ssyncadd.s32 $0xFFFFFF88;
	s23 =	sadd.s32 $0x0, s29  }
0xfe: {  	[tilespmem:s19], [sflag:$0xC] =	stream.linear.gather [hbm4b:s23+s10], $0x100, $0x38;
	[tilespmem:$0x1FB00] =	vst v63  }
0xff: {  	_ =	swait.ge [sflag:s26], $0x100  }
0x100: {  	[sflag:s26] =	ssyncset.done $0x0  }
0x101: {  	[sflag:s26] =	ssyncadd.s32 $0xFFFFFF00  }
0x102: {  	[tilespmem:s8], [sflag:$0x1] =	stream.indirect.gather [hbm4b:s3+s30], $0x80, s24, s30, $0xb8;
	[tilespmem:$0x1FB00] =	vst v63  }
0x103: {  	_ =	swait.ge [sflag:s13], $0x3C00  }
0x104: {  	[sflag:s13] =	ssyncset.done $0x0  }
0x105: {  	[sflag:s13] =	ssyncadd.s32 $0xFFFFC400  }
0x106: {  	[spmem:s4] =	stream.indirect.scatter.add.f32 [tilespmem:s14], [sflag:$0x6], $0x80, s6, s30, $0xb8;
	[tilespmem:$0x1FB00] =	vst v63  }
0x107: {  	_ = 	snop  }
0x108: {  	[spmem:s5] =	stream.indirect.scatter.add.f32 [tilespmem:s28], [sflag:$0x9], $0x1, s6, s30, $0xb8;
	[tilespmem:$0x1FB00] =	vst v63  }
0x109: {  	_ =	swait.ge [sflag:s0], $0x3C00  }
0x10a: {  	[sflag:s0] =	ssyncset.done $0x0  }
0x10b: {  	[sflag:s0] =	ssyncadd.s32 $0xFFFFC400  }
0x10c: {  	_ =	swait.ge [sflag:s22], $0x78  }
0x10d: {  	s16 =	rddreg [dreg:$0x6];
	[sflag:s22] =	ssyncset.done $0x0  }
0x10e: {  	[sflag:s22] =	ssyncadd.s32 $0xFFFFFF88;
	s23 =	sadd.s32 $0x0, s16  }
0x10f: {  	[tilespmem:s1], [sflag:$0xD] =	stream.linear.gather [hbm4b:s23+s10], $0x100, $0x38;
	[tilespmem:$0x1FB00] =	vst v63  }
0x110: {  	s10 =	rddreg [dreg:$0xb];
	_ =	swait.ge [sflag:s12], $0x100  }
0x111: {  	[sflag:s12] =	ssyncset.done $0x0  }
0x112: {  	s6 =	simm.s32 $0x1;
	[sflag:s12] =	ssyncadd.s32 $0xFFFFFF00  }
0x113: {  	[tilespmem:s20], [sflag:$0x2] =	stream.indirect.gather [hbm4b:s3+s30], $0x80, s19, s30, $0xb8;
	[tilespmem:$0x1FB00] =	vst v63  }
0x114: {  	_ =	swait.ge [sflag:s6], $0x3C00  }
0x115: {  	[sflag:s6] =	ssyncset.done $0x0  }
0x116: {  	[sflag:s6] =	ssyncadd.s32 $0xFFFFC400  }
0x117: {  	[spmem:s4] =	stream.indirect.scatter.add.f32 [tilespmem:s8], [sflag:$0x4], $0x80, s2, s30, $0xb8;
	[tilespmem:$0x1FB00] =	vst v63  }
0x118: {  	_ = 	snop  }
0x119: {  	[spmem:s5] =	stream.indirect.scatter.add.f32 [tilespmem:s28], [sflag:$0x7], $0x1, s2, s30, $0xb8;
	[tilespmem:$0x1FB00] =	vst v63  }
0x11a: {  	_ =	swait.ge [sflag:s21], $0x3C00  }
0x11b: {  	[sflag:s21] =	ssyncset.done $0x0  }
0x11c: {  	[sflag:s21] =	ssyncadd.s32 $0xFFFFC400  }
0x11d: {  	p0 =	por $0x0, $0x0;
	_ =	swait.ge [sflag:s25], $0x78  }
0x11e: {  	s29 =	simm.s32 @!p0 $0x0;
	s23 =	sadd.s32 @!p0 $0x0, s10;
	[sflag:s25] =	ssyncset.done $0x0  }
0x11f: {  	s24 =	simm.s32 @!p0 $0x1F700;
	[sflag:s25] =	ssyncadd.s32 $0xFFFFFF88;
	s25 =	sadd.s32 @!p0 $0x180, s23  }
0x120: {  	[tilespmem:s24], [sflag:$0xA] =	stream.linear.gather @!p0 [hbm4b:s25+s29], $0x100, $0x38;
	[tilespmem:$0x1FB00] =	vst v63  }
0x121: {  	_ =	swait.ge [sflag:s7], $0x100  }
0x122: {  	[sflag:s7] =	ssyncset.done $0x0  }
0x123: {  	s22 =	simm.s32 $0x1FA00;
	[sflag:s7] =	ssyncadd.s32 $0xFFFFFF00  }
0x124: {  	[tilespmem:s14], [sflag:$0x3] =	stream.indirect.gather [hbm4b:s3+s30], $0x80, s22, s30, $0xb8;
	[tilespmem:$0x1FB00] =	vst v63  }
0x125: {  	_ =	swait.ge [sflag:s15], $0x3C00  }
0x126: {  	[sflag:s15] =	ssyncset.done $0x0  }
0x127: {  	[sflag:s15] =	ssyncadd.s32 $0xFFFFC400  }
0x128: {  	[spmem:s4] =	stream.indirect.scatter.add.f32 [tilespmem:s20], [sflag:$0x5], $0x80, s11, s30, $0xb8;
	[tilespmem:$0x1FB00] =	vst v63  }
0x129: {  	_ = 	snop  }
0x12a: {  	[spmem:s5] =	stream.indirect.scatter.add.f32 [tilespmem:s28], [sflag:$0x8], $0x1, s11, s30, $0xb8;
	[tilespmem:$0x1FB00] =	vst v63  }
0x12b: {  	_ =	swait.ge [sflag:s17], $0x3C00  }
0x12c: {  	[sflag:s17] =	ssyncset.done $0x0  }
0x12d: {  	[sflag:s17] =	ssyncadd.s32 $0xFFFFC400  }
0x12e: {  	_ =	swait.ge [sflag:s18], $0x78  }
0x12f: {  	[sflag:s18] =	ssyncset.done $0x0  }
0x130: {  	s23 =	sadd.s32 @!p0 $0x1A0, s23;
	s25 =	simm.s32 @!p0 $0x1F800;
	[sflag:s18] =	ssyncadd.s32 $0xFFFFFF88  }
0x131: {  	[tilespmem:s25], [sflag:$0xB] =	stream.linear.gather @!p0 [hbm4b:s23+s29], $0x100, $0x38;
	[tilespmem:$0x1FB00] =	vst v63  }
0x132: {  	s23 =	simm.s32 @!p0 $0xA  }
0x133: {  	_ =	swait.ge @!p0 [sflag:s23], $0x100  }
0x134: {  	s0 =	simm.s32 $0x3;
	[sflag:s23] =	ssyncset.done @!p0 $0x0  }
0x135: {  	s25 =	simm.s32 @!p0 $0x14300;
	[sflag:s23] =	ssyncadd.s32 @!p0 $0xFFFFFF00;
	s23 =	simm.s32 @!p0 $0x78  }
0x136: {  	[tilespmem:s25], [sflag:$0x1] =	stream.indirect.gather @!p0 [hbm4b:s3+s23], $0x80, s24, s23, $0xb8;
	[tilespmem:$0x1FB00] =	vst v63  }
0x137: {  	_ =	swait.ge [sflag:s0], $0x3C00  }
0x138: {  	p6 =	por $0x0, $0x0;
	s23 =	simm.s32 $0x180;
	[sflag:s0] =	ssyncset.done $0x0  }
0x139: {  	s24 =	simm.s32 $0x300;
	p0 =	por p6, p6;
	[sflag:s0] =	ssyncadd.s32 $0xFFFFC400  }
0x13a: {  	[spmem:s4] =	stream.indirect.scatter.add.f32 [tilespmem:s14], [sflag:$0x6], $0x80, s31, s30, $0xb8;
	[tilespmem:$0x1FB00] =	vst v63  }
.LBB2_4:
0x13b: {  	[spmem:s5] =	stream.indirect.scatter.add.f32 [tilespmem:s28], [sflag:$0x9], $0x1, s31, s30, $0xb8;
	[tilespmem:$0x1FB00] =	vst v63  }
0x13c: {  	s1 =	smov.u32 s24  }
0x13d: {  	s29 =	simm.s32 @!p0 $0x5;
	[dreg:$0xc] =	wrdreg s1  }
0x13e: {  	_ =	swait.ge @!p0 [sflag:s29], $0x3C00  }
0x13f: {  	[sflag:s29] =	ssyncset.done @!p0 $0x0  }
0x140: {  	s31 =	simm.s32 @!p0 $0x8;
	[sflag:s29] =	ssyncadd.s32 @!p0 $0xFFFFC400  }
0x141: {  	_ =	swait.ge @!p0 [sflag:s31], $0x78  }
0x142: {  	s19 =	simm.s32 $0x1F900;
	s29 =	sadd.s32 s23, s10;
	[sflag:s31] =	ssyncset.done @!p0 $0x0  }
0x143: {  	s10 =	simm.s32 $0x0;
	[sflag:s31] =	ssyncadd.s32 @!p0 $0xFFFFFF88;
	s31 =	sadd.s32 $0x40, s29  }
0x144: {  	[tilespmem:s19], [sflag:$0xC] =	stream.linear.gather [hbm4b:s31+s10], $0x100, $0x38;
	[tilespmem:$0x1FB00] =	vst v63  }
0x145: {  	_ =	swait.ge [sflag:s26], $0x100  }
0x146: {  	[sflag:s26] =	ssyncset.done $0x0  }
0x147: {  	s25 =	simm.s32 $0x1F800;
	[sflag:s26] =	ssyncadd.s32 $0xFFFFFF00  }
0x148: {  	[tilespmem:s20], [sflag:$0x2] =	stream.indirect.gather [hbm4b:s3+s30], $0x80, s25, s30, $0xb8;
	[tilespmem:$0x1FB00] =	vst v63  }
0x149: {  	_ =	swait.ge [sflag:s6], $0x3C00  }
0x14a: {  	[sflag:s6] =	ssyncset.done $0x0  }
0x14b: {  	s2 =	simm.s32 $0x14300;
	[sflag:s6] =	ssyncadd.s32 $0xFFFFC400;
	s6 =	simm.s32 $0x1F780  }
0x14c: {  	[spmem:s4] =	stream.indirect.scatter.add.f32 [tilespmem:s2], [sflag:$0x4], $0x80, s6, s30, $0xb8;
	[tilespmem:$0x1FB00] =	vst v63  }
0x14d: {  	s31 =	simm.s32 @!p0 $0x6  }
0x14e: {  	[spmem:s5] =	stream.indirect.scatter.add.f32 [tilespmem:s28], [sflag:$0x7], $0x1, s6, s30, $0xb8;
	[tilespmem:$0x1FB00] =	vst v63  }
0x14f: {  	_ =	swait.ge @!p0 [sflag:s31], $0x3C00  }
0x150: {  	[sflag:s31] =	ssyncset.done @!p0 $0x0  }
0x151: {  	[sflag:s31] =	ssyncadd.s32 @!p0 $0xFFFFC400;
	s31 =	simm.s32 @!p0 $0x9  }
0x152: {  	_ =	swait.ge @!p0 [sflag:s31], $0x78  }
0x153: {  	s8 =	rddreg [dreg:$0xa];
	[sflag:s31] =	ssyncset.done @!p0 $0x0  }
0x154: {  	s20 =	simm.s32 $0x1FA00;
	[sflag:s31] =	ssyncadd.s32 @!p0 $0xFFFFFF88;
	s8 =	sadd.s32 s23, s8  }
0x155: {  	[tilespmem:s20], [sflag:$0xD] =	stream.linear.gather [hbm4b:s8+s10], $0x100, $0x38;
	[tilespmem:$0x1FB00] =	vst v63  }
0x156: {  	_ =	swait.ge [sflag:s12], $0x100  }
0x157: {  	[sflag:s12] =	ssyncset.done $0x0  }
0x158: {  	[sflag:s12] =	ssyncadd.s32 $0xFFFFFF00  }
0x159: {  	[tilespmem:s14], [sflag:$0x3] =	stream.indirect.gather [hbm4b:s3+s30], $0x80, s19, s30, $0xb8;
	[tilespmem:$0x1FB00] =	vst v63  }
0x15a: {  	_ =	swait.ge [sflag:s15], $0x3C00  }
0x15b: {  	[sflag:s15] =	ssyncset.done $0x0  }
0x15c: {  	s11 =	simm.s32 $0x1F880;
	s31 =	simm.s32 $0x17F00;
	[sflag:s15] =	ssyncadd.s32 $0xFFFFC400  }
0x15d: {  	[spmem:s4] =	stream.indirect.scatter.add.f32 [tilespmem:s31], [sflag:$0x5], $0x80, s11, s30, $0xb8;
	[tilespmem:$0x1FB00] =	vst v63  }
0x15e: {  	_ = 	snop  }
0x15f: {  	[spmem:s5] =	stream.indirect.scatter.add.f32 [tilespmem:s28], [sflag:$0x8], $0x1, s11, s30, $0xb8;
	[tilespmem:$0x1FB00] =	vst v63  }
0x160: {  	_ =	swait.ge [sflag:s17], $0x3C00  }
0x161: {  	[sflag:s17] =	ssyncset.done $0x0  }
0x162: {  	[sflag:s17] =	ssyncadd.s32 $0xFFFFC400  }
0x163: {  	_ =	swait.ge [sflag:s18], $0x78  }
0x164: {  	s7 =	simm.s32 $0xD;
	p2 =	seq.s32 s1, $0x0;
	[sflag:s18] =	ssyncset.done $0x0  }
0x165: {  	s1 =	simm.s32 $0x1F700;
	s16 =	sadd.s32 $0x80, s29;
	[sflag:s18] =	ssyncadd.s32 $0xFFFFFF88  }
0x166: {  	[tilespmem:s1], [sflag:$0xA] =	stream.linear.gather [hbm4b:s16+s10], $0x100, $0x38;
	[tilespmem:$0x1FB00] =	vst v63  }
0x167: {  	_ =	swait.ge [sflag:s7], $0x100  }
0x168: {  	[sflag:s7] =	ssyncset.done $0x0  }
0x169: {  	[sflag:s7] =	ssyncadd.s32 $0xFFFFFF00  }
0x16a: {  	[tilespmem:s2], [sflag:$0x1] =	stream.indirect.gather [hbm4b:s3+s30], $0x80, s20, s30, $0xb8;
	[tilespmem:$0x1FB00] =	vst v63  }
0x16b: {  	_ =	swait.ge [sflag:s0], $0x3C00  }
0x16c: {  	[sflag:s0] =	ssyncset.done $0x0  }
0x16d: {  	s16 =	simm.s32 $0x1F980;
	[sflag:s0] =	ssyncadd.s32 $0xFFFFC400  }
0x16e: {  	[spmem:s4] =	stream.indirect.scatter.add.f32 [tilespmem:s14], [sflag:$0x6], $0x80, s16, s30, $0xb8;
	[tilespmem:$0x1FB00] =	vst v63  }
0x16f: {  	s0 =	simm.s32 $0x5  }
0x170: {  	[spmem:s5] =	stream.indirect.scatter.add.f32 [tilespmem:s28], [sflag:$0x9], $0x1, s16, s30, $0xb8;
	[tilespmem:$0x1FB00] =	vst v63  }
0x171: {  	_ =	swait.ge [sflag:s0], $0x3C00  }
0x172: {  	[sflag:s0] =	ssyncset.done $0x0  }
0x173: {  	s22 =	simm.s32 $0x8;
	[sflag:s0] =	ssyncadd.s32 $0xFFFFC400  }
0x174: {  	_ =	swait.ge [sflag:s22], $0x78  }
0x175: {  	[sflag:s22] =	ssyncset.done $0x0  }
0x176: {  	s17 =	sadd.s32 $0xA0, s29;
	s14 =	simm.s32 $0xA;
	[sflag:s22] =	ssyncadd.s32 $0xFFFFFF88  }
0x177: {  	[tilespmem:s25], [sflag:$0xB] =	stream.linear.gather [hbm4b:s17+s10], $0x100, $0x38;
	[tilespmem:$0x1FB00] =	vst v63  }
0x178: {  	_ =	swait.ge [sflag:s14], $0x100  }
0x179: {  	[sflag:s14] =	ssyncset.done $0x0  }
0x17a: {  	s9 =	simm.s32 $0x1;
	[sflag:s14] =	ssyncadd.s32 $0xFFFFFF00  }
0x17b: {  	[tilespmem:s31], [sflag:$0x2] =	stream.indirect.gather [hbm4b:s3+s30], $0x80, s1, s30, $0xb8;
	[tilespmem:$0x1FB00] =	vst v63  }
0x17c: {  	_ =	swait.ge [sflag:s9], $0x3C00  }
0x17d: {  	[sflag:s9] =	ssyncset.done $0x0  }
0x17e: {  	s18 =	simm.s32 $0x1FA80;
	[sflag:s9] =	ssyncadd.s32 $0xFFFFC400  }
0x17f: {  	[spmem:s4] =	stream.indirect.scatter.add.f32 [tilespmem:s2], [sflag:$0x4], $0x80, s18, s30, $0xb8;
	[tilespmem:$0x1FB00] =	vst v63  }
0x180: {  	s21 =	simm.s32 $0x1FA80  }
0x181: {  	[spmem:s5] =	stream.indirect.scatter.add.f32 [tilespmem:s28], [sflag:$0x7], $0x1, s21, s30, $0xb8;
	[tilespmem:$0x1FB00] =	vst v63  }
0x182: {  	s21 =	simm.s32 $0x6  }
0x183: {  	_ =	swait.ge [sflag:s21], $0x3C00  }
0x184: {  	[sflag:s21] =	ssyncset.done $0x0  }
0x185: {  	s28 =	simm.s32 $0x9;
	[sflag:s21] =	ssyncadd.s32 $0xFFFFC400  }
0x186: {  	_ =	swait.ge [sflag:s28], $0x78  }
0x187: {  	s8 =	rddreg [dreg:$0x9];
	[sflag:s28] =	ssyncset.done $0x0  }
0x188: {  	s12 =	simm.s32 $0xB;
	[sflag:s28] =	ssyncadd.s32 $0xFFFFFF88;
	s8 =	sadd.s32 s23, s8  }
0x189: {  	[tilespmem:s19], [sflag:$0xC] =	stream.linear.gather [hbm4b:s8+s10], $0x100, $0x38;
	[tilespmem:$0x1FB00] =	vst v63  }
0x18a: {  	_ =	swait.ge [sflag:s12], $0x100  }
0x18b: {  	[sflag:s12] =	ssyncset.done $0x0  }
0x18c: {  	s26 =	simm.s32 $0x1BB00;
	s17 =	simm.s32 $0x2;
	[sflag:s12] =	ssyncadd.s32 $0xFFFFFF00  }
0x18d: {  	[tilespmem:s26], [sflag:$0x3] =	stream.indirect.gather [hbm4b:s3+s30], $0x80, s25, s30, $0xb8;
	[tilespmem:$0x1FB00] =	vst v63  }
0x18e: {  	_ =	swait.ge [sflag:s17], $0x3C00  }
0x18f: {  	[sflag:s17] =	ssyncset.done $0x0  }
0x190: {  	[sflag:s17] =	ssyncadd.s32 $0xFFFFC400  }
0x191: {  	[spmem:s4] =	stream.indirect.scatter.add.f32 [tilespmem:s31], [sflag:$0x5], $0x80, s6, s30, $0xb8;
	[tilespmem:$0x1FB00] =	vst v63  }
0x192: {  	s15 =	simm.s32 $0x14280;
	s18 =	simm.s32 $0x4  }
0x193: {  	[spmem:s5] =	stream.indirect.scatter.add.f32 [tilespmem:s15], [sflag:$0x8], $0x1, s6, s30, $0xb8;
	[tilespmem:$0x1FB00] =	vst v63  }
0x194: {  	_ =	swait.ge [sflag:s18], $0x3C00  }
0x195: {  	[sflag:s18] =	ssyncset.done $0x0  }
0x196: {  	[sflag:s18] =	ssyncadd.s32 $0xFFFFC400;
	s18 =	simm.s32 $0x7  }
0x197: {  	_ =	swait.ge [sflag:s18], $0x78  }
0x198: {  	s8 =	rddreg [dreg:$0x8];
	[sflag:s18] =	ssyncset.done $0x0  }
0x199: {  	s12 =	simm.s32 $0xC;
	[sflag:s18] =	ssyncadd.s32 $0xFFFFFF88;
	s8 =	sadd.s32 s23, s8  }
0x19a: {  	[tilespmem:s20], [sflag:$0xD] =	stream.linear.gather [hbm4b:s8+s10], $0x100, $0x38;
	[tilespmem:$0x1FB00] =	vst v63  }
0x19b: {  	_ =	swait.ge [sflag:s12], $0x100  }
0x19c: {  	[sflag:s12] =	ssyncset.done $0x0  }
0x19d: {  	s13 =	simm.s32 $0x3;
	[sflag:s12] =	ssyncadd.s32 $0xFFFFFF00  }
0x19e: {  	[tilespmem:s2], [sflag:$0x1] =	stream.indirect.gather [hbm4b:s3+s30], $0x80, s19, s30, $0xb8;
	[tilespmem:$0x1FB00] =	vst v63  }
0x19f: {  	_ =	swait.ge [sflag:s13], $0x3C00  }
0x1a0: {  	[sflag:s13] =	ssyncset.done $0x0  }
0x1a1: {  	[sflag:s13] =	ssyncadd.s32 $0xFFFFC400  }
0x1a2: {  	[spmem:s4] =	stream.indirect.scatter.add.f32 [tilespmem:s26], [sflag:$0x6], $0x80, s11, s30, $0xb8;
	[tilespmem:$0x1FB00] =	vst v63  }
0x1a3: {  	_ = 	snop  }
0x1a4: {  	[spmem:s5] =	stream.indirect.scatter.add.f32 [tilespmem:s15], [sflag:$0x9], $0x1, s11, s30, $0xb8;
	[tilespmem:$0x1FB00] =	vst v63  }
0x1a5: {  	_ =	swait.ge [sflag:s0], $0x3C00  }
0x1a6: {  	[sflag:s0] =	ssyncset.done $0x0  }
0x1a7: {  	[sflag:s0] =	ssyncadd.s32 $0xFFFFC400  }
0x1a8: {  	_ =	swait.ge [sflag:s22], $0x78  }
0x1a9: {  	[sflag:s22] =	ssyncset.done $0x0  }
0x1aa: {  	s8 =	sadd.s32 $0x100, s29;
	[sflag:s22] =	ssyncadd.s32 $0xFFFFFF88  }
0x1ab: {  	[tilespmem:s1], [sflag:$0xA] =	stream.linear.gather [hbm4b:s8+s10], $0x100, $0x38;
	[tilespmem:$0x1FB00] =	vst v63  }
0x1ac: {  	_ =	swait.ge [sflag:s7], $0x100  }
0x1ad: {  	[sflag:s7] =	ssyncset.done $0x0  }
0x1ae: {  	[sflag:s7] =	ssyncadd.s32 $0xFFFFFF00  }
0x1af: {  	[tilespmem:s31], [sflag:$0x2] =	stream.indirect.gather [hbm4b:s3+s30], $0x80, s20, s30, $0xb8;
	[tilespmem:$0x1FB00] =	vst v63  }
0x1b0: {  	_ =	swait.ge [sflag:s9], $0x3C00  }
0x1b1: {  	[sflag:s9] =	ssyncset.done $0x0  }
0x1b2: {  	[sflag:s9] =	ssyncadd.s32 $0xFFFFC400  }
0x1b3: {  	[spmem:s4] =	stream.indirect.scatter.add.f32 [tilespmem:s2], [sflag:$0x4], $0x80, s16, s30, $0xb8;
	[tilespmem:$0x1FB00] =	vst v63  }
0x1b4: {  	_ = 	snop  }
0x1b5: {  	[spmem:s5] =	stream.indirect.scatter.add.f32 [tilespmem:s15], [sflag:$0x7], $0x1, s16, s30, $0xb8;
	[tilespmem:$0x1FB00] =	vst v63  }
0x1b6: {  	_ =	swait.ge [sflag:s21], $0x3C00  }
0x1b7: {  	[sflag:s21] =	ssyncset.done $0x0  }
0x1b8: {  	[sflag:s21] =	ssyncadd.s32 $0xFFFFC400  }
0x1b9: {  	_ =	swait.ge [sflag:s28], $0x78  }
0x1ba: {  	[sflag:s28] =	ssyncset.done $0x0  }
0x1bb: {  	s9 =	sadd.s32 $0x120, s29;
	[sflag:s28] =	ssyncadd.s32 $0xFFFFFF88  }
0x1bc: {  	[tilespmem:s25], [sflag:$0xB] =	stream.linear.gather [hbm4b:s9+s10], $0x100, $0x38;
	[tilespmem:$0x1FB00] =	vst v63  }
0x1bd: {  	_ =	swait.ge [sflag:s14], $0x100  }
0x1be: {  	[sflag:s14] =	ssyncset.done $0x0  }
0x1bf: {  	[sflag:s14] =	ssyncadd.s32 $0xFFFFFF00;
	s14 =	simm.s32 $0x1BB00  }
0x1c0: {  	[tilespmem:s14], [sflag:$0x3] =	stream.indirect.gather [hbm4b:s3+s30], $0x80, s1, s30, $0xb8;
	[tilespmem:$0x1FB00] =	vst v63  }
0x1c1: {  	_ =	swait.ge [sflag:s17], $0x3C00  }
0x1c2: {  	[sflag:s17] =	ssyncset.done $0x0  }
0x1c3: {  	s29 =	simm.s32 $0x1FA80;
	[sflag:s17] =	ssyncadd.s32 $0xFFFFC400  }
0x1c4: {  	[spmem:s4] =	stream.indirect.scatter.add.f32 [tilespmem:s31], [sflag:$0x5], $0x80, s29, s30, $0xb8;
	[tilespmem:$0x1FB00] =	vst v63  }
0x1c5: {  	s8 =	simm.s32 $0x1FA80;
	s17 =	simm.s32 $0x4  }
0x1c6: {  	[spmem:s5] =	stream.indirect.scatter.add.f32 [tilespmem:s15], [sflag:$0x8], $0x1, s8, s30, $0xb8;
	[tilespmem:$0x1FB00] =	vst v63  }
0x1c7: {  	_ =	swait.ge [sflag:s17], $0x3C00  }
0x1c8: {  	[sflag:s17] =	ssyncset.done $0x0  }
0x1c9: {  	[sflag:s17] =	ssyncadd.s32 $0xFFFFC400  }
0x1ca: {  	_ =	swait.ge [sflag:s18], $0x78  }
0x1cb: {  	s9 =	rddreg [dreg:$0x7];
	[sflag:s18] =	ssyncset.done $0x0  }
0x1cc: {  	s26 =	simm.s32 $0xB;
	[sflag:s18] =	ssyncadd.s32 $0xFFFFFF88;
	s8 =	sadd.s32 s23, s9  }
0x1cd: {  	[tilespmem:s19], [sflag:$0xC] =	stream.linear.gather [hbm4b:s8+s10], $0x100, $0x38;
	[tilespmem:$0x1FB00] =	vst v63  }
0x1ce: {  	_ =	swait.ge [sflag:s26], $0x100  }
0x1cf: {  	[sflag:s26] =	ssyncset.done $0x0  }
0x1d0: {  	[sflag:s26] =	ssyncadd.s32 $0xFFFFFF00  }
0x1d1: {  	[tilespmem:s2], [sflag:$0x1] =	stream.indirect.gather [hbm4b:s3+s30], $0x80, s25, s30, $0xb8;
	[tilespmem:$0x1FB00] =	vst v63  }
0x1d2: {  	_ =	swait.ge [sflag:s13], $0x3C00  }
0x1d3: {  	[sflag:s13] =	ssyncset.done $0x0  }
0x1d4: {  	[sflag:s13] =	ssyncadd.s32 $0xFFFFC400  }
0x1d5: {  	[spmem:s4] =	stream.indirect.scatter.add.f32 [tilespmem:s14], [sflag:$0x6], $0x80, s6, s30, $0xb8;
	[tilespmem:$0x1FB00] =	vst v63  }
0x1d6: {  	_ = 	snop  }
0x1d7: {  	[spmem:s5] =	stream.indirect.scatter.add.f32 [tilespmem:s15], [sflag:$0x9], $0x1, s6, s30, $0xb8;
	[tilespmem:$0x1FB00] =	vst v63  }
0x1d8: {  	_ =	swait.ge [sflag:s0], $0x3C00  }
0x1d9: {  	[sflag:s0] =	ssyncset.done $0x0  }
0x1da: {  	[sflag:s0] =	ssyncadd.s32 $0xFFFFC400  }
0x1db: {  	_ =	swait.ge [sflag:s22], $0x78  }
0x1dc: {  	s13 =	rddreg [dreg:$0x6];
	[sflag:s22] =	ssyncset.done $0x0  }
0x1dd: {  	[sflag:s22] =	ssyncadd.s32 $0xFFFFFF88;
	s8 =	sadd.s32 s23, s13  }
0x1de: {  	[tilespmem:s20], [sflag:$0xD] =	stream.linear.gather [hbm4b:s8+s10], $0x100, $0x38;
	[tilespmem:$0x1FB00] =	vst v63  }
0x1df: {  	_ =	swait.ge [sflag:s12], $0x100  }
0x1e0: {  	[sflag:s12] =	ssyncset.done $0x0  }
0x1e1: {  	s6 =	simm.s32 $0x1;
	[sflag:s12] =	ssyncadd.s32 $0xFFFFFF00  }
0x1e2: {  	[tilespmem:s31], [sflag:$0x2] =	stream.indirect.gather [hbm4b:s3+s30], $0x80, s19, s30, $0xb8;
	[tilespmem:$0x1FB00] =	vst v63  }
0x1e3: {  	_ =	swait.ge [sflag:s6], $0x3C00  }
0x1e4: {  	[sflag:s6] =	ssyncset.done $0x0  }
0x1e5: {  	[sflag:s6] =	ssyncadd.s32 $0xFFFFC400  }
0x1e6: {  	[spmem:s4] =	stream.indirect.scatter.add.f32 [tilespmem:s2], [sflag:$0x4], $0x80, s11, s30, $0xb8;
	[tilespmem:$0x1FB00] =	vst v63  }
0x1e7: {  	_ = 	snop  }
0x1e8: {  	[spmem:s5] =	stream.indirect.scatter.add.f32 [tilespmem:s15], [sflag:$0x7], $0x1, s11, s30, $0xb8;
	[tilespmem:$0x1FB00] =	vst v63  }
0x1e9: {  	_ =	swait.ge [sflag:s21], $0x3C00  }
0x1ea: {  	[sflag:s21] =	ssyncset.done $0x0  }
0x1eb: {  	[sflag:s21] =	ssyncadd.s32 $0xFFFFC400  }
0x1ec: {  	_ =	swait.ge [sflag:s28], $0x78  }
0x1ed: {  	p0 =	por p2, p2;
	p2 =	seq.s32 s23, $0x900;
	s0 =	rddreg [dreg:$0xb]  }
0x1ee: {  	s29 =	simm.s32 @!p2 $0x1F700;
	[sflag:s28] =	ssyncset.done $0x0;
	s8 =	sadd.s32 @!p2 s23, s0  }
0x1ef: {  	s31 =	simm.s32 @!p2 $0x0;
	[sflag:s28] =	ssyncadd.s32 $0xFFFFFF88;
	s23 =	sadd.s32 @!p2 $0x180, s8  }
0x1f0: {  	[tilespmem:s29], [sflag:$0xA] =	stream.linear.gather @!p2 [hbm4b:s23+s31], $0x100, $0x38;
	[tilespmem:$0x1FB00] =	vst v63  }
0x1f1: {  	_ =	swait.ge [sflag:s7], $0x100  }
0x1f2: {  	[sflag:s7] =	ssyncset.done $0x0  }
0x1f3: {  	s15 =	simm.s32 $0x2;
	[sflag:s7] =	ssyncadd.s32 $0xFFFFFF00  }
0x1f4: {  	[tilespmem:s14], [sflag:$0x3] =	stream.indirect.gather [hbm4b:s3+s30], $0x80, s20, s30, $0xb8;
	[tilespmem:$0x1FB00] =	vst v63  }
0x1f5: {  	s25 =	rddreg [dreg:$0xc];
	_ =	swait.ge [sflag:s15], $0x3C00  }
0x1f6: {  	[sflag:s15] =	ssyncset.done $0x0  }
0x1f7: {  	s20 =	simm.s32 $0x17F00;
	[sflag:s15] =	ssyncadd.s32 $0xFFFFC400  }
0x1f8: {  	[spmem:s4] =	stream.indirect.scatter.add.f32 [tilespmem:s20], [sflag:$0x5], $0x80, s16, s30, $0xb8;
	[tilespmem:$0x1FB00] =	vst v63  }
0x1f9: {  	s28 =	simm.s32 $0x14280  }
0x1fa: {  	[spmem:s5] =	stream.indirect.scatter.add.f32 [tilespmem:s28], [sflag:$0x8], $0x1, s16, s30, $0xb8;
	[tilespmem:$0x1FB00] =	vst v63  }
0x1fb: {  	_ =	swait.ge [sflag:s17], $0x3C00  }
0x1fc: {  	[sflag:s17] =	ssyncset.done $0x0  }
0x1fd: {  	[sflag:s17] =	ssyncadd.s32 $0xFFFFC400  }
0x1fe: {  	_ =	swait.ge [sflag:s18], $0x78  }
0x1ff: {  	s10 =	simm.s32 @!p2 $0xA;
	s8 =	sadd.s32 @!p2 $0x1A0, s8;
	[sflag:s18] =	ssyncset.done $0x0  }
0x200: {  	s23 =	smov.u32 s25;
	s25 =	simm.s32 @!p2 $0x1F800;
	[sflag:s18] =	ssyncadd.s32 $0xFFFFFF88  }
0x201: {  	[tilespmem:s25], [sflag:$0xB] =	stream.linear.gather @!p2 [hbm4b:s8+s31], $0x100, $0x38;
	[tilespmem:$0x1FB00] =	vst v63  }
0x202: {  	s24 =	sadd.s32 $0x180, s24;
	_ =	swait.ge @!p2 [sflag:s10], $0x100  }
0x203: {  	p1 =	sne.s32 s24, $0xA80;
	[sflag:s10] =	ssyncset.done @!p2 $0x0  }
0x204: {  	s8 =	simm.s32 @!p2 $0x78;
	[sflag:s10] =	ssyncadd.s32 @!p2 $0xFFFFFF00;
	s10 =	simm.s32 @!p2 $0x14300  }
0x205: {  	[tilespmem:s10], [sflag:$0x1] =	stream.indirect.gather @!p2 [hbm4b:s3+s8], $0x80, s29, s8, $0xb8;
	[tilespmem:$0x1FB00] =	vst v63  }
.Ltmp1:
0x206: {  	s0 =	simm.s32 $0x3;
	(pc) =	sbr.rel @p1 .LBB2_4-.Ltmp1, $4  }
0x207: {  	s10 =	rddreg [dreg:$0xb];
	_ =	swait.ge [sflag:s0], $0x3C00  }
0x208: {  	[sflag:s0] =	ssyncset.done $0x0  }
0x209: {  	s31 =	simm.s32 $0x1FA80;
	[sflag:s0] =	ssyncadd.s32 $0xFFFFC400  }
0x20a: {  	[spmem:s4] =	stream.indirect.scatter.add.f32 [tilespmem:s14], [sflag:$0x6], $0x80, s31, s30, $0xb8;
	[tilespmem:$0x1FB00] =	vst v63  }
0x20b: {  	[spmem:s5] =	stream.indirect.scatter.add.f32 [tilespmem:s28], [sflag:$0x9], $0x1, s31, s30, $0xb8;
	[tilespmem:$0x1FB00] =	vst v63  }
0x20c: {  	s8 =	simm.s32 @!p0 $0x5  }
0x20d: {  	_ =	swait.ge @!p0 [sflag:s8], $0x3C00  }
0x20e: {  	[sflag:s8] =	ssyncset.done @!p0 $0x0  }
0x20f: {  	[sflag:s8] =	ssyncadd.s32 @!p0 $0xFFFFC400;
	s8 =	simm.s32 @!p0 $0x8  }
0x210: {  	_ =	swait.ge @!p0 [sflag:s8], $0x78  }
0x211: {  	s24 =	sadd.s32 s23, s10;
	s1 =	simm.s32 $0x1F900;
	[sflag:s8] =	ssyncset.done @!p0 $0x0  }
0x212: {  	s9 =	simm.s32 $0x0;
	s29 =	sadd.s32 $0x40, s24;
	[sflag:s8] =	ssyncadd.s32 @!p0 $0xFFFFFF88  }
0x213: {  	[tilespmem:s1], [sflag:$0xC] =	stream.linear.gather [hbm4b:s29+s9], $0x100, $0x38;
	[tilespmem:$0x1FB00] =	vst v63  }
0x214: {  	_ =	swait.ge [sflag:s26], $0x100  }
0x215: {  	[sflag:s26] =	ssyncset.done $0x0  }
0x216: {  	s7 =	simm.s32 $0x1F800;
	[sflag:s26] =	ssyncadd.s32 $0xFFFFFF00  }
0x217: {  	[tilespmem:s20], [sflag:$0x2] =	stream.indirect.gather [hbm4b:s3+s30], $0x80, s7, s30, $0xb8;
	[tilespmem:$0x1FB00] =	vst v63  }
0x218: {  	_ =	swait.ge [sflag:s6], $0x3C00  }
0x219: {  	[sflag:s6] =	ssyncset.done $0x0  }
0x21a: {  	s16 =	simm.s32 $0x14300;
	s25 =	simm.s32 $0x1F780;
	[sflag:s6] =	ssyncadd.s32 $0xFFFFC400  }
0x21b: {  	[spmem:s4] =	stream.indirect.scatter.add.f32 [tilespmem:s16], [sflag:$0x4], $0x80, s25, s30, $0xb8;
	[tilespmem:$0x1FB00] =	vst v63  }
0x21c: {  	s8 =	simm.s32 @!p0 $0x6  }
0x21d: {  	[spmem:s5] =	stream.indirect.scatter.add.f32 [tilespmem:s28], [sflag:$0x7], $0x1, s25, s30, $0xb8;
	[tilespmem:$0x1FB00] =	vst v63  }
0x21e: {  	_ =	swait.ge @!p0 [sflag:s8], $0x3C00  }
0x21f: {  	[sflag:s8] =	ssyncset.done @!p0 $0x0  }
0x220: {  	[sflag:s8] =	ssyncadd.s32 @!p0 $0xFFFFC400;
	s8 =	simm.s32 @!p0 $0x9  }
0x221: {  	_ =	swait.ge @!p0 [sflag:s8], $0x78  }
0x222: {  	s6 =	rddreg [dreg:$0xa];
	[sflag:s8] =	ssyncset.done @!p0 $0x0  }
0x223: {  	s10 =	simm.s32 $0x1FA00;
	[sflag:s8] =	ssyncadd.s32 @!p0 $0xFFFFFF88;
	s7 =	sadd.s32 s23, s6  }
0x224: {  	[tilespmem:s10], [sflag:$0xD] =	stream.linear.gather [hbm4b:s7+s9], $0x100, $0x38;
	[tilespmem:$0x1FB00] =	vst v63  }
0x225: {  	_ =	swait.ge [sflag:s12], $0x100  }
0x226: {  	[sflag:s12] =	ssyncset.done $0x0  }
0x227: {  	s2 =	simm.s32 $0x1F900;
	[sflag:s12] =	ssyncadd.s32 $0xFFFFFF00  }
0x228: {  	[tilespmem:s14], [sflag:$0x3] =	stream.indirect.gather [hbm4b:s3+s30], $0x80, s2, s30, $0xb8;
	[tilespmem:$0x1FB00] =	vst v63  }
0x229: {  	_ =	swait.ge [sflag:s15], $0x3C00  }
0x22a: {  	[sflag:s15] =	ssyncset.done $0x0  }
0x22b: {  	s19 =	simm.s32 $0x1F880;
	[sflag:s15] =	ssyncadd.s32 $0xFFFFC400  }
0x22c: {  	[spmem:s4] =	stream.indirect.scatter.add.f32 [tilespmem:s20], [sflag:$0x5], $0x80, s19, s30, $0xb8;
	[tilespmem:$0x1FB00] =	vst v63  }
0x22d: {  	_ = 	snop  }
0x22e: {  	[spmem:s5] =	stream.indirect.scatter.add.f32 [tilespmem:s28], [sflag:$0x8], $0x1, s19, s30, $0xb8;
	[tilespmem:$0x1FB00] =	vst v63  }
0x22f: {  	_ =	swait.ge [sflag:s17], $0x3C00  }
0x230: {  	[sflag:s17] =	ssyncset.done $0x0  }
0x231: {  	[sflag:s17] =	ssyncadd.s32 $0xFFFFC400  }
0x232: {  	_ =	swait.ge [sflag:s18], $0x78  }
0x233: {  	s21 =	sadd.s32 $0x80, s24;
	[sflag:s18] =	ssyncset.done $0x0  }
0x234: {  	s6 =	simm.s32 $0x1F700;
	s7 =	simm.s32 $0xD;
	[sflag:s18] =	ssyncadd.s32 $0xFFFFFF88  }
0x235: {  	[tilespmem:s6], [sflag:$0xA] =	stream.linear.gather [hbm4b:s21+s9], $0x100, $0x38;
	[tilespmem:$0x1FB00] =	vst v63  }
0x236: {  	_ =	swait.ge [sflag:s7], $0x100  }
0x237: {  	[sflag:s7] =	ssyncset.done $0x0  }
0x238: {  	s13 =	simm.s32 $0x1FA00;
	[sflag:s7] =	ssyncadd.s32 $0xFFFFFF00  }
0x239: {  	[tilespmem:s16], [sflag:$0x1] =	stream.indirect.gather [hbm4b:s3+s30], $0x80, s13, s30, $0xb8;
	[tilespmem:$0x1FB00] =	vst v63  }
0x23a: {  	_ =	swait.ge [sflag:s0], $0x3C00  }
0x23b: {  	[sflag:s0] =	ssyncset.done $0x0  }
0x23c: {  	s22 =	simm.s32 $0x1F980;
	[sflag:s0] =	ssyncadd.s32 $0xFFFFC400  }
0x23d: {  	[spmem:s4] =	stream.indirect.scatter.add.f32 [tilespmem:s14], [sflag:$0x6], $0x80, s22, s30, $0xb8;
	[tilespmem:$0x1FB00] =	vst v63  }
0x23e: {  	s0 =	simm.s32 $0x5  }
0x23f: {  	[spmem:s5] =	stream.indirect.scatter.add.f32 [tilespmem:s28], [sflag:$0x9], $0x1, s22, s30, $0xb8;
	[tilespmem:$0x1FB00] =	vst v63  }
0x240: {  	_ =	swait.ge [sflag:s0], $0x3C00  }
0x241: {  	[sflag:s0] =	ssyncset.done $0x0  }
0x242: {  	s22 =	simm.s32 $0x8;
	[sflag:s0] =	ssyncadd.s32 $0xFFFFC400  }
0x243: {  	_ =	swait.ge [sflag:s22], $0x78  }
0x244: {  	s29 =	sadd.s32 $0xA0, s24;
	[sflag:s22] =	ssyncset.done $0x0  }
0x245: {  	s1 =	simm.s32 $0x1F800;
	s10 =	simm.s32 $0xA;
	[sflag:s22] =	ssyncadd.s32 $0xFFFFFF88  }
0x246: {  	[tilespmem:s1], [sflag:$0xB] =	stream.linear.gather [hbm4b:s29+s9], $0x100, $0x38;
	[tilespmem:$0x1FB00] =	vst v63  }
0x247: {  	_ =	swait.ge [sflag:s10], $0x100  }
0x248: {  	[sflag:s10] =	ssyncset.done $0x0  }
0x249: {  	s11 =	simm.s32 $0x1;
	[sflag:s10] =	ssyncadd.s32 $0xFFFFFF00  }
0x24a: {  	[tilespmem:s20], [sflag:$0x2] =	stream.indirect.gather [hbm4b:s3+s30], $0x80, s6, s30, $0xb8;
	[tilespmem:$0x1FB00] =	vst v63  }
0x24b: {  	_ =	swait.ge [sflag:s11], $0x3C00  }
0x24c: {  	[sflag:s11] =	ssyncset.done $0x0  }
0x24d: {  	[sflag:s11] =	ssyncadd.s32 $0xFFFFC400  }
0x24e: {  	[spmem:s4] =	stream.indirect.scatter.add.f32 [tilespmem:s16], [sflag:$0x4], $0x80, s31, s30, $0xb8;
	[tilespmem:$0x1FB00] =	vst v63  }
0x24f: {  	s21 =	simm.s32 $0x6  }
0x250: {  	[spmem:s5] =	stream.indirect.scatter.add.f32 [tilespmem:s28], [sflag:$0x7], $0x1, s31, s30, $0xb8;
	[tilespmem:$0x1FB00] =	vst v63  }
0x251: {  	_ =	swait.ge [sflag:s21], $0x3C00  }
0x252: {  	[sflag:s21] =	ssyncset.done $0x0  }
0x253: {  	s28 =	simm.s32 $0x9;
	[sflag:s21] =	ssyncadd.s32 $0xFFFFC400  }
0x254: {  	_ =	swait.ge [sflag:s28], $0x78  }
0x255: {  	s2 =	rddreg [dreg:$0x9];
	[sflag:s28] =	ssyncset.done $0x0  }
0x256: {  	[sflag:s28] =	ssyncadd.s32 $0xFFFFFF88;
	s8 =	sadd.s32 s23, s2;
	s2 =	simm.s32 $0x1F900  }
0x257: {  	[tilespmem:s2], [sflag:$0xC] =	stream.linear.gather [hbm4b:s8+s9], $0x100, $0x38;
	[tilespmem:$0x1FB00] =	vst v63  }
0x258: {  	_ =	swait.ge [sflag:s26], $0x100  }
0x259: {  	[sflag:s26] =	ssyncset.done $0x0  }
0x25a: {  	s17 =	simm.s32 $0x2;
	[sflag:s26] =	ssyncadd.s32 $0xFFFFFF00  }
0x25b: {  	[tilespmem:s14], [sflag:$0x3] =	stream.indirect.gather [hbm4b:s3+s30], $0x80, s1, s30, $0xb8;
	[tilespmem:$0x1FB00] =	vst v63  }
0x25c: {  	_ =	swait.ge [sflag:s17], $0x3C00  }
0x25d: {  	[sflag:s17] =	ssyncset.done $0x0  }
0x25e: {  	[sflag:s17] =	ssyncadd.s32 $0xFFFFC400  }
0x25f: {  	[spmem:s4] =	stream.indirect.scatter.add.f32 [tilespmem:s20], [sflag:$0x5], $0x80, s25, s30, $0xb8;
	[tilespmem:$0x1FB00] =	vst v63  }
0x260: {  	s15 =	simm.s32 $0x14280;
	s29 =	simm.s32 $0x4  }
0x261: {  	[spmem:s5] =	stream.indirect.scatter.add.f32 [tilespmem:s15], [sflag:$0x8], $0x1, s25, s30, $0xb8;
	[tilespmem:$0x1FB00] =	vst v63  }
0x262: {  	_ =	swait.ge [sflag:s29], $0x3C00  }
0x263: {  	[sflag:s29] =	ssyncset.done $0x0  }
0x264: {  	[sflag:s29] =	ssyncadd.s32 $0xFFFFC400  }
0x265: {  	_ =	swait.ge [sflag:s18], $0x78  }
0x266: {  	s1 =	rddreg [dreg:$0x8];
	[sflag:s18] =	ssyncset.done $0x0  }
0x267: {  	[sflag:s18] =	ssyncadd.s32 $0xFFFFFF88;
	s8 =	sadd.s32 s23, s1;
	s1 =	simm.s32 $0x1FA00  }
0x268: {  	[tilespmem:s1], [sflag:$0xD] =	stream.linear.gather [hbm4b:s8+s9], $0x100, $0x38;
	[tilespmem:$0x1FB00] =	vst v63  }
0x269: {  	_ =	swait.ge [sflag:s12], $0x100  }
0x26a: {  	[sflag:s12] =	ssyncset.done $0x0  }
0x26b: {  	s13 =	simm.s32 $0x3;
	[sflag:s12] =	ssyncadd.s32 $0xFFFFFF00  }
0x26c: {  	[tilespmem:s16], [sflag:$0x1] =	stream.indirect.gather [hbm4b:s3+s30], $0x80, s2, s30, $0xb8;
	[tilespmem:$0x1FB00] =	vst v63  }
0x26d: {  	_ =	swait.ge [sflag:s13], $0x3C00  }
0x26e: {  	[sflag:s13] =	ssyncset.done $0x0  }
0x26f: {  	[sflag:s13] =	ssyncadd.s32 $0xFFFFC400  }
0x270: {  	[spmem:s4] =	stream.indirect.scatter.add.f32 [tilespmem:s14], [sflag:$0x6], $0x80, s19, s30, $0xb8;
	[tilespmem:$0x1FB00] =	vst v63  }
0x271: {  	_ = 	snop  }
0x272: {  	[spmem:s5] =	stream.indirect.scatter.add.f32 [tilespmem:s15], [sflag:$0x9], $0x1, s19, s30, $0xb8;
	[tilespmem:$0x1FB00] =	vst v63  }
0x273: {  	_ =	swait.ge [sflag:s0], $0x3C00  }
0x274: {  	[sflag:s0] =	ssyncset.done $0x0  }
0x275: {  	[sflag:s0] =	ssyncadd.s32 $0xFFFFC400  }
0x276: {  	_ =	swait.ge [sflag:s22], $0x78  }
0x277: {  	[sflag:s22] =	ssyncset.done $0x0  }
0x278: {  	s2 =	sadd.s32 $0x100, s24;
	[sflag:s22] =	ssyncadd.s32 $0xFFFFFF88  }
0x279: {  	[tilespmem:s6], [sflag:$0xA] =	stream.linear.gather [hbm4b:s2+s9], $0x100, $0x38;
	[tilespmem:$0x1FB00] =	vst v63  }
0x27a: {  	_ =	swait.ge [sflag:s7], $0x100  }
0x27b: {  	[sflag:s7] =	ssyncset.done $0x0  }
0x27c: {  	[sflag:s7] =	ssyncadd.s32 $0xFFFFFF00  }
0x27d: {  	[tilespmem:s20], [sflag:$0x2] =	stream.indirect.gather [hbm4b:s3+s30], $0x80, s1, s30, $0xb8;
	[tilespmem:$0x1FB00] =	vst v63  }
0x27e: {  	_ =	swait.ge [sflag:s11], $0x3C00  }
0x27f: {  	[sflag:s11] =	ssyncset.done $0x0  }
0x280: {  	[sflag:s11] =	ssyncadd.s32 $0xFFFFC400;
	s11 =	simm.s32 $0x1F980  }
0x281: {  	[spmem:s4] =	stream.indirect.scatter.add.f32 [tilespmem:s16], [sflag:$0x4], $0x80, s11, s30, $0xb8;
	[tilespmem:$0x1FB00] =	vst v63  }
0x282: {  	_ = 	snop  }
0x283: {  	[spmem:s5] =	stream.indirect.scatter.add.f32 [tilespmem:s15], [sflag:$0x7], $0x1, s11, s30, $0xb8;
	[tilespmem:$0x1FB00] =	vst v63  }
0x284: {  	_ =	swait.ge [sflag:s21], $0x3C00  }
0x285: {  	[sflag:s21] =	ssyncset.done $0x0  }
0x286: {  	[sflag:s21] =	ssyncadd.s32 $0xFFFFC400  }
0x287: {  	_ =	swait.ge [sflag:s28], $0x78  }
0x288: {  	[sflag:s28] =	ssyncset.done $0x0  }
0x289: {  	s1 =	sadd.s32 $0x120, s24;
	s11 =	simm.s32 $0x1F800;
	[sflag:s28] =	ssyncadd.s32 $0xFFFFFF88  }
0x28a: {  	[tilespmem:s11], [sflag:$0xB] =	stream.linear.gather [hbm4b:s1+s9], $0x100, $0x38;
	[tilespmem:$0x1FB00] =	vst v63  }
0x28b: {  	_ =	swait.ge [sflag:s10], $0x100  }
0x28c: {  	[sflag:s10] =	ssyncset.done $0x0  }
0x28d: {  	[sflag:s10] =	ssyncadd.s32 $0xFFFFFF00  }
0x28e: {  	[tilespmem:s14], [sflag:$0x3] =	stream.indirect.gather [hbm4b:s3+s30], $0x80, s6, s30, $0xb8;
	[tilespmem:$0x1FB00] =	vst v63  }
0x28f: {  	_ =	swait.ge [sflag:s17], $0x3C00  }
0x290: {  	[sflag:s17] =	ssyncset.done $0x0  }
0x291: {  	[sflag:s17] =	ssyncadd.s32 $0xFFFFC400  }
0x292: {  	[spmem:s4] =	stream.indirect.scatter.add.f32 [tilespmem:s20], [sflag:$0x5], $0x80, s31, s30, $0xb8;
	[tilespmem:$0x1FB00] =	vst v63  }
0x293: {  	_ = 	snop  }
0x294: {  	[spmem:s5] =	stream.indirect.scatter.add.f32 [tilespmem:s15], [sflag:$0x8], $0x1, s31, s30, $0xb8;
	[tilespmem:$0x1FB00] =	vst v63  }
0x295: {  	_ =	swait.ge [sflag:s29], $0x3C00  }
0x296: {  	[sflag:s29] =	ssyncset.done $0x0  }
0x297: {  	[sflag:s29] =	ssyncadd.s32 $0xFFFFC400  }
0x298: {  	_ =	swait.ge [sflag:s18], $0x78  }
0x299: {  	s24 =	rddreg [dreg:$0x7];
	[sflag:s18] =	ssyncset.done $0x0  }
0x29a: {  	s29 =	simm.s32 $0x1F900;
	[sflag:s18] =	ssyncadd.s32 $0xFFFFFF88;
	s8 =	sadd.s32 s23, s24  }
0x29b: {  	[tilespmem:s29], [sflag:$0xC] =	stream.linear.gather [hbm4b:s8+s9], $0x100, $0x38;
	[tilespmem:$0x1FB00] =	vst v63  }
0x29c: {  	_ =	swait.ge [sflag:s26], $0x100  }
0x29d: {  	[sflag:s26] =	ssyncset.done $0x0  }
0x29e: {  	[sflag:s26] =	ssyncadd.s32 $0xFFFFFF00  }
0x29f: {  	[tilespmem:s16], [sflag:$0x1] =	stream.indirect.gather [hbm4b:s3+s30], $0x80, s11, s30, $0xb8;
	[tilespmem:$0x1FB00] =	vst v63  }
0x2a0: {  	_ =	swait.ge [sflag:s13], $0x3C00  }
0x2a1: {  	[sflag:s13] =	ssyncset.done $0x0  }
0x2a2: {  	[sflag:s13] =	ssyncadd.s32 $0xFFFFC400  }
0x2a3: {  	[spmem:s4] =	stream.indirect.scatter.add.f32 [tilespmem:s14], [sflag:$0x6], $0x80, s25, s30, $0xb8;
	[tilespmem:$0x1FB00] =	vst v63  }
0x2a4: {  	_ = 	snop  }
0x2a5: {  	[spmem:s5] =	stream.indirect.scatter.add.f32 [tilespmem:s15], [sflag:$0x9], $0x1, s25, s30, $0xb8;
	[tilespmem:$0x1FB00] =	vst v63  }
0x2a6: {  	_ =	swait.ge [sflag:s0], $0x3C00  }
0x2a7: {  	[sflag:s0] =	ssyncset.done $0x0  }
0x2a8: {  	[sflag:s0] =	ssyncadd.s32 $0xFFFFC400  }
0x2a9: {  	_ =	swait.ge [sflag:s22], $0x78  }
0x2aa: {  	s11 =	rddreg [dreg:$0x6];
	[sflag:s22] =	ssyncset.done $0x0  }
0x2ab: {  	s13 =	simm.s32 $0x1FA00;
	[sflag:s22] =	ssyncadd.s32 $0xFFFFFF88;
	s8 =	sadd.s32 s23, s11  }
0x2ac: {  	[tilespmem:s13], [sflag:$0xD] =	stream.linear.gather [hbm4b:s8+s9], $0x100, $0x38;
	[tilespmem:$0x1FB00] =	vst v63  }
0x2ad: {  	_ =	swait.ge [sflag:s12], $0x100  }
0x2ae: {  	[sflag:s12] =	ssyncset.done $0x0  }
0x2af: {  	s6 =	simm.s32 $0x1;
	[sflag:s12] =	ssyncadd.s32 $0xFFFFFF00  }
0x2b0: {  	[tilespmem:s20], [sflag:$0x2] =	stream.indirect.gather [hbm4b:s3+s30], $0x80, s29, s30, $0xb8;
	[tilespmem:$0x1FB00] =	vst v63  }
0x2b1: {  	_ =	swait.ge [sflag:s6], $0x3C00  }
0x2b2: {  	[sflag:s6] =	ssyncset.done $0x0  }
0x2b3: {  	[sflag:s6] =	ssyncadd.s32 $0xFFFFC400  }
0x2b4: {  	[spmem:s4] =	stream.indirect.scatter.add.f32 [tilespmem:s16], [sflag:$0x4], $0x80, s19, s30, $0xb8;
	[tilespmem:$0x1FB00] =	vst v63  }
0x2b5: {  	_ = 	snop  }
0x2b6: {  	[spmem:s5] =	stream.indirect.scatter.add.f32 [tilespmem:s15], [sflag:$0x7], $0x1, s19, s30, $0xb8;
	[tilespmem:$0x1FB00] =	vst v63  }
0x2b7: {  	_ =	swait.ge [sflag:s21], $0x3C00  }
0x2b8: {  	[sflag:s21] =	ssyncset.done $0x0  }
0x2b9: {  	[sflag:s21] =	ssyncadd.s32 $0xFFFFC400  }
0x2ba: {  	_ =	swait.ge [sflag:s28], $0x78  }
0x2bb: {  	p0 =	seq.s32 s23, $0x900;
	s1 =	rddreg [dreg:$0xb]  }
0x2bc: {  	s10 =	simm.s32 @!p0 $0x1F700;
	[sflag:s28] =	ssyncset.done $0x0;
	s8 =	sadd.s32 @!p0 s23, s1  }
0x2bd: {  	s24 =	simm.s32 @!p0 $0x0;
	[sflag:s28] =	ssyncadd.s32 $0xFFFFFF88;
	s23 =	sadd.s32 @!p0 $0x180, s8  }
0x2be: {  	[tilespmem:s10], [sflag:$0xA] =	stream.linear.gather @!p0 [hbm4b:s23+s24], $0x100, $0x38;
	[tilespmem:$0x1FB00] =	vst v63  }
0x2bf: {  	_ =	swait.ge [sflag:s7], $0x100  }
0x2c0: {  	[sflag:s7] =	ssyncset.done $0x0  }
0x2c1: {  	[sflag:s7] =	ssyncadd.s32 $0xFFFFFF00  }
0x2c2: {  	[tilespmem:s14], [sflag:$0x3] =	stream.indirect.gather [hbm4b:s3+s30], $0x80, s13, s30, $0xb8;
	[tilespmem:$0x1FB00] =	vst v63  }
0x2c3: {  	_ =	swait.ge [sflag:s17], $0x3C00  }
0x2c4: {  	[sflag:s17] =	ssyncset.done $0x0  }
0x2c5: {  	s2 =	simm.s32 $0x1F980;
	[sflag:s17] =	ssyncadd.s32 $0xFFFFC400  }
0x2c6: {  	[spmem:s4] =	stream.indirect.scatter.add.f32 [tilespmem:s20], [sflag:$0x5], $0x80, s2, s30, $0xb8;
	[tilespmem:$0x1FB00] =	vst v63  }
0x2c7: {  	s17 =	simm.s32 $0x4  }
0x2c8: {  	[spmem:s5] =	stream.indirect.scatter.add.f32 [tilespmem:s15], [sflag:$0x8], $0x1, s2, s30, $0xb8;
	[tilespmem:$0x1FB00] =	vst v63  }
0x2c9: {  	_ =	swait.ge [sflag:s17], $0x3C00  }
0x2ca: {  	[sflag:s17] =	ssyncset.done $0x0  }
0x2cb: {  	[sflag:s17] =	ssyncadd.s32 $0xFFFFC400  }
0x2cc: {  	_ =	swait.ge [sflag:s18], $0x78  }
0x2cd: {  	[sflag:s18] =	ssyncset.done $0x0  }
0x2ce: {  	s8 =	sadd.s32 @!p0 $0x1A0, s8;
	s23 =	simm.s32 @!p0 $0x1F800;
	[sflag:s18] =	ssyncadd.s32 $0xFFFFFF88  }
0x2cf: {  	[tilespmem:s23], [sflag:$0xB] =	stream.linear.gather @!p0 [hbm4b:s8+s24], $0x100, $0x38;
	[tilespmem:$0x1FB00] =	vst v63  }
0x2d0: {  	s8 =	simm.s32 @!p0 $0xA  }
0x2d1: {  	_ =	swait.ge @!p0 [sflag:s8], $0x100  }
0x2d2: {  	s1 =	simm.s32 $0x3;
	[sflag:s8] =	ssyncset.done @!p0 $0x0  }
0x2d3: {  	s23 =	simm.s32 @!p0 $0x14300;
	[sflag:s8] =	ssyncadd.s32 @!p0 $0xFFFFFF00;
	s8 =	simm.s32 @!p0 $0x78  }
0x2d4: {  	[tilespmem:s23], [sflag:$0x1] =	stream.indirect.gather @!p0 [hbm4b:s3+s8], $0x80, s10, s8, $0xb8;
	[tilespmem:$0x1FB00] =	vst v63  }
0x2d5: {  	_ =	swait.ge [sflag:s1], $0x3C00  }
0x2d6: {  	[sflag:s1] =	ssyncset.done $0x0  }
0x2d7: {  	[sflag:s1] =	ssyncadd.s32 $0xFFFFC400  }
0x2d8: {  	[spmem:s4] =	stream.indirect.scatter.add.f32 [tilespmem:s14], [sflag:$0x6], $0x80, s31, s30, $0xb8;
	[tilespmem:$0x1FB00] =	vst v63  }
0x2d9: {  	_ = 	snop  }
0x2da: {  	[spmem:s5] =	stream.indirect.scatter.add.f32 [tilespmem:s15], [sflag:$0x9], $0x1, s31, s30, $0xb8;
	[tilespmem:$0x1FB00] =	vst v63  }
0x2db: {  	_ =	swait.ge [sflag:s0], $0x3C00  }
0x2dc: {  	[sflag:s0] =	ssyncset.done $0x0  }
0x2dd: {  	[sflag:s0] =	ssyncadd.s32 $0xFFFFC400  }
0x2de: {  	_ =	swait.ge [sflag:s22], $0x78  }
0x2df: {  	[sflag:s22] =	ssyncset.done $0x0  }
0x2e0: {  	[sflag:s22] =	ssyncadd.s32 $0xFFFFFF88  }
0x2e1: {  	_ =	swait.ge [sflag:s21], $0x3C00  }
0x2e2: {  	[sflag:s21] =	ssyncset.done $0x0  }
0x2e3: {  	[sflag:s21] =	ssyncadd.s32 $0xFFFFC400  }
0x2e4: {  	_ =	swait.ge [sflag:s28], $0x78  }
0x2e5: {  	[sflag:s28] =	ssyncset.done $0x0  }
0x2e6: {  	[sflag:s28] =	ssyncadd.s32 $0xFFFFFF88  }
0x2e7: {  	s14 =	stileid.u32;
	[bflag:$0x0] =	sbarrier.arrive $0xFFFF  }
0x2e8: {  	s19 =	simm.s32 $0xE;
	s8 =	sshll.u32 s14, $0x6;
	s31 =	rddreg [dreg:$0x12]  }
0x2e9: {  	s8 =	sor.u32 $0x1C0E, s8;
	s16 =	rddreg [dreg:$0x11];
	s15 =	sshrl.u32 s31, $0x3  }
0x2ea: {  	[hbm:s16], [sflag:s8] =	dma.local [spmem:s15], $0x2800  }
0x2eb: {  	s25 =	simm.s32 $0x10;
	_ =	swait.ge [sflag:s19], $0x2800  }
0x2ec: {  	s24 =	simm.s32 $0x20;
	[sflag:s19] =	ssyncset.done $0x0;
	s21 =	rddreg [dreg:$0x14]  }
0x2ed: {  	s22 =	rddreg [dreg:$0x13];
	[sflag:s19] =	ssyncadd.s32 $0xFFFFD800;
	s10 =	sshrl.u32 s21, $0x3  }
0x2ee: {  	[hbm:s22@s24], [sflag:s8] =	dma.strided [spmem:s10@s25], $0x50, s6, $0x10   }
0x2ef: {  	_ =	swait.ge [sflag:s19], $0x50  }
0x2f0: {  	s28 =	rddreg [dreg:$0x1e]  }
0x2f1: {  	s29 =	rddreg [dreg:$0x15];
	s20 =	sadd.s32 $0x1, s28  }
0x2f2: {  	p0 =	sne.s32 s20, s29  }
.Ltmp2:
0x2f3: {  	_ = 	snop;
	(pc) =	sbr.rel @p0 .LBB2_1-.Ltmp2, $3  }
0x2f4: {  	_ =	sdelay $0x1  }
0x2f5: {  	s11 =	simm.s32 $0x14300;
	s0 =	simm.s32 $0x0;
	[sflag:s19] =	ssyncset.done $0x0  }
0x2f6: {  	s16 =	simm.s32 $0x1F800;
	s10 =	simm.s32 $0x1F700;
	[sflag:s19] =	ssyncadd.s32 $0xFFFFFFB0  }
0x2f7: {  	_ =	sfence.sel $0x180000  }
0x2f8: {  	[bflag:$0x0] =	sbarrier.arrive $0xFFFF  }
0x2f9: {  	_ =	strace $0x90000047  }
0x2fa: {  	s0 =	stileid.u32;
	[bflag:$0x2] =	sbarrier.arrive $0xFFFF  }
0x2fb: {  	p0 =	sne.s32 s0, $0x0;
	s0 =	rddreg [dreg:$0x5]  }
0x2fc: {  	s0 =	sadd.s32 @!p0 $0x100000, s0  }
0x2fd: {  	[sflag:s0] =	ssyncadd.tile.s32 @!p0 $0x1;
	_ =	shalt  }
.Lfunc_end2:
_tile_overlayer_lowered:
.L_overlay_start_2:
0x2fe: {  	(tag) =	ssettag $0x2  }
0x2ff: {  	s0 =	rddreg [dreg:$0x0];
	s2 =	stileid.u32  }
0x300: {  	s1 =	rddreg [dreg:$0x1];
	p0 =	sne.s32 s2, $0x0  }
0x301: {  	s3 =	rddreg [dreg:$0x2];
	[bflag:$0x3] =	sbarrier.arrive $0xFFFF;
	s2 =	simm.s32 @!p0 $0x1C0E  }
0x302: {  	[timem:s3], [sflag:s2] =	dma.local @!p0 [hbm:s0], s1  }
0x303: {  	s0 =	simm.s32 @!p0 $0xE  }
0x304: {  	_ =	swait.ge @!p0 [sflag:s0], s1  }
0x305: {  	s1 =	ssub.s32 @!p0 $0x0, s1;
	[sflag:s0] =	ssyncset.done @!p0 $0x0  }
0x306: {  	[sflag:s0] =	ssyncadd.s32 @!p0 s1  }
0x307: {  	[bflag:$0x3] =	sbarrier.arrive $0xFFFF  }
0x308: {  	_ =	shalt  }

</sc_bundles>
